<compile_context>
chip_gen: v7x
topology: tpu7x:2x2x1
jax: 0.10.2.dev20260603
libtpu: 0.0.44.dev20260713+nightly
codegen_flags: <defaults>
</compile_context>

<pallas_src>
import functools

import jax
import jax.numpy as jnp
from jax import lax
from jax.experimental import pallas as pl
from jax.experimental.pallas import tpu as pltpu
from jax.experimental.pallas import tpu_sc as plsc

N_NODES = 10000
N_EDGES = 320000
D = 128
DW = 16

NC = 1
NS = 16
NW = NC * NS

CHUNK = 100
NCHUNK = 200
NBUF = 2
LAG = 1
IG = 5
NIG = NCHUNK // IG
SG = 10
NSG = NCHUNK // SG

ZROWS = N_NODES // NS

BLK = 1000


def _sc_agg_body(x_hbm, src_hbm, dst_hbm, zeros_hbm, zerosd_hbm, ones_hbm,
                 out_hbm, outd_hbm, src_idx, dst_idx, rows, ones_v, acc,
                 accd, *sems):
    gsem = sems[0:NBUF]
    ssem = sems[NBUF:2 * NBUF]
    isem = sems[2 * NBUF:2 * NBUF + 2]
    jsem = sems[2 * NBUF + 2:2 * NBUF + 4]
    sid = lax.axis_index("s")
    wid = sid * NC + lax.axis_index("c")

    pltpu.sync_copy(zeros_hbm, acc.at[pl.ds(sid * ZROWS, ZROWS)])
    pltpu.sync_copy(zerosd_hbm, accd.at[pl.ds(sid * ZROWS, ZROWS)])
    pltpu.sync_copy(ones_hbm, ones_v)

    def fetch_idx(gi, b):
        pltpu.async_copy(src_hbm.at[wid * NIG + gi], src_idx.at[b], isem[b])
        pltpu.async_copy(dst_hbm.at[wid * NIG + gi], dst_idx.at[b], jsem[b])

    def wait_idx(gi, b):
        pltpu.make_async_copy(src_hbm.at[wid * NIG + gi], src_idx.at[b],
                              isem[b]).wait()
        pltpu.make_async_copy(dst_hbm.at[wid * NIG + gi], dst_idx.at[b],
                              jsem[b]).wait()

    def start_gather(bi, slot, rb):
        pltpu.async_copy(x_hbm.at[src_idx.at[bi, slot]], rows.at[rb],
                         gsem[rb])

    def wait_gather(bi, slot, rb):
        pltpu.make_async_copy(x_hbm.at[src_idx.at[bi, slot]], rows.at[rb],
                              gsem[rb]).wait()

    def start_scatter(bi, slot, rb):
        pltpu.async_copy(rows.at[rb], acc.at[dst_idx.at[bi, slot]], ssem[rb],
                         add=True)
        pltpu.async_copy(ones_v, accd.at[dst_idx.at[bi, slot]], ssem[rb],
                         add=True)

    def wait_scatter(bi, slot, rb):
        pltpu.make_async_copy(rows.at[rb], acc.at[dst_idx.at[bi, slot]],
                              ssem[rb]).wait()
        pltpu.make_async_copy(ones_v, accd.at[dst_idx.at[bi, slot]],
                              ssem[rb]).wait()

    def pos(t):
        tm = t % SG
        return (tm // IG) % 2, tm % IG, t % NBUF

    def emit(t, gi_dyn, first_window):
        bi, slot, rb = pos(t)
        if t % IG == 0 and not (first_window and t == 0):
            wait_idx(gi_dyn, bi)
        if not (first_window and t < NBUF):
            wait_scatter(bi, slot, rb)
        start_gather(bi, slot, rb)
        if not (first_window and t < LAG):
            pbi, pslot, prb = pos((t - LAG) % SG)
            wait_gather(pbi, pslot, prb)
            start_scatter(pbi, pslot, prb)
        if t % IG == NBUF - 1:
            tgt = gi_dyn + 1
            if first_window and t < IG:
                tgt = None
            if tgt is not None:
                fetch_idx(jnp.minimum(tgt, NIG - 1), (t // IG + 1) % 2)

    fetch_idx(0, 0)
    wait_idx(0, 0)
    fetch_idx(1, 1)
    plsc.subcore_barrier()
    for t in range(SG):
        emit(t, t // IG, True)

    def sg_body(sg, carry):
        g0 = sg * (SG // IG)
        for t in range(SG):
            emit(t, g0 + t // IG, False)
        return carry

    lax.fori_loop(1, NSG, sg_body, 0)

    for c in range(NCHUNK - LAG, NCHUNK):
        bi, slot, rb = pos(c % SG)
        wait_gather(bi, slot, rb)
        start_scatter(bi, slot, rb)
    for c in range(NCHUNK - NBUF, NCHUNK):
        bi, slot, rb = pos(c % SG)
        wait_scatter(bi, slot, rb)
    wait_idx(NIG - 1, 0)

    plsc.subcore_barrier()

    r0 = sid * ZROWS
    pltpu.sync_copy(acc.at[pl.ds(r0, ZROWS)], out_hbm.at[pl.ds(r0, ZROWS)])
    pltpu.sync_copy(accd.at[pl.ds(r0, ZROWS)], outd_hbm.at[pl.ds(r0, ZROWS)])


_sc_agg = functools.partial(
    pl.kernel,
    out_type=(jax.ShapeDtypeStruct((N_NODES, D), jnp.float32),
              jax.ShapeDtypeStruct((N_NODES, DW), jnp.float32)),
    mesh=plsc.VectorSubcoreMesh(core_axis_name="c", subcore_axis_name="s",
                                num_cores=NC),
    scratch_types=[
        pltpu.VMEM((2, IG, CHUNK), jnp.int32),
        pltpu.VMEM((2, IG, CHUNK), jnp.int32),
        pltpu.VMEM((NBUF, CHUNK, D), jnp.float32),
        pltpu.VMEM((CHUNK, DW), jnp.float32),
        pltpu.VMEM_SHARED((N_NODES, D), jnp.float32),
        pltpu.VMEM_SHARED((N_NODES, DW), jnp.float32),
    ] + [pltpu.SemaphoreType.DMA] * (2 * NBUF + 4),
    compiler_params=pltpu.CompilerParams(use_tc_tiling_on_sc=False),
)(_sc_agg_body)


def _dot_t(a, w):
    return lax.dot_general(a, w, (((1,), (1,)), ((), ())),
                           preferred_element_type=jnp.float32)


def _tc_body(p0, pd, xr, w1, b1r, w2, b2r, ws, bsr, o):
    deg = pd[:, 0:1]
    neigh = p0[...] * (1.0 / jnp.maximum(deg, 1.0))
    h = jnp.maximum(_dot_t(neigh, w1[...]) + b1r[...], 0.0)
    h = _dot_t(h, w2[...]) + b2r[...]
    o[...] = h + _dot_t(xr[...], ws[...]) + bsr[...]


def _tc_mlp(partial, partial_deg, x, W1, b1r, W2, b2r, Wself, bsr):
    nblk = N_NODES // BLK
    return pl.pallas_call(
        _tc_body,
        grid=(nblk,),
        in_specs=[
            pl.BlockSpec((BLK, D), lambda i: (i, 0)),
            pl.BlockSpec((BLK, DW), lambda i: (i, 0)),
            pl.BlockSpec((BLK, D), lambda i: (i, 0)),
            pl.BlockSpec((D, D), lambda i: (0, 0)),
            pl.BlockSpec((1, D), lambda i: (0, 0)),
            pl.BlockSpec((D, D), lambda i: (0, 0)),
            pl.BlockSpec((1, D), lambda i: (0, 0)),
            pl.BlockSpec((D, D), lambda i: (0, 0)),
            pl.BlockSpec((1, D), lambda i: (0, 0)),
        ],
        out_specs=pl.BlockSpec((BLK, D), lambda i: (i, 0)),
        out_shape=jax.ShapeDtypeStruct((N_NODES, D), jnp.float32),
    )(partial, partial_deg, x, W1, b1r, W2, b2r, Wself, bsr)


def kernel(x, edge_index, W1, b1, W2, b2, Wself, bself):
    src_p = edge_index[0].astype(jnp.int32).reshape(NW * NIG, IG, CHUNK)
    dst_p = edge_index[1].astype(jnp.int32).reshape(NW * NIG, IG, CHUNK)
    zeros = jnp.zeros((ZROWS, D), jnp.float32)
    zerosd = jnp.zeros((ZROWS, DW), jnp.float32)
    ones = jnp.concatenate(
        [jnp.ones((CHUNK, 1), jnp.float32),
         jnp.zeros((CHUNK, DW - 1), jnp.float32)], axis=1)

    partial, partial_deg = _sc_agg(x, src_p, dst_p, zeros, zerosd, ones)
    return _tc_mlp(partial, partial_deg, x, W1, b1.reshape(1, D),
                   W2, b2.reshape(1, D), Wself, bself.reshape(1, D))

# --- scband reference (transcript-rebuilt; emitter-appended) ---
"""Pipeline reference for scband-graph-sagelayer-32727650795829 (READ-ONLY COPY).

The authoritative reference and input builder live on the scoring server;
editing this copy changes nothing except your own understanding.
"""

import jax, jax.numpy as jnp
import numpy as np

N_NODES = 10000
N_EDGES = 320000
D_IN = 128
D_OUT = 128


def setup_inputs(seed: int = 0) -> dict:
    key = jax.random.key(seed)
    ks = jax.random.split(key, 10)
    x = jax.random.normal(ks[0], (N_NODES, D_IN), dtype=jnp.float32)
    edge_index = jax.random.randint(ks[1], (2, N_EDGES), 0, N_NODES, dtype=jnp.int64)
    # MLP (first in mlp_list, chosen deterministically): linear1 in->out, linear2 out->out
    gain = float(np.sqrt(2.0))  # relu gain (xavier_uniform with relu gain)
    def xavier(k, fan_out, fan_in):
        bound = gain * np.sqrt(6.0 / (fan_in + fan_out))
        return jax.random.uniform(k, (fan_out, fan_in), dtype=jnp.float32, minval=-bound, maxval=bound)
    W1 = xavier(ks[2], D_OUT, D_IN)
    b1 = jnp.zeros((D_OUT,), dtype=jnp.float32)
    W2 = xavier(ks[3], D_OUT, D_OUT)
    b2 = jnp.zeros((D_OUT,), dtype=jnp.float32)
    # fc_self: Linear(in_feats, out_feats)
    Wself = xavier(ks[4], D_OUT, D_IN)
    bself = jnp.zeros((D_OUT,), dtype=jnp.float32)
    return {"x": x, "edge_index": edge_index, "W1": W1, "b1": b1,
            "W2": W2, "b2": b2, "Wself": Wself, "bself": bself}


def reference(x, edge_index, W1, b1, W2, b2, Wself, bself):
    # feat_drop with p=0.0 is identity at inference
    feat_src = x
    feat_dst = x
    src = edge_index[0]
    dst = edge_index[1]
    # lin_before_mp = in_feats > out_feats -> False (128 > 128 is False)
    # mean aggregation: copy_u('h','m') then fn.mean('m','neigh')
    msgs = jnp.take(feat_src, src, axis=0)  # gather [E, D_IN]
    neigh_sum = jax.ops.segment_sum(msgs, dst, num_segments=N_NODES)
    deg = jax.ops.segment_sum(jnp.ones((N_EDGES,), dtype=jnp.float32), dst, num_segments=N_NODES)
    h_neigh = neigh_sum / jnp.maximum(deg, 1.0)[:, None]
    # chosen_mlp = mlp_list[0] (deterministic stand-in for random.choice)
    h_neigh = jax.nn.relu(h_neigh @ W1.T + b1)
    h_neigh = h_neigh @ W2.T + b2
    # fc_self
    h_self = feat_dst @ Wself.T + bself
    rst = h_self + h_neigh
    return rst

if __name__ == "__main__":
    import jax
    _d = setup_inputs()
    print(jax.jit(kernel)(*tuple(_d.values())))

</pallas_src>

<mosaic_0001>
#map = affine_map<(d0, d1) -> (0, 0)>
#map1 = affine_map<(d0, d1) -> (0, 0, 0)>
module attributes {stable_mosaic.version = 14 : i64} {
  func.func @_sc_agg_body(%arg0: i32, %arg1: i32, %arg2: memref<10000x128xf32, #tpu.memory_space<hbm>>, %arg3: memref<640x5x100xi32, #tpu.memory_space<hbm>>, %arg4: memref<640x5x100xi32, #tpu.memory_space<hbm>>, %arg5: memref<625x128xf32, #tpu.memory_space<hbm>>, %arg6: memref<625x16xf32, #tpu.memory_space<hbm>>, %arg7: memref<100x16xf32, #tpu.memory_space<hbm>>, %arg8: memref<10000x128xf32, #tpu.memory_space<hbm>>, %arg9: memref<10000x16xf32, #tpu.memory_space<hbm>>, %arg10: memref<2x5x100xi32, #tpu.memory_space<vmem>>, %arg11: memref<2x5x100xi32, #tpu.memory_space<vmem>>, %arg12: memref<2x100x128xf32, #tpu.memory_space<vmem>>, %arg13: memref<100x16xf32, #tpu.memory_space<vmem>>, %arg14: memref<10000x128xf32, #tpu.memory_space<vmem_shared>>, %arg15: memref<10000x16xf32, #tpu.memory_space<vmem_shared>>, %arg16: memref<!tpu.dma_semaphore, #tpu.memory_space<semaphore_mem>>, %arg17: memref<!tpu.dma_semaphore, #tpu.memory_space<semaphore_mem>>, %arg18: memref<!tpu.dma_semaphore, #tpu.memory_space<semaphore_mem>>, %arg19: memref<!tpu.dma_semaphore, #tpu.memory_space<semaphore_mem>>, %arg20: memref<!tpu.dma_semaphore, #tpu.memory_space<semaphore_mem>>, %arg21: memref<!tpu.dma_semaphore, #tpu.memory_space<semaphore_mem>>, %arg22: memref<!tpu.dma_semaphore, #tpu.memory_space<semaphore_mem>>, %arg23: memref<!tpu.dma_semaphore, #tpu.memory_space<semaphore_mem>>) attributes {dimension_semantics = [#tpu.dimension_semantics<core_parallel>, #tpu.dimension_semantics<subcore_parallel>], iteration_bounds = array<i64: 1, 16>, scalar_prefetch = 0 : i64, scratch_operands = 14 : i64, tpu.core_type = #tpu.core_type<sc_vector_subcore>, window_params = [{transform_indices = #map}, {transform_indices = #map1}, {transform_indices = #map1}, {transform_indices = #map}, {transform_indices = #map}, {transform_indices = #map}, {transform_indices = #map}, {transform_indices = #map}]} {
    %mul3A = arith.constant 1 : i32
    %mul3A_0 = arith.muli %arg1, %mul3A : i32
    %add3A = arith.addi %mul3A_0, %arg0 : i32
    %mul3A_1 = arith.constant 625 : i32
    %mul3A_2 = arith.muli %arg1, %mul3A_1 : i32
    "tpu.region"() ({
      %run_scoped3A = tpu.sem_alloc : memref<!tpu.dma_semaphore, #tpu.memory_space<semaphore_mem>>
      %dma_start3A_943 = arith.constant 0 : i32
      %dma_start3A_944 = tpu.memref_slice %arg14[%mul3A_2, %dma_start3A_943] : memref<10000x128xf32, #tpu.memory_space<vmem_shared>> -> memref<625x128xf32, #tpu.memory_space<vmem_shared>>
      tpu.enqueue_dma source(%arg5 : memref<625x128xf32, #tpu.memory_space<hbm>>) target(%dma_start3A_944 : memref<625x128xf32, #tpu.memory_space<vmem_shared>>) target_semaphore(%run_scoped3A : memref<!tpu.dma_semaphore, #tpu.memory_space<semaphore_mem>>)
      %dma_wait3A_945 = arith.constant 0 : i32
      %dma_wait3A_946 = tpu.memref_slice %arg14[%mul3A_2, %dma_wait3A_945] : memref<10000x128xf32, #tpu.memory_space<vmem_shared>> -> memref<625x128xf32, #tpu.memory_space<vmem_shared>>
      tpu.wait_dma2 semaphore(%run_scoped3A : memref<!tpu.dma_semaphore, #tpu.memory_space<semaphore_mem>>) src(%arg5 : memref<625x128xf32, #tpu.memory_space<hbm>>) dst(%dma_wait3A_946 : memref<625x128xf32, #tpu.memory_space<vmem_shared>>)
      tpu.yield
    }) : () -> ()
    %mul3A_3 = arith.constant 625 : i32
    %mul3A_4 = arith.muli %arg1, %mul3A_3 : i32
    "tpu.region"() ({
      %run_scoped3A = tpu.sem_alloc : memref<!tpu.dma_semaphore, #tpu.memory_space<semaphore_mem>>
      %dma_start3A_943 = arith.constant 0 : i32
      %dma_start3A_944 = tpu.memref_slice %arg15[%mul3A_4, %dma_start3A_943] : memref<10000x16xf32, #tpu.memory_space<vmem_shared>> -> memref<625x16xf32, #tpu.memory_space<vmem_shared>>
      tpu.enqueue_dma source(%arg6 : memref<625x16xf32, #tpu.memory_space<hbm>>) target(%dma_start3A_944 : memref<625x16xf32, #tpu.memory_space<vmem_shared>>) target_semaphore(%run_scoped3A : memref<!tpu.dma_semaphore, #tpu.memory_space<semaphore_mem>>)
      %dma_wait3A_945 = arith.constant 0 : i32
      %dma_wait3A_946 = tpu.memref_slice %arg15[%mul3A_4, %dma_wait3A_945] : memref<10000x16xf32, #tpu.memory_space<vmem_shared>> -> memref<625x16xf32, #tpu.memory_space<vmem_shared>>
      tpu.wait_dma2 semaphore(%run_scoped3A : memref<!tpu.dma_semaphore, #tpu.memory_space<semaphore_mem>>) src(%arg6 : memref<625x16xf32, #tpu.memory_space<hbm>>) dst(%dma_wait3A_946 : memref<625x16xf32, #tpu.memory_space<vmem_shared>>)
      tpu.yield
    }) : () -> ()
    "tpu.region"() ({
      %run_scoped3A = tpu.sem_alloc : memref<!tpu.dma_semaphore, #tpu.memory_space<semaphore_mem>>
      tpu.enqueue_dma source(%arg7 : memref<100x16xf32, #tpu.memory_space<hbm>>) target(%arg13 : memref<100x16xf32, #tpu.memory_space<vmem>>) target_semaphore(%run_scoped3A : memref<!tpu.dma_semaphore, #tpu.memory_space<semaphore_mem>>)
      tpu.wait_dma2 semaphore(%run_scoped3A : memref<!tpu.dma_semaphore, #tpu.memory_space<semaphore_mem>>) src(%arg7 : memref<100x16xf32, #tpu.memory_space<hbm>>) dst(%arg13 : memref<100x16xf32, #tpu.memory_space<vmem>>)
      tpu.yield
    }) : () -> ()
    %mul3A_5 = arith.constant 40 : i32
    %mul3A_6 = arith.muli %add3A, %mul3A_5 : i32
    %add3A_7 = arith.constant 0 : i32
    %add3A_8 = arith.addi %mul3A_6, %add3A_7 : i32
    %dma_start3A = arith.constant 0 : i32
    %dma_start3A_9 = arith.constant 0 : i32
    %dma_start3A_10 = arith.constant 0 : i32
    %dma_start3A_11 = tpu.memref_slice %arg10[%dma_start3A, %dma_start3A_9, %dma_start3A_10] : memref<2x5x100xi32, #tpu.memory_space<vmem>> -> memref<1x5x100xi32, #tpu.memory_space<vmem>>
    %dma_start3A_12 = tpu.memref_squeeze %dma_start3A_11 : memref<1x5x100xi32, #tpu.memory_space<vmem>> -> memref<5x100xi32, #tpu.memory_space<vmem>>
    %dma_start3A_13 = arith.constant 0 : i32
    %dma_start3A_14 = arith.constant 0 : i32
    %dma_start3A_15 = tpu.memref_slice %arg3[%add3A_8, %dma_start3A_13, %dma_start3A_14] : memref<640x5x100xi32, #tpu.memory_space<hbm>> -> memref<1x5x100xi32, #tpu.memory_space<hbm>>
    %dma_start3A_16 = tpu.memref_squeeze %dma_start3A_15 : memref<1x5x100xi32, #tpu.memory_space<hbm>> -> memref<5x100xi32, #tpu.memory_space<hbm>>
    %dma_start3A_17 = arith.constant 0 : i32
    %dma_start3A_18 = arith.constant 0 : i32
    %dma_start3A_19 = tpu.memref_slice %arg10[%dma_start3A, %dma_start3A_17, %dma_start3A_18] : memref<2x5x100xi32, #tpu.memory_space<vmem>> -> memref<1x5x100xi32, #tpu.memory_space<vmem>>
    %dma_start3A_20 = tpu.memref_squeeze %dma_start3A_19 : memref<1x5x100xi32, #tpu.memory_space<vmem>> -> memref<5x100xi32, #tpu.memory_space<vmem>>
    %dma_start3A_21 = arith.constant 0 : i32
    %dma_start3A_22 = arith.constant 0 : i32
    %dma_start3A_23 = tpu.memref_slice %arg3[%add3A_8, %dma_start3A_21, %dma_start3A_22] : memref<640x5x100xi32, #tpu.memory_space<hbm>> -> memref<1x5x100xi32, #tpu.memory_space<hbm>>
    %dma_start3A_24 = tpu.memref_squeeze %dma_start3A_23 : memref<1x5x100xi32, #tpu.memory_space<hbm>> -> memref<5x100xi32, #tpu.memory_space<hbm>>
    tpu.enqueue_dma source(%dma_start3A_24 : memref<5x100xi32, #tpu.memory_space<hbm>>) target(%dma_start3A_20 : memref<5x100xi32, #tpu.memory_space<vmem>>) target_semaphore(%arg20 : memref<!tpu.dma_semaphore, #tpu.memory_space<semaphore_mem>>)
    %mul3A_25 = arith.constant 40 : i32
    %mul3A_26 = arith.muli %add3A, %mul3A_25 : i32
    %add3A_27 = arith.constant 0 : i32
    %add3A_28 = arith.addi %mul3A_26, %add3A_27 : i32
    %dma_start3A_29 = arith.constant 0 : i32
    %dma_start3A_30 = arith.constant 0 : i32
    %dma_start3A_31 = arith.constant 0 : i32
    %dma_start3A_32 = tpu.memref_slice %arg11[%dma_start3A_29, %dma_start3A_30, %dma_start3A_31] : memref<2x5x100xi32, #tpu.memory_space<vmem>> -> memref<1x5x100xi32, #tpu.memory_space<vmem>>
    %dma_start3A_33 = tpu.memref_squeeze %dma_start3A_32 : memref<1x5x100xi32, #tpu.memory_space<vmem>> -> memref<5x100xi32, #tpu.memory_space<vmem>>
    %dma_start3A_34 = arith.constant 0 : i32
    %dma_start3A_35 = arith.constant 0 : i32
    %dma_start3A_36 = tpu.memref_slice %arg4[%add3A_28, %dma_start3A_34, %dma_start3A_35] : memref<640x5x100xi32, #tpu.memory_space<hbm>> -> memref<1x5x100xi32, #tpu.memory_space<hbm>>
    %dma_start3A_37 = tpu.memref_squeeze %dma_start3A_36 : memref<1x5x100xi32, #tpu.memory_space<hbm>> -> memref<5x100xi32, #tpu.memory_space<hbm>>
    %dma_start3A_38 = arith.constant 0 : i32
    %dma_start3A_39 = arith.constant 0 : i32
    %dma_start3A_40 = tpu.memref_slice %arg11[%dma_start3A_29, %dma_start3A_38, %dma_start3A_39] : memref<2x5x100xi32, #tpu.memory_space<vmem>> -> memref<1x5x100xi32, #tpu.memory_space<vmem>>
    %dma_start3A_41 = tpu.memref_squeeze %dma_start3A_40 : memref<1x5x100xi32, #tpu.memory_space<vmem>> -> memref<5x100xi32, #tpu.memory_space<vmem>>
    %dma_start3A_42 = arith.constant 0 : i32
    %dma_start3A_43 = arith.constant 0 : i32
    %dma_start3A_44 = tpu.memref_slice %arg4[%add3A_28, %dma_start3A_42, %dma_start3A_43] : memref<640x5x100xi32, #tpu.memory_space<hbm>> -> memref<1x5x100xi32, #tpu.memory_space<hbm>>
    %dma_start3A_45 = tpu.memref_squeeze %dma_start3A_44 : memref<1x5x100xi32, #tpu.memory_space<hbm>> -> memref<5x100xi32, #tpu.memory_space<hbm>>
    tpu.enqueue_dma source(%dma_start3A_45 : memref<5x100xi32, #tpu.memory_space<hbm>>) target(%dma_start3A_41 : memref<5x100xi32, #tpu.memory_space<vmem>>) target_semaphore(%arg22 : memref<!tpu.dma_semaphore, #tpu.memory_space<semaphore_mem>>)
    %mul3A_46 = arith.constant 40 : i32
    %mul3A_47 = arith.muli %add3A, %mul3A_46 : i32
    %add3A_48 = arith.constant 0 : i32
    %add3A_49 = arith.addi %mul3A_47, %add3A_48 : i32
    %dma_wait3A = arith.constant 0 : i32
    %dma_wait3A_50 = arith.constant 0 : i32
    %dma_wait3A_51 = arith.constant 0 : i32
    %dma_wait3A_52 = tpu.memref_slice %arg10[%dma_wait3A, %dma_wait3A_50, %dma_wait3A_51] : memref<2x5x100xi32, #tpu.memory_space<vmem>> -> memref<1x5x100xi32, #tpu.memory_space<vmem>>
    %dma_wait3A_53 = tpu.memref_squeeze %dma_wait3A_52 : memref<1x5x100xi32, #tpu.memory_space<vmem>> -> memref<5x100xi32, #tpu.memory_space<vmem>>
    %dma_wait3A_54 = arith.constant 0 : i32
    %dma_wait3A_55 = arith.constant 0 : i32
    %dma_wait3A_56 = tpu.memref_slice %arg3[%add3A_49, %dma_wait3A_54, %dma_wait3A_55] : memref<640x5x100xi32, #tpu.memory_space<hbm>> -> memref<1x5x100xi32, #tpu.memory_space<hbm>>
    %dma_wait3A_57 = tpu.memref_squeeze %dma_wait3A_56 : memref<1x5x100xi32, #tpu.memory_space<hbm>> -> memref<5x100xi32, #tpu.memory_space<hbm>>
    %dma_wait3A_58 = arith.constant 0 : i32
    %dma_wait3A_59 = arith.constant 0 : i32
    %dma_wait3A_60 = tpu.memref_slice %arg10[%dma_wait3A, %dma_wait3A_58, %dma_wait3A_59] : memref<2x5x100xi32, #tpu.memory_space<vmem>> -> memref<1x5x100xi32, #tpu.memory_space<vmem>>
    %dma_wait3A_61 = tpu.memref_squeeze %dma_wait3A_60 : memref<1x5x100xi32, #tpu.memory_space<vmem>> -> memref<5x100xi32, #tpu.memory_space<vmem>>
    %dma_wait3A_62 = arith.constant 0 : i32
    %dma_wait3A_63 = arith.constant 0 : i32
    %dma_wait3A_64 = tpu.memref_slice %arg3[%add3A_49, %dma_wait3A_62, %dma_wait3A_63] : memref<640x5x100xi32, #tpu.memory_space<hbm>> -> memref<1x5x100xi32, #tpu.memory_space<hbm>>
    %dma_wait3A_65 = tpu.memref_squeeze %dma_wait3A_64 : memref<1x5x100xi32, #tpu.memory_space<hbm>> -> memref<5x100xi32, #tpu.memory_space<hbm>>
    tpu.wait_dma2 semaphore(%arg20 : memref<!tpu.dma_semaphore, #tpu.memory_space<semaphore_mem>>) src(%dma_wait3A_65 : memref<5x100xi32, #tpu.memory_space<hbm>>) dst(%dma_wait3A_61 : memref<5x100xi32, #tpu.memory_space<vmem>>)
    %mul3A_66 = arith.constant 40 : i32
    %mul3A_67 = arith.muli %add3A, %mul3A_66 : i32
    %add3A_68 = arith.constant 0 : i32
    %add3A_69 = arith.addi %mul3A_67, %add3A_68 : i32
    %dma_wait3A_70 = arith.constant 0 : i32
    %dma_wait3A_71 = arith.constant 0 : i32
    %dma_wait3A_72 = arith.constant 0 : i32
    %dma_wait3A_73 = tpu.memref_slice %arg11[%dma_wait3A_70, %dma_wait3A_71, %dma_wait3A_72] : memref<2x5x100xi32, #tpu.memory_space<vmem>> -> memref<1x5x100xi32, #tpu.memory_space<vmem>>
    %dma_wait3A_74 = tpu.memref_squeeze %dma_wait3A_73 : memref<1x5x100xi32, #tpu.memory_space<vmem>> -> memref<5x100xi32, #tpu.memory_space<vmem>>
    %dma_wait3A_75 = arith.constant 0 : i32
    %dma_wait3A_76 = arith.constant 0 : i32
    %dma_wait3A_77 = tpu.memref_slice %arg4[%add3A_69, %dma_wait3A_75, %dma_wait3A_76] : memref<640x5x100xi32, #tpu.memory_space<hbm>> -> memref<1x5x100xi32, #tpu.memory_space<hbm>>
    %dma_wait3A_78 = tpu.memref_squeeze %dma_wait3A_77 : memref<1x5x100xi32, #tpu.memory_space<hbm>> -> memref<5x100xi32, #tpu.memory_space<hbm>>
    %dma_wait3A_79 = arith.constant 0 : i32
    %dma_wait3A_80 = arith.constant 0 : i32
    %dma_wait3A_81 = tpu.memref_slice %arg11[%dma_wait3A_70, %dma_wait3A_79, %dma_wait3A_80] : memref<2x5x100xi32, #tpu.memory_space<vmem>> -> memref<1x5x100xi32, #tpu.memory_space<vmem>>
    %dma_wait3A_82 = tpu.memref_squeeze %dma_wait3A_81 : memref<1x5x100xi32, #tpu.memory_space<vmem>> -> memref<5x100xi32, #tpu.memory_space<vmem>>
    %dma_wait3A_83 = arith.constant 0 : i32
    %dma_wait3A_84 = arith.constant 0 : i32
    %dma_wait3A_85 = tpu.memref_slice %arg4[%add3A_69, %dma_wait3A_83, %dma_wait3A_84] : memref<640x5x100xi32, #tpu.memory_space<hbm>> -> memref<1x5x100xi32, #tpu.memory_space<hbm>>
    %dma_wait3A_86 = tpu.memref_squeeze %dma_wait3A_85 : memref<1x5x100xi32, #tpu.memory_space<hbm>> -> memref<5x100xi32, #tpu.memory_space<hbm>>
    tpu.wait_dma2 semaphore(%arg22 : memref<!tpu.dma_semaphore, #tpu.memory_space<semaphore_mem>>) src(%dma_wait3A_86 : memref<5x100xi32, #tpu.memory_space<hbm>>) dst(%dma_wait3A_82 : memref<5x100xi32, #tpu.memory_space<vmem>>)
    %mul3A_87 = arith.constant 40 : i32
    %mul3A_88 = arith.muli %add3A, %mul3A_87 : i32
    %add3A_89 = arith.constant 1 : i32
    %add3A_90 = arith.addi %mul3A_88, %add3A_89 : i32
    %dma_start3A_91 = arith.constant 1 : i32
    %dma_start3A_92 = arith.constant 0 : i32
    %dma_start3A_93 = arith.constant 0 : i32
    %dma_start3A_94 = tpu.memref_slice %arg10[%dma_start3A_91, %dma_start3A_92, %dma_start3A_93] : memref<2x5x100xi32, #tpu.memory_space<vmem>> -> memref<1x5x100xi32, #tpu.memory_space<vmem>>
    %dma_start3A_95 = tpu.memref_squeeze %dma_start3A_94 : memref<1x5x100xi32, #tpu.memory_space<vmem>> -> memref<5x100xi32, #tpu.memory_space<vmem>>
    %dma_start3A_96 = arith.constant 0 : i32
    %dma_start3A_97 = arith.constant 0 : i32
    %dma_start3A_98 = tpu.memref_slice %arg3[%add3A_90, %dma_start3A_96, %dma_start3A_97] : memref<640x5x100xi32, #tpu.memory_space<hbm>> -> memref<1x5x100xi32, #tpu.memory_space<hbm>>
    %dma_start3A_99 = tpu.memref_squeeze %dma_start3A_98 : memref<1x5x100xi32, #tpu.memory_space<hbm>> -> memref<5x100xi32, #tpu.memory_space<hbm>>
    %dma_start3A_100 = arith.constant 0 : i32
    %dma_start3A_101 = arith.constant 0 : i32
    %dma_start3A_102 = tpu.memref_slice %arg10[%dma_start3A_91, %dma_start3A_100, %dma_start3A_101] : memref<2x5x100xi32, #tpu.memory_space<vmem>> -> memref<1x5x100xi32, #tpu.memory_space<vmem>>
    %dma_start3A_103 = tpu.memref_squeeze %dma_start3A_102 : memref<1x5x100xi32, #tpu.memory_space<vmem>> -> memref<5x100xi32, #tpu.memory_space<vmem>>
    %dma_start3A_104 = arith.constant 0 : i32
    %dma_start3A_105 = arith.constant 0 : i32
    %dma_start3A_106 = tpu.memref_slice %arg3[%add3A_90, %dma_start3A_104, %dma_start3A_105] : memref<640x5x100xi32, #tpu.memory_space<hbm>> -> memref<1x5x100xi32, #tpu.memory_space<hbm>>
    %dma_start3A_107 = tpu.memref_squeeze %dma_start3A_106 : memref<1x5x100xi32, #tpu.memory_space<hbm>> -> memref<5x100xi32, #tpu.memory_space<hbm>>
    tpu.enqueue_dma source(%dma_start3A_107 : memref<5x100xi32, #tpu.memory_space<hbm>>) target(%dma_start3A_103 : memref<5x100xi32, #tpu.memory_space<vmem>>) target_semaphore(%arg21 : memref<!tpu.dma_semaphore, #tpu.memory_space<semaphore_mem>>)
    %mul3A_108 = arith.constant 40 : i32
    %mul3A_109 = arith.muli %add3A, %mul3A_108 : i32
    %add3A_110 = arith.constant 1 : i32
    %add3A_111 = arith.addi %mul3A_109, %add3A_110 : i32
    %dma_start3A_112 = arith.constant 1 : i32
    %dma_start3A_113 = arith.constant 0 : i32
    %dma_start3A_114 = arith.constant 0 : i32
    %dma_start3A_115 = tpu.memref_slice %arg11[%dma_start3A_112, %dma_start3A_113, %dma_start3A_114] : memref<2x5x100xi32, #tpu.memory_space<vmem>> -> memref<1x5x100xi32, #tpu.memory_space<vmem>>
    %dma_start3A_116 = tpu.memref_squeeze %dma_start3A_115 : memref<1x5x100xi32, #tpu.memory_space<vmem>> -> memref<5x100xi32, #tpu.memory_space<vmem>>
    %dma_start3A_117 = arith.constant 0 : i32
    %dma_start3A_118 = arith.constant 0 : i32
    %dma_start3A_119 = tpu.memref_slice %arg4[%add3A_111, %dma_start3A_117, %dma_start3A_118] : memref<640x5x100xi32, #tpu.memory_space<hbm>> -> memref<1x5x100xi32, #tpu.memory_space<hbm>>
    %dma_start3A_120 = tpu.memref_squeeze %dma_start3A_119 : memref<1x5x100xi32, #tpu.memory_space<hbm>> -> memref<5x100xi32, #tpu.memory_space<hbm>>
    %dma_start3A_121 = arith.constant 0 : i32
    %dma_start3A_122 = arith.constant 0 : i32
    %dma_start3A_123 = tpu.memref_slice %arg11[%dma_start3A_112, %dma_start3A_121, %dma_start3A_122] : memref<2x5x100xi32, #tpu.memory_space<vmem>> -> memref<1x5x100xi32, #tpu.memory_space<vmem>>
    %dma_start3A_124 = tpu.memref_squeeze %dma_start3A_123 : memref<1x5x100xi32, #tpu.memory_space<vmem>> -> memref<5x100xi32, #tpu.memory_space<vmem>>
    %dma_start3A_125 = arith.constant 0 : i32
    %dma_start3A_126 = arith.constant 0 : i32
    %dma_start3A_127 = tpu.memref_slice %arg4[%add3A_111, %dma_start3A_125, %dma_start3A_126] : memref<640x5x100xi32, #tpu.memory_space<hbm>> -> memref<1x5x100xi32, #tpu.memory_space<hbm>>
    %dma_start3A_128 = tpu.memref_squeeze %dma_start3A_127 : memref<1x5x100xi32, #tpu.memory_space<hbm>> -> memref<5x100xi32, #tpu.memory_space<hbm>>
    tpu.enqueue_dma source(%dma_start3A_128 : memref<5x100xi32, #tpu.memory_space<hbm>>) target(%dma_start3A_124 : memref<5x100xi32, #tpu.memory_space<vmem>>) target_semaphore(%arg23 : memref<!tpu.dma_semaphore, #tpu.memory_space<semaphore_mem>>)
    %barrier3A = arith.constant 0 : index
    tpu.barrier barrier_id(%barrier3A)
    %dma_start3A_129 = arith.constant 0 : i32
    %dma_start3A_130 = arith.constant 0 : i32
    %dma_start3A_131 = arith.constant 0 : i32
    %dma_start3A_132 = arith.constant 0 : i32
    %dma_start3A_133 = arith.constant 0 : i32
    %dma_start3A_134 = tpu.memref_slice %arg12[%dma_start3A_131, %dma_start3A_132, %dma_start3A_133] : memref<2x100x128xf32, #tpu.memory_space<vmem>> -> memref<1x100x128xf32, #tpu.memory_space<vmem>>
    %dma_start3A_135 = tpu.memref_squeeze %dma_start3A_134 : memref<1x100x128xf32, #tpu.memory_space<vmem>> -> memref<100x128xf32, #tpu.memory_space<vmem>>
    %dma_start3A_136 = arith.constant 0 : i32
    %dma_start3A_137 = tpu.memref_slice %arg10[%dma_start3A_129, %dma_start3A_130, %dma_start3A_136] : memref<2x5x100xi32, #tpu.memory_space<vmem>> -> memref<1x1x100xi32, #tpu.memory_space<vmem>>
    %dma_start3A_138 = tpu.memref_squeeze %dma_start3A_137 : memref<1x1x100xi32, #tpu.memory_space<vmem>> -> memref<100xi32, #tpu.memory_space<vmem>>
    %dma_start3A_139 = arith.constant 0 : i32
    %dma_start3A_140 = arith.constant 0 : i32
    %dma_start3A_141 = tpu.memref_slice %arg2[%dma_start3A_139, %dma_start3A_140] : memref<10000x128xf32, #tpu.memory_space<hbm>> -> memref<10000x128xf32, #tpu.memory_space<hbm>>
    tpu.enqueue_indirect_dma source(%dma_start3A_141 : memref<10000x128xf32, #tpu.memory_space<hbm>>) target(%dma_start3A_135 : memref<100x128xf32, #tpu.memory_space<vmem>>) offsets(%dma_start3A_138 : memref<100xi32, #tpu.memory_space<vmem>>) semaphore(%arg16 : memref<!tpu.dma_semaphore, #tpu.memory_space<semaphore_mem>>)
    %dma_start3A_142 = arith.constant 0 : i32
    %dma_start3A_143 = arith.constant 1 : i32
    %dma_start3A_144 = arith.constant 1 : i32
    %dma_start3A_145 = arith.constant 0 : i32
    %dma_start3A_146 = arith.constant 0 : i32
    %dma_start3A_147 = tpu.memref_slice %arg12[%dma_start3A_144, %dma_start3A_145, %dma_start3A_146] : memref<2x100x128xf32, #tpu.memory_space<vmem>> -> memref<1x100x128xf32, #tpu.memory_space<vmem>>
    %dma_start3A_148 = tpu.memref_squeeze %dma_start3A_147 : memref<1x100x128xf32, #tpu.memory_space<vmem>> -> memref<100x128xf32, #tpu.memory_space<vmem>>
    %dma_start3A_149 = arith.constant 0 : i32
    %dma_start3A_150 = tpu.memref_slice %arg10[%dma_start3A_142, %dma_start3A_143, %dma_start3A_149] : memref<2x5x100xi32, #tpu.memory_space<vmem>> -> memref<1x1x100xi32, #tpu.memory_space<vmem>>
    %dma_start3A_151 = tpu.memref_squeeze %dma_start3A_150 : memref<1x1x100xi32, #tpu.memory_space<vmem>> -> memref<100xi32, #tpu.memory_space<vmem>>
    %dma_start3A_152 = arith.constant 0 : i32
    %dma_start3A_153 = arith.constant 0 : i32
    %dma_start3A_154 = tpu.memref_slice %arg2[%dma_start3A_152, %dma_start3A_153] : memref<10000x128xf32, #tpu.memory_space<hbm>> -> memref<10000x128xf32, #tpu.memory_space<hbm>>
    tpu.enqueue_indirect_dma source(%dma_start3A_154 : memref<10000x128xf32, #tpu.memory_space<hbm>>) target(%dma_start3A_148 : memref<100x128xf32, #tpu.memory_space<vmem>>) offsets(%dma_start3A_151 : memref<100xi32, #tpu.memory_space<vmem>>) semaphore(%arg17 : memref<!tpu.dma_semaphore, #tpu.memory_space<semaphore_mem>>)
    %dma_wait3A_155 = arith.constant 0 : i32
    %dma_wait3A_156 = arith.constant 0 : i32
    %dma_wait3A_157 = arith.constant 0 : i32
    %dma_wait3A_158 = arith.constant 0 : i32
    %dma_wait3A_159 = arith.constant 0 : i32
    %dma_wait3A_160 = tpu.memref_slice %arg12[%dma_wait3A_157, %dma_wait3A_158, %dma_wait3A_159] : memref<2x100x128xf32, #tpu.memory_space<vmem>> -> memref<1x100x128xf32, #tpu.memory_space<vmem>>
    %dma_wait3A_161 = tpu.memref_squeeze %dma_wait3A_160 : memref<1x100x128xf32, #tpu.memory_space<vmem>> -> memref<100x128xf32, #tpu.memory_space<vmem>>
    %dma_wait3A_162 = arith.constant 0 : i32
    %dma_wait3A_163 = tpu.memref_slice %arg10[%dma_wait3A_155, %dma_wait3A_156, %dma_wait3A_162] : memref<2x5x100xi32, #tpu.memory_space<vmem>> -> memref<1x1x100xi32, #tpu.memory_space<vmem>>
    %dma_wait3A_164 = tpu.memref_squeeze %dma_wait3A_163 : memref<1x1x100xi32, #tpu.memory_space<vmem>> -> memref<100xi32, #tpu.memory_space<vmem>>
    %dma_wait3A_165 = arith.constant 0 : i32
    %dma_wait3A_166 = arith.constant 0 : i32
    %dma_wait3A_167 = tpu.memref_slice %arg2[%dma_wait3A_165, %dma_wait3A_166] : memref<10000x128xf32, #tpu.memory_space<hbm>> -> memref<10000x128xf32, #tpu.memory_space<hbm>>
    tpu.wait_indirect_dma semaphore(%arg16 : memref<!tpu.dma_semaphore, #tpu.memory_space<semaphore_mem>>) src(%dma_wait3A_167 : memref<10000x128xf32, #tpu.memory_space<hbm>>) dst(%dma_wait3A_161 : memref<100x128xf32, #tpu.memory_space<vmem>>)
    %dma_start3A_168 = arith.constant 0 : i32
    %dma_start3A_169 = arith.constant 0 : i32
    %dma_start3A_170 = arith.constant 0 : i32
    %dma_start3A_171 = arith.constant 0 : i32
    %dma_start3A_172 = arith.constant 0 : i32
    %dma_start3A_173 = tpu.memref_slice %arg12[%dma_start3A_168, %dma_start3A_171, %dma_start3A_172] : memref<2x100x128xf32, #tpu.memory_space<vmem>> -> memref<1x100x128xf32, #tpu.memory_space<vmem>>
    %dma_start3A_174 = tpu.memref_squeeze %dma_start3A_173 : memref<1x100x128xf32, #tpu.memory_space<vmem>> -> memref<100x128xf32, #tpu.memory_space<vmem>>
    %dma_start3A_175 = arith.constant 0 : i32
    %dma_start3A_176 = tpu.memref_slice %arg11[%dma_start3A_169, %dma_start3A_170, %dma_start3A_175] : memref<2x5x100xi32, #tpu.memory_space<vmem>> -> memref<1x1x100xi32, #tpu.memory_space<vmem>>
    %dma_start3A_177 = tpu.memref_squeeze %dma_start3A_176 : memref<1x1x100xi32, #tpu.memory_space<vmem>> -> memref<100xi32, #tpu.memory_space<vmem>>
    %dma_start3A_178 = arith.constant 0 : i32
    %dma_start3A_179 = arith.constant 0 : i32
    %dma_start3A_180 = tpu.memref_slice %arg14[%dma_start3A_178, %dma_start3A_179] : memref<10000x128xf32, #tpu.memory_space<vmem_shared>> -> memref<10000x128xf32, #tpu.memory_space<vmem_shared>>
    tpu.enqueue_indirect_dma source(%dma_start3A_174 : memref<100x128xf32, #tpu.memory_space<vmem>>) target(%dma_start3A_180 : memref<10000x128xf32, #tpu.memory_space<vmem_shared>>) offsets(%dma_start3A_177 : memref<100xi32, #tpu.memory_space<vmem>>) semaphore(%arg18 : memref<!tpu.dma_semaphore, #tpu.memory_space<semaphore_mem>>) {add = true}
    %dma_start3A_181 = arith.constant 0 : i32
    %dma_start3A_182 = arith.constant 0 : i32
    %dma_start3A_183 = arith.constant 0 : i32
    %dma_start3A_184 = tpu.memref_slice %arg11[%dma_start3A_181, %dma_start3A_182, %dma_start3A_183] : memref<2x5x100xi32, #tpu.memory_space<vmem>> -> memref<1x1x100xi32, #tpu.memory_space<vmem>>
    %dma_start3A_185 = tpu.memref_squeeze %dma_start3A_184 : memref<1x1x100xi32, #tpu.memory_space<vmem>> -> memref<100xi32, #tpu.memory_space<vmem>>
    %dma_start3A_186 = arith.constant 0 : i32
    %dma_start3A_187 = arith.constant 0 : i32
    %dma_start3A_188 = tpu.memref_slice %arg15[%dma_start3A_186, %dma_start3A_187] : memref<10000x16xf32, #tpu.memory_space<vmem_shared>> -> memref<10000x16xf32, #tpu.memory_space<vmem_shared>>
    tpu.enqueue_indirect_dma source(%arg13 : memref<100x16xf32, #tpu.memory_space<vmem>>) target(%dma_start3A_188 : memref<10000x16xf32, #tpu.memory_space<vmem_shared>>) offsets(%dma_start3A_185 : memref<100xi32, #tpu.memory_space<vmem>>) semaphore(%arg18 : memref<!tpu.dma_semaphore, #tpu.memory_space<semaphore_mem>>) {add = true}
    %dma_wait3A_189 = arith.constant 0 : i32
    %dma_wait3A_190 = arith.constant 0 : i32
    %dma_wait3A_191 = arith.constant 2 : i32
    %dma_wait3A_192 = arith.constant 0 : i32
    %dma_wait3A_193 = arith.constant 0 : i32
    %dma_wait3A_194 = tpu.memref_slice %arg12[%dma_wait3A_189, %dma_wait3A_192, %dma_wait3A_193] : memref<2x100x128xf32, #tpu.memory_space<vmem>> -> memref<1x100x128xf32, #tpu.memory_space<vmem>>
    %dma_wait3A_195 = tpu.memref_squeeze %dma_wait3A_194 : memref<1x100x128xf32, #tpu.memory_space<vmem>> -> memref<100x128xf32, #tpu.memory_space<vmem>>
    %dma_wait3A_196 = arith.constant 0 : i32
    %dma_wait3A_197 = tpu.memref_slice %arg11[%dma_wait3A_190, %dma_wait3A_191, %dma_wait3A_196] : memref<2x5x100xi32, #tpu.memory_space<vmem>> -> memref<1x1x100xi32, #tpu.memory_space<vmem>>
    %dma_wait3A_198 = tpu.memref_squeeze %dma_wait3A_197 : memref<1x1x100xi32, #tpu.memory_space<vmem>> -> memref<100xi32, #tpu.memory_space<vmem>>
    %dma_wait3A_199 = arith.constant 0 : i32
    %dma_wait3A_200 = arith.constant 0 : i32
    %dma_wait3A_201 = tpu.memref_slice %arg14[%dma_wait3A_199, %dma_wait3A_200] : memref<10000x128xf32, #tpu.memory_space<vmem_shared>> -> memref<10000x128xf32, #tpu.memory_space<vmem_shared>>
    tpu.wait_indirect_dma semaphore(%arg18 : memref<!tpu.dma_semaphore, #tpu.memory_space<semaphore_mem>>) src(%dma_wait3A_195 : memref<100x128xf32, #tpu.memory_space<vmem>>) dst(%dma_wait3A_201 : memref<10000x128xf32, #tpu.memory_space<vmem_shared>>)
    %dma_wait3A_202 = arith.constant 0 : i32
    %dma_wait3A_203 = arith.constant 2 : i32
    %dma_wait3A_204 = arith.constant 0 : i32
    %dma_wait3A_205 = tpu.memref_slice %arg11[%dma_wait3A_202, %dma_wait3A_203, %dma_wait3A_204] : memref<2x5x100xi32, #tpu.memory_space<vmem>> -> memref<1x1x100xi32, #tpu.memory_space<vmem>>
    %dma_wait3A_206 = tpu.memref_squeeze %dma_wait3A_205 : memref<1x1x100xi32, #tpu.memory_space<vmem>> -> memref<100xi32, #tpu.memory_space<vmem>>
    %dma_wait3A_207 = arith.constant 0 : i32
    %dma_wait3A_208 = arith.constant 0 : i32
    %dma_wait3A_209 = tpu.memref_slice %arg15[%dma_wait3A_207, %dma_wait3A_208] : memref<10000x16xf32, #tpu.memory_space<vmem_shared>> -> memref<10000x16xf32, #tpu.memory_space<vmem_shared>>
    tpu.wait_indirect_dma semaphore(%arg18 : memref<!tpu.dma_semaphore, #tpu.memory_space<semaphore_mem>>) src(%arg13 : memref<100x16xf32, #tpu.memory_space<vmem>>) dst(%dma_wait3A_209 : memref<10000x16xf32, #tpu.memory_space<vmem_shared>>)
    %dma_start3A_210 = arith.constant 0 : i32
    %dma_start3A_211 = arith.constant 2 : i32
    %dma_start3A_212 = arith.constant 0 : i32
    %dma_start3A_213 = arith.constant 0 : i32
    %dma_start3A_214 = arith.constant 0 : i32
    %dma_start3A_215 = tpu.memref_slice %arg12[%dma_start3A_212, %dma_start3A_213, %dma_start3A_214] : memref<2x100x128xf32, #tpu.memory_space<vmem>> -> memref<1x100x128xf32, #tpu.memory_space<vmem>>
    %dma_start3A_216 = tpu.memref_squeeze %dma_start3A_215 : memref<1x100x128xf32, #tpu.memory_space<vmem>> -> memref<100x128xf32, #tpu.memory_space<vmem>>
    %dma_start3A_217 = arith.constant 0 : i32
    %dma_start3A_218 = tpu.memref_slice %arg10[%dma_start3A_210, %dma_start3A_211, %dma_start3A_217] : memref<2x5x100xi32, #tpu.memory_space<vmem>> -> memref<1x1x100xi32, #tpu.memory_space<vmem>>
    %dma_start3A_219 = tpu.memref_squeeze %dma_start3A_218 : memref<1x1x100xi32, #tpu.memory_space<vmem>> -> memref<100xi32, #tpu.memory_space<vmem>>
    %dma_start3A_220 = arith.constant 0 : i32
    %dma_start3A_221 = arith.constant 0 : i32
    %dma_start3A_222 = tpu.memref_slice %arg2[%dma_start3A_220, %dma_start3A_221] : memref<10000x128xf32, #tpu.memory_space<hbm>> -> memref<10000x128xf32, #tpu.memory_space<hbm>>
    tpu.enqueue_indirect_dma source(%dma_start3A_222 : memref<10000x128xf32, #tpu.memory_space<hbm>>) target(%dma_start3A_216 : memref<100x128xf32, #tpu.memory_space<vmem>>) offsets(%dma_start3A_219 : memref<100xi32, #tpu.memory_space<vmem>>) semaphore(%arg16 : memref<!tpu.dma_semaphore, #tpu.memory_space<semaphore_mem>>)
    %dma_wait3A_223 = arith.constant 0 : i32
    %dma_wait3A_224 = arith.constant 1 : i32
    %dma_wait3A_225 = arith.constant 1 : i32
    %dma_wait3A_226 = arith.constant 0 : i32
    %dma_wait3A_227 = arith.constant 0 : i32
    %dma_wait3A_228 = tpu.memref_slice %arg12[%dma_wait3A_225, %dma_wait3A_226, %dma_wait3A_227] : memref<2x100x128xf32, #tpu.memory_space<vmem>> -> memref<1x100x128xf32, #tpu.memory_space<vmem>>
    %dma_wait3A_229 = tpu.memref_squeeze %dma_wait3A_228 : memref<1x100x128xf32, #tpu.memory_space<vmem>> -> memref<100x128xf32, #tpu.memory_space<vmem>>
    %dma_wait3A_230 = arith.constant 0 : i32
    %dma_wait3A_231 = tpu.memref_slice %arg10[%dma_wait3A_223, %dma_wait3A_224, %dma_wait3A_230] : memref<2x5x100xi32, #tpu.memory_space<vmem>> -> memref<1x1x100xi32, #tpu.memory_space<vmem>>
    %dma_wait3A_232 = tpu.memref_squeeze %dma_wait3A_231 : memref<1x1x100xi32, #tpu.memory_space<vmem>> -> memref<100xi32, #tpu.memory_space<vmem>>
    %dma_wait3A_233 = arith.constant 0 : i32
    %dma_wait3A_234 = arith.constant 0 : i32
    %dma_wait3A_235 = tpu.memref_slice %arg2[%dma_wait3A_233, %dma_wait3A_234] : memref<10000x128xf32, #tpu.memory_space<hbm>> -> memref<10000x128xf32, #tpu.memory_space<hbm>>
    tpu.wait_indirect_dma semaphore(%arg17 : memref<!tpu.dma_semaphore, #tpu.memory_space<semaphore_mem>>) src(%dma_wait3A_235 : memref<10000x128xf32, #tpu.memory_space<hbm>>) dst(%dma_wait3A_229 : memref<100x128xf32, #tpu.memory_space<vmem>>)
    %dma_start3A_236 = arith.constant 1 : i32
    %dma_start3A_237 = arith.constant 0 : i32
    %dma_start3A_238 = arith.constant 1 : i32
    %dma_start3A_239 = arith.constant 0 : i32
    %dma_start3A_240 = arith.constant 0 : i32
    %dma_start3A_241 = tpu.memref_slice %arg12[%dma_start3A_236, %dma_start3A_239, %dma_start3A_240] : memref<2x100x128xf32, #tpu.memory_space<vmem>> -> memref<1x100x128xf32, #tpu.memory_space<vmem>>
    %dma_start3A_242 = tpu.memref_squeeze %dma_start3A_241 : memref<1x100x128xf32, #tpu.memory_space<vmem>> -> memref<100x128xf32, #tpu.memory_space<vmem>>
    %dma_start3A_243 = arith.constant 0 : i32
    %dma_start3A_244 = tpu.memref_slice %arg11[%dma_start3A_237, %dma_start3A_238, %dma_start3A_243] : memref<2x5x100xi32, #tpu.memory_space<vmem>> -> memref<1x1x100xi32, #tpu.memory_space<vmem>>
    %dma_start3A_245 = tpu.memref_squeeze %dma_start3A_244 : memref<1x1x100xi32, #tpu.memory_space<vmem>> -> memref<100xi32, #tpu.memory_space<vmem>>
    %dma_start3A_246 = arith.constant 0 : i32
    %dma_start3A_247 = arith.constant 0 : i32
    %dma_start3A_248 = tpu.memref_slice %arg14[%dma_start3A_246, %dma_start3A_247] : memref<10000x128xf32, #tpu.memory_space<vmem_shared>> -> memref<10000x128xf32, #tpu.memory_space<vmem_shared>>
    tpu.enqueue_indirect_dma source(%dma_start3A_242 : memref<100x128xf32, #tpu.memory_space<vmem>>) target(%dma_start3A_248 : memref<10000x128xf32, #tpu.memory_space<vmem_shared>>) offsets(%dma_start3A_245 : memref<100xi32, #tpu.memory_space<vmem>>) semaphore(%arg19 : memref<!tpu.dma_semaphore, #tpu.memory_space<semaphore_mem>>) {add = true}
    %dma_start3A_249 = arith.constant 0 : i32
    %dma_start3A_250 = arith.constant 1 : i32
    %dma_start3A_251 = arith.constant 0 : i32
    %dma_start3A_252 = tpu.memref_slice %arg11[%dma_start3A_249, %dma_start3A_250, %dma_start3A_251] : memref<2x5x100xi32, #tpu.memory_space<vmem>> -> memref<1x1x100xi32, #tpu.memory_space<vmem>>
    %dma_start3A_253 = tpu.memref_squeeze %dma_start3A_252 : memref<1x1x100xi32, #tpu.memory_space<vmem>> -> memref<100xi32, #tpu.memory_space<vmem>>
    %dma_start3A_254 = arith.constant 0 : i32
    %dma_start3A_255 = arith.constant 0 : i32
    %dma_start3A_256 = tpu.memref_slice %arg15[%dma_start3A_254, %dma_start3A_255] : memref<10000x16xf32, #tpu.memory_space<vmem_shared>> -> memref<10000x16xf32, #tpu.memory_space<vmem_shared>>
    tpu.enqueue_indirect_dma source(%arg13 : memref<100x16xf32, #tpu.memory_space<vmem>>) target(%dma_start3A_256 : memref<10000x16xf32, #tpu.memory_space<vmem_shared>>) offsets(%dma_start3A_253 : memref<100xi32, #tpu.memory_space<vmem>>) semaphore(%arg19 : memref<!tpu.dma_semaphore, #tpu.memory_space<semaphore_mem>>) {add = true}
    %dma_wait3A_257 = arith.constant 1 : i32
    %dma_wait3A_258 = arith.constant 0 : i32
    %dma_wait3A_259 = arith.constant 3 : i32
    %dma_wait3A_260 = arith.constant 0 : i32
    %dma_wait3A_261 = arith.constant 0 : i32
    %dma_wait3A_262 = tpu.memref_slice %arg12[%dma_wait3A_257, %dma_wait3A_260, %dma_wait3A_261] : memref<2x100x128xf32, #tpu.memory_space<vmem>> -> memref<1x100x128xf32, #tpu.memory_space<vmem>>
    %dma_wait3A_263 = tpu.memref_squeeze %dma_wait3A_262 : memref<1x100x128xf32, #tpu.memory_space<vmem>> -> memref<100x128xf32, #tpu.memory_space<vmem>>
    %dma_wait3A_264 = arith.constant 0 : i32
    %dma_wait3A_265 = tpu.memref_slice %arg11[%dma_wait3A_258, %dma_wait3A_259, %dma_wait3A_264] : memref<2x5x100xi32, #tpu.memory_space<vmem>> -> memref<1x1x100xi32, #tpu.memory_space<vmem>>
    %dma_wait3A_266 = tpu.memref_squeeze %dma_wait3A_265 : memref<1x1x100xi32, #tpu.memory_space<vmem>> -> memref<100xi32, #tpu.memory_space<vmem>>
    %dma_wait3A_267 = arith.constant 0 : i32
    %dma_wait3A_268 = arith.constant 0 : i32
    %dma_wait3A_269 = tpu.memref_slice %arg14[%dma_wait3A_267, %dma_wait3A_268] : memref<10000x128xf32, #tpu.memory_space<vmem_shared>> -> memref<10000x128xf32, #tpu.memory_space<vmem_shared>>
    tpu.wait_indirect_dma semaphore(%arg19 : memref<!tpu.dma_semaphore, #tpu.memory_space<semaphore_mem>>) src(%dma_wait3A_263 : memref<100x128xf32, #tpu.memory_space<vmem>>) dst(%dma_wait3A_269 : memref<10000x128xf32, #tpu.memory_space<vmem_shared>>)
    %dma_wait3A_270 = arith.constant 0 : i32
    %dma_wait3A_271 = arith.constant 3 : i32
    %dma_wait3A_272 = arith.constant 0 : i32
    %dma_wait3A_273 = tpu.memref_slice %arg11[%dma_wait3A_270, %dma_wait3A_271, %dma_wait3A_272] : memref<2x5x100xi32, #tpu.memory_space<vmem>> -> memref<1x1x100xi32, #tpu.memory_space<vmem>>
    %dma_wait3A_274 = tpu.memref_squeeze %dma_wait3A_273 : memref<1x1x100xi32, #tpu.memory_space<vmem>> -> memref<100xi32, #tpu.memory_space<vmem>>
    %dma_wait3A_275 = arith.constant 0 : i32
    %dma_wait3A_276 = arith.constant 0 : i32
    %dma_wait3A_277 = tpu.memref_slice %arg15[%dma_wait3A_275, %dma_wait3A_276] : memref<10000x16xf32, #tpu.memory_space<vmem_shared>> -> memref<10000x16xf32, #tpu.memory_space<vmem_shared>>
    tpu.wait_indirect_dma semaphore(%arg19 : memref<!tpu.dma_semaphore, #tpu.memory_space<semaphore_mem>>) src(%arg13 : memref<100x16xf32, #tpu.memory_space<vmem>>) dst(%dma_wait3A_277 : memref<10000x16xf32, #tpu.memory_space<vmem_shared>>)
    %dma_start3A_278 = arith.constant 0 : i32
    %dma_start3A_279 = arith.constant 3 : i32
    %dma_start3A_280 = arith.constant 1 : i32
    %dma_start3A_281 = arith.constant 0 : i32
    %dma_start3A_282 = arith.constant 0 : i32
    %dma_start3A_283 = tpu.memref_slice %arg12[%dma_start3A_280, %dma_start3A_281, %dma_start3A_282] : memref<2x100x128xf32, #tpu.memory_space<vmem>> -> memref<1x100x128xf32, #tpu.memory_space<vmem>>
    %dma_start3A_284 = tpu.memref_squeeze %dma_start3A_283 : memref<1x100x128xf32, #tpu.memory_space<vmem>> -> memref<100x128xf32, #tpu.memory_space<vmem>>
    %dma_start3A_285 = arith.constant 0 : i32
    %dma_start3A_286 = tpu.memref_slice %arg10[%dma_start3A_278, %dma_start3A_279, %dma_start3A_285] : memref<2x5x100xi32, #tpu.memory_space<vmem>> -> memref<1x1x100xi32, #tpu.memory_space<vmem>>
    %dma_start3A_287 = tpu.memref_squeeze %dma_start3A_286 : memref<1x1x100xi32, #tpu.memory_space<vmem>> -> memref<100xi32, #tpu.memory_space<vmem>>
    %dma_start3A_288 = arith.constant 0 : i32
    %dma_start3A_289 = arith.constant 0 : i32
    %dma_start3A_290 = tpu.memref_slice %arg2[%dma_start3A_288, %dma_start3A_289] : memref<10000x128xf32, #tpu.memory_space<hbm>> -> memref<10000x128xf32, #tpu.memory_space<hbm>>
    tpu.enqueue_indirect_dma source(%dma_start3A_290 : memref<10000x128xf32, #tpu.memory_space<hbm>>) target(%dma_start3A_284 : memref<100x128xf32, #tpu.memory_space<vmem>>) offsets(%dma_start3A_287 : memref<100xi32, #tpu.memory_space<vmem>>) semaphore(%arg17 : memref<!tpu.dma_semaphore, #tpu.memory_space<semaphore_mem>>)
    %dma_wait3A_291 = arith.constant 0 : i32
    %dma_wait3A_292 = arith.constant 2 : i32
    %dma_wait3A_293 = arith.constant 0 : i32
    %dma_wait3A_294 = arith.constant 0 : i32
    %dma_wait3A_295 = arith.constant 0 : i32
    %dma_wait3A_296 = tpu.memref_slice %arg12[%dma_wait3A_293, %dma_wait3A_294, %dma_wait3A_295] : memref<2x100x128xf32, #tpu.memory_space<vmem>> -> memref<1x100x128xf32, #tpu.memory_space<vmem>>
    %dma_wait3A_297 = tpu.memref_squeeze %dma_wait3A_296 : memref<1x100x128xf32, #tpu.memory_space<vmem>> -> memref<100x128xf32, #tpu.memory_space<vmem>>
    %dma_wait3A_298 = arith.constant 0 : i32
    %dma_wait3A_299 = tpu.memref_slice %arg10[%dma_wait3A_291, %dma_wait3A_292, %dma_wait3A_298] : memref<2x5x100xi32, #tpu.memory_space<vmem>> -> memref<1x1x100xi32, #tpu.memory_space<vmem>>
    %dma_wait3A_300 = tpu.memref_squeeze %dma_wait3A_299 : memref<1x1x100xi32, #tpu.memory_space<vmem>> -> memref<100xi32, #tpu.memory_space<vmem>>
    %dma_wait3A_301 = arith.constant 0 : i32
    %dma_wait3A_302 = arith.constant 0 : i32
    %dma_wait3A_303 = tpu.memref_slice %arg2[%dma_wait3A_301, %dma_wait3A_302] : memref<10000x128xf32, #tpu.memory_space<hbm>> -> memref<10000x128xf32, #tpu.memory_space<hbm>>
    tpu.wait_indirect_dma semaphore(%arg16 : memref<!tpu.dma_semaphore, #tpu.memory_space<semaphore_mem>>) src(%dma_wait3A_303 : memref<10000x128xf32, #tpu.memory_space<hbm>>) dst(%dma_wait3A_297 : memref<100x128xf32, #tpu.memory_space<vmem>>)
    %dma_start3A_304 = arith.constant 0 : i32
    %dma_start3A_305 = arith.constant 0 : i32
    %dma_start3A_306 = arith.constant 2 : i32
    %dma_start3A_307 = arith.constant 0 : i32
    %dma_start3A_308 = arith.constant 0 : i32
    %dma_start3A_309 = tpu.memref_slice %arg12[%dma_start3A_304, %dma_start3A_307, %dma_start3A_308] : memref<2x100x128xf32, #tpu.memory_space<vmem>> -> memref<1x100x128xf32, #tpu.memory_space<vmem>>
    %dma_start3A_310 = tpu.memref_squeeze %dma_start3A_309 : memref<1x100x128xf32, #tpu.memory_space<vmem>> -> memref<100x128xf32, #tpu.memory_space<vmem>>
    %dma_start3A_311 = arith.constant 0 : i32
    %dma_start3A_312 = tpu.memref_slice %arg11[%dma_start3A_305, %dma_start3A_306, %dma_start3A_311] : memref<2x5x100xi32, #tpu.memory_space<vmem>> -> memref<1x1x100xi32, #tpu.memory_space<vmem>>
    %dma_start3A_313 = tpu.memref_squeeze %dma_start3A_312 : memref<1x1x100xi32, #tpu.memory_space<vmem>> -> memref<100xi32, #tpu.memory_space<vmem>>
    %dma_start3A_314 = arith.constant 0 : i32
    %dma_start3A_315 = arith.constant 0 : i32
    %dma_start3A_316 = tpu.memref_slice %arg14[%dma_start3A_314, %dma_start3A_315] : memref<10000x128xf32, #tpu.memory_space<vmem_shared>> -> memref<10000x128xf32, #tpu.memory_space<vmem_shared>>
    tpu.enqueue_indirect_dma source(%dma_start3A_310 : memref<100x128xf32, #tpu.memory_space<vmem>>) target(%dma_start3A_316 : memref<10000x128xf32, #tpu.memory_space<vmem_shared>>) offsets(%dma_start3A_313 : memref<100xi32, #tpu.memory_space<vmem>>) semaphore(%arg18 : memref<!tpu.dma_semaphore, #tpu.memory_space<semaphore_mem>>) {add = true}
    %dma_start3A_317 = arith.constant 0 : i32
    %dma_start3A_318 = arith.constant 2 : i32
    %dma_start3A_319 = arith.constant 0 : i32
    %dma_start3A_320 = tpu.memref_slice %arg11[%dma_start3A_317, %dma_start3A_318, %dma_start3A_319] : memref<2x5x100xi32, #tpu.memory_space<vmem>> -> memref<1x1x100xi32, #tpu.memory_space<vmem>>
    %dma_start3A_321 = tpu.memref_squeeze %dma_start3A_320 : memref<1x1x100xi32, #tpu.memory_space<vmem>> -> memref<100xi32, #tpu.memory_space<vmem>>
    %dma_start3A_322 = arith.constant 0 : i32
    %dma_start3A_323 = arith.constant 0 : i32
    %dma_start3A_324 = tpu.memref_slice %arg15[%dma_start3A_322, %dma_start3A_323] : memref<10000x16xf32, #tpu.memory_space<vmem_shared>> -> memref<10000x16xf32, #tpu.memory_space<vmem_shared>>
    tpu.enqueue_indirect_dma source(%arg13 : memref<100x16xf32, #tpu.memory_space<vmem>>) target(%dma_start3A_324 : memref<10000x16xf32, #tpu.memory_space<vmem_shared>>) offsets(%dma_start3A_321 : memref<100xi32, #tpu.memory_space<vmem>>) semaphore(%arg18 : memref<!tpu.dma_semaphore, #tpu.memory_space<semaphore_mem>>) {add = true}
    %dma_wait3A_325 = arith.constant 0 : i32
    %dma_wait3A_326 = arith.constant 0 : i32
    %dma_wait3A_327 = arith.constant 4 : i32
    %dma_wait3A_328 = arith.constant 0 : i32
    %dma_wait3A_329 = arith.constant 0 : i32
    %dma_wait3A_330 = tpu.memref_slice %arg12[%dma_wait3A_325, %dma_wait3A_328, %dma_wait3A_329] : memref<2x100x128xf32, #tpu.memory_space<vmem>> -> memref<1x100x128xf32, #tpu.memory_space<vmem>>
    %dma_wait3A_331 = tpu.memref_squeeze %dma_wait3A_330 : memref<1x100x128xf32, #tpu.memory_space<vmem>> -> memref<100x128xf32, #tpu.memory_space<vmem>>
    %dma_wait3A_332 = arith.constant 0 : i32
    %dma_wait3A_333 = tpu.memref_slice %arg11[%dma_wait3A_326, %dma_wait3A_327, %dma_wait3A_332] : memref<2x5x100xi32, #tpu.memory_space<vmem>> -> memref<1x1x100xi32, #tpu.memory_space<vmem>>
    %dma_wait3A_334 = tpu.memref_squeeze %dma_wait3A_333 : memref<1x1x100xi32, #tpu.memory_space<vmem>> -> memref<100xi32, #tpu.memory_space<vmem>>
    %dma_wait3A_335 = arith.constant 0 : i32
    %dma_wait3A_336 = arith.constant 0 : i32
    %dma_wait3A_337 = tpu.memref_slice %arg14[%dma_wait3A_335, %dma_wait3A_336] : memref<10000x128xf32, #tpu.memory_space<vmem_shared>> -> memref<10000x128xf32, #tpu.memory_space<vmem_shared>>
    tpu.wait_indirect_dma semaphore(%arg18 : memref<!tpu.dma_semaphore, #tpu.memory_space<semaphore_mem>>) src(%dma_wait3A_331 : memref<100x128xf32, #tpu.memory_space<vmem>>) dst(%dma_wait3A_337 : memref<10000x128xf32, #tpu.memory_space<vmem_shared>>)
    %dma_wait3A_338 = arith.constant 0 : i32
    %dma_wait3A_339 = arith.constant 4 : i32
    %dma_wait3A_340 = arith.constant 0 : i32
    %dma_wait3A_341 = tpu.memref_slice %arg11[%dma_wait3A_338, %dma_wait3A_339, %dma_wait3A_340] : memref<2x5x100xi32, #tpu.memory_space<vmem>> -> memref<1x1x100xi32, #tpu.memory_space<vmem>>
    %dma_wait3A_342 = tpu.memref_squeeze %dma_wait3A_341 : memref<1x1x100xi32, #tpu.memory_space<vmem>> -> memref<100xi32, #tpu.memory_space<vmem>>
    %dma_wait3A_343 = arith.constant 0 : i32
    %dma_wait3A_344 = arith.constant 0 : i32
    %dma_wait3A_345 = tpu.memref_slice %arg15[%dma_wait3A_343, %dma_wait3A_344] : memref<10000x16xf32, #tpu.memory_space<vmem_shared>> -> memref<10000x16xf32, #tpu.memory_space<vmem_shared>>
    tpu.wait_indirect_dma semaphore(%arg18 : memref<!tpu.dma_semaphore, #tpu.memory_space<semaphore_mem>>) src(%arg13 : memref<100x16xf32, #tpu.memory_space<vmem>>) dst(%dma_wait3A_345 : memref<10000x16xf32, #tpu.memory_space<vmem_shared>>)
    %dma_start3A_346 = arith.constant 0 : i32
    %dma_start3A_347 = arith.constant 4 : i32
    %dma_start3A_348 = arith.constant 0 : i32
    %dma_start3A_349 = arith.constant 0 : i32
    %dma_start3A_350 = arith.constant 0 : i32
    %dma_start3A_351 = tpu.memref_slice %arg12[%dma_start3A_348, %dma_start3A_349, %dma_start3A_350] : memref<2x100x128xf32, #tpu.memory_space<vmem>> -> memref<1x100x128xf32, #tpu.memory_space<vmem>>
    %dma_start3A_352 = tpu.memref_squeeze %dma_start3A_351 : memref<1x100x128xf32, #tpu.memory_space<vmem>> -> memref<100x128xf32, #tpu.memory_space<vmem>>
    %dma_start3A_353 = arith.constant 0 : i32
    %dma_start3A_354 = tpu.memref_slice %arg10[%dma_start3A_346, %dma_start3A_347, %dma_start3A_353] : memref<2x5x100xi32, #tpu.memory_space<vmem>> -> memref<1x1x100xi32, #tpu.memory_space<vmem>>
    %dma_start3A_355 = tpu.memref_squeeze %dma_start3A_354 : memref<1x1x100xi32, #tpu.memory_space<vmem>> -> memref<100xi32, #tpu.memory_space<vmem>>
    %dma_start3A_356 = arith.constant 0 : i32
    %dma_start3A_357 = arith.constant 0 : i32
    %dma_start3A_358 = tpu.memref_slice %arg2[%dma_start3A_356, %dma_start3A_357] : memref<10000x128xf32, #tpu.memory_space<hbm>> -> memref<10000x128xf32, #tpu.memory_space<hbm>>
    tpu.enqueue_indirect_dma source(%dma_start3A_358 : memref<10000x128xf32, #tpu.memory_space<hbm>>) target(%dma_start3A_352 : memref<100x128xf32, #tpu.memory_space<vmem>>) offsets(%dma_start3A_355 : memref<100xi32, #tpu.memory_space<vmem>>) semaphore(%arg16 : memref<!tpu.dma_semaphore, #tpu.memory_space<semaphore_mem>>)
    %dma_wait3A_359 = arith.constant 0 : i32
    %dma_wait3A_360 = arith.constant 3 : i32
    %dma_wait3A_361 = arith.constant 1 : i32
    %dma_wait3A_362 = arith.constant 0 : i32
    %dma_wait3A_363 = arith.constant 0 : i32
    %dma_wait3A_364 = tpu.memref_slice %arg12[%dma_wait3A_361, %dma_wait3A_362, %dma_wait3A_363] : memref<2x100x128xf32, #tpu.memory_space<vmem>> -> memref<1x100x128xf32, #tpu.memory_space<vmem>>
    %dma_wait3A_365 = tpu.memref_squeeze %dma_wait3A_364 : memref<1x100x128xf32, #tpu.memory_space<vmem>> -> memref<100x128xf32, #tpu.memory_space<vmem>>
    %dma_wait3A_366 = arith.constant 0 : i32
    %dma_wait3A_367 = tpu.memref_slice %arg10[%dma_wait3A_359, %dma_wait3A_360, %dma_wait3A_366] : memref<2x5x100xi32, #tpu.memory_space<vmem>> -> memref<1x1x100xi32, #tpu.memory_space<vmem>>
    %dma_wait3A_368 = tpu.memref_squeeze %dma_wait3A_367 : memref<1x1x100xi32, #tpu.memory_space<vmem>> -> memref<100xi32, #tpu.memory_space<vmem>>
    %dma_wait3A_369 = arith.constant 0 : i32
    %dma_wait3A_370 = arith.constant 0 : i32
    %dma_wait3A_371 = tpu.memref_slice %arg2[%dma_wait3A_369, %dma_wait3A_370] : memref<10000x128xf32, #tpu.memory_space<hbm>> -> memref<10000x128xf32, #tpu.memory_space<hbm>>
    tpu.wait_indirect_dma semaphore(%arg17 : memref<!tpu.dma_semaphore, #tpu.memory_space<semaphore_mem>>) src(%dma_wait3A_371 : memref<10000x128xf32, #tpu.memory_space<hbm>>) dst(%dma_wait3A_365 : memref<100x128xf32, #tpu.memory_space<vmem>>)
    %dma_start3A_372 = arith.constant 1 : i32
    %dma_start3A_373 = arith.constant 0 : i32
    %dma_start3A_374 = arith.constant 3 : i32
    %dma_start3A_375 = arith.constant 0 : i32
    %dma_start3A_376 = arith.constant 0 : i32
    %dma_start3A_377 = tpu.memref_slice %arg12[%dma_start3A_372, %dma_start3A_375, %dma_start3A_376] : memref<2x100x128xf32, #tpu.memory_space<vmem>> -> memref<1x100x128xf32, #tpu.memory_space<vmem>>
    %dma_start3A_378 = tpu.memref_squeeze %dma_start3A_377 : memref<1x100x128xf32, #tpu.memory_space<vmem>> -> memref<100x128xf32, #tpu.memory_space<vmem>>
    %dma_start3A_379 = arith.constant 0 : i32
    %dma_start3A_380 = tpu.memref_slice %arg11[%dma_start3A_373, %dma_start3A_374, %dma_start3A_379] : memref<2x5x100xi32, #tpu.memory_space<vmem>> -> memref<1x1x100xi32, #tpu.memory_space<vmem>>
    %dma_start3A_381 = tpu.memref_squeeze %dma_start3A_380 : memref<1x1x100xi32, #tpu.memory_space<vmem>> -> memref<100xi32, #tpu.memory_space<vmem>>
    %dma_start3A_382 = arith.constant 0 : i32
    %dma_start3A_383 = arith.constant 0 : i32
    %dma_start3A_384 = tpu.memref_slice %arg14[%dma_start3A_382, %dma_start3A_383] : memref<10000x128xf32, #tpu.memory_space<vmem_shared>> -> memref<10000x128xf32, #tpu.memory_space<vmem_shared>>
    tpu.enqueue_indirect_dma source(%dma_start3A_378 : memref<100x128xf32, #tpu.memory_space<vmem>>) target(%dma_start3A_384 : memref<10000x128xf32, #tpu.memory_space<vmem_shared>>) offsets(%dma_start3A_381 : memref<100xi32, #tpu.memory_space<vmem>>) semaphore(%arg19 : memref<!tpu.dma_semaphore, #tpu.memory_space<semaphore_mem>>) {add = true}
    %dma_start3A_385 = arith.constant 0 : i32
    %dma_start3A_386 = arith.constant 3 : i32
    %dma_start3A_387 = arith.constant 0 : i32
    %dma_start3A_388 = tpu.memref_slice %arg11[%dma_start3A_385, %dma_start3A_386, %dma_start3A_387] : memref<2x5x100xi32, #tpu.memory_space<vmem>> -> memref<1x1x100xi32, #tpu.memory_space<vmem>>
    %dma_start3A_389 = tpu.memref_squeeze %dma_start3A_388 : memref<1x1x100xi32, #tpu.memory_space<vmem>> -> memref<100xi32, #tpu.memory_space<vmem>>
    %dma_start3A_390 = arith.constant 0 : i32
    %dma_start3A_391 = arith.constant 0 : i32
    %dma_start3A_392 = tpu.memref_slice %arg15[%dma_start3A_390, %dma_start3A_391] : memref<10000x16xf32, #tpu.memory_space<vmem_shared>> -> memref<10000x16xf32, #tpu.memory_space<vmem_shared>>
    tpu.enqueue_indirect_dma source(%arg13 : memref<100x16xf32, #tpu.memory_space<vmem>>) target(%dma_start3A_392 : memref<10000x16xf32, #tpu.memory_space<vmem_shared>>) offsets(%dma_start3A_389 : memref<100xi32, #tpu.memory_space<vmem>>) semaphore(%arg19 : memref<!tpu.dma_semaphore, #tpu.memory_space<semaphore_mem>>) {add = true}
    %mul3A_393 = arith.constant 40 : i32
    %mul3A_394 = arith.muli %add3A, %mul3A_393 : i32
    %add3A_395 = arith.constant 1 : i32
    %add3A_396 = arith.addi %mul3A_394, %add3A_395 : i32
    %dma_wait3A_397 = arith.constant 1 : i32
    %dma_wait3A_398 = arith.constant 0 : i32
    %dma_wait3A_399 = arith.constant 0 : i32
    %dma_wait3A_400 = tpu.memref_slice %arg10[%dma_wait3A_397, %dma_wait3A_398, %dma_wait3A_399] : memref<2x5x100xi32, #tpu.memory_space<vmem>> -> memref<1x5x100xi32, #tpu.memory_space<vmem>>
    %dma_wait3A_401 = tpu.memref_squeeze %dma_wait3A_400 : memref<1x5x100xi32, #tpu.memory_space<vmem>> -> memref<5x100xi32, #tpu.memory_space<vmem>>
    %dma_wait3A_402 = arith.constant 0 : i32
    %dma_wait3A_403 = arith.constant 0 : i32
    %dma_wait3A_404 = tpu.memref_slice %arg3[%add3A_396, %dma_wait3A_402, %dma_wait3A_403] : memref<640x5x100xi32, #tpu.memory_space<hbm>> -> memref<1x5x100xi32, #tpu.memory_space<hbm>>
    %dma_wait3A_405 = tpu.memref_squeeze %dma_wait3A_404 : memref<1x5x100xi32, #tpu.memory_space<hbm>> -> memref<5x100xi32, #tpu.memory_space<hbm>>
    %dma_wait3A_406 = arith.constant 0 : i32
    %dma_wait3A_407 = arith.constant 0 : i32
    %dma_wait3A_408 = tpu.memref_slice %arg10[%dma_wait3A_397, %dma_wait3A_406, %dma_wait3A_407] : memref<2x5x100xi32, #tpu.memory_space<vmem>> -> memref<1x5x100xi32, #tpu.memory_space<vmem>>
    %dma_wait3A_409 = tpu.memref_squeeze %dma_wait3A_408 : memref<1x5x100xi32, #tpu.memory_space<vmem>> -> memref<5x100xi32, #tpu.memory_space<vmem>>
    %dma_wait3A_410 = arith.constant 0 : i32
    %dma_wait3A_411 = arith.constant 0 : i32
    %dma_wait3A_412 = tpu.memref_slice %arg3[%add3A_396, %dma_wait3A_410, %dma_wait3A_411] : memref<640x5x100xi32, #tpu.memory_space<hbm>> -> memref<1x5x100xi32, #tpu.memory_space<hbm>>
    %dma_wait3A_413 = tpu.memref_squeeze %dma_wait3A_412 : memref<1x5x100xi32, #tpu.memory_space<hbm>> -> memref<5x100xi32, #tpu.memory_space<hbm>>
    tpu.wait_dma2 semaphore(%arg21 : memref<!tpu.dma_semaphore, #tpu.memory_space<semaphore_mem>>) src(%dma_wait3A_413 : memref<5x100xi32, #tpu.memory_space<hbm>>) dst(%dma_wait3A_409 : memref<5x100xi32, #tpu.memory_space<vmem>>)
    %mul3A_414 = arith.constant 40 : i32
    %mul3A_415 = arith.muli %add3A, %mul3A_414 : i32
    %add3A_416 = arith.constant 1 : i32
    %add3A_417 = arith.addi %mul3A_415, %add3A_416 : i32
    %dma_wait3A_418 = arith.constant 1 : i32
    %dma_wait3A_419 = arith.constant 0 : i32
    %dma_wait3A_420 = arith.constant 0 : i32
    %dma_wait3A_421 = tpu.memref_slice %arg11[%dma_wait3A_418, %dma_wait3A_419, %dma_wait3A_420] : memref<2x5x100xi32, #tpu.memory_space<vmem>> -> memref<1x5x100xi32, #tpu.memory_space<vmem>>
    %dma_wait3A_422 = tpu.memref_squeeze %dma_wait3A_421 : memref<1x5x100xi32, #tpu.memory_space<vmem>> -> memref<5x100xi32, #tpu.memory_space<vmem>>
    %dma_wait3A_423 = arith.constant 0 : i32
    %dma_wait3A_424 = arith.constant 0 : i32
    %dma_wait3A_425 = tpu.memref_slice %arg4[%add3A_417, %dma_wait3A_423, %dma_wait3A_424] : memref<640x5x100xi32, #tpu.memory_space<hbm>> -> memref<1x5x100xi32, #tpu.memory_space<hbm>>
    %dma_wait3A_426 = tpu.memref_squeeze %dma_wait3A_425 : memref<1x5x100xi32, #tpu.memory_space<hbm>> -> memref<5x100xi32, #tpu.memory_space<hbm>>
    %dma_wait3A_427 = arith.constant 0 : i32
    %dma_wait3A_428 = arith.constant 0 : i32
    %dma_wait3A_429 = tpu.memref_slice %arg11[%dma_wait3A_418, %dma_wait3A_427, %dma_wait3A_428] : memref<2x5x100xi32, #tpu.memory_space<vmem>> -> memref<1x5x100xi32, #tpu.memory_space<vmem>>
    %dma_wait3A_430 = tpu.memref_squeeze %dma_wait3A_429 : memref<1x5x100xi32, #tpu.memory_space<vmem>> -> memref<5x100xi32, #tpu.memory_space<vmem>>
    %dma_wait3A_431 = arith.constant 0 : i32
    %dma_wait3A_432 = arith.constant 0 : i32
    %dma_wait3A_433 = tpu.memref_slice %arg4[%add3A_417, %dma_wait3A_431, %dma_wait3A_432] : memref<640x5x100xi32, #tpu.memory_space<hbm>> -> memref<1x5x100xi32, #tpu.memory_space<hbm>>
    %dma_wait3A_434 = tpu.memref_squeeze %dma_wait3A_433 : memref<1x5x100xi32, #tpu.memory_space<hbm>> -> memref<5x100xi32, #tpu.memory_space<hbm>>
    tpu.wait_dma2 semaphore(%arg23 : memref<!tpu.dma_semaphore, #tpu.memory_space<semaphore_mem>>) src(%dma_wait3A_434 : memref<5x100xi32, #tpu.memory_space<hbm>>) dst(%dma_wait3A_430 : memref<5x100xi32, #tpu.memory_space<vmem>>)
    %dma_wait3A_435 = arith.constant 1 : i32
    %dma_wait3A_436 = arith.constant 1 : i32
    %dma_wait3A_437 = arith.constant 0 : i32
    %dma_wait3A_438 = arith.constant 0 : i32
    %dma_wait3A_439 = arith.constant 0 : i32
    %dma_wait3A_440 = tpu.memref_slice %arg12[%dma_wait3A_435, %dma_wait3A_438, %dma_wait3A_439] : memref<2x100x128xf32, #tpu.memory_space<vmem>> -> memref<1x100x128xf32, #tpu.memory_space<vmem>>
    %dma_wait3A_441 = tpu.memref_squeeze %dma_wait3A_440 : memref<1x100x128xf32, #tpu.memory_space<vmem>> -> memref<100x128xf32, #tpu.memory_space<vmem>>
    %dma_wait3A_442 = arith.constant 0 : i32
    %dma_wait3A_443 = tpu.memref_slice %arg11[%dma_wait3A_436, %dma_wait3A_437, %dma_wait3A_442] : memref<2x5x100xi32, #tpu.memory_space<vmem>> -> memref<1x1x100xi32, #tpu.memory_space<vmem>>
    %dma_wait3A_444 = tpu.memref_squeeze %dma_wait3A_443 : memref<1x1x100xi32, #tpu.memory_space<vmem>> -> memref<100xi32, #tpu.memory_space<vmem>>
    %dma_wait3A_445 = arith.constant 0 : i32
    %dma_wait3A_446 = arith.constant 0 : i32
    %dma_wait3A_447 = tpu.memref_slice %arg14[%dma_wait3A_445, %dma_wait3A_446] : memref<10000x128xf32, #tpu.memory_space<vmem_shared>> -> memref<10000x128xf32, #tpu.memory_space<vmem_shared>>
    tpu.wait_indirect_dma semaphore(%arg19 : memref<!tpu.dma_semaphore, #tpu.memory_space<semaphore_mem>>) src(%dma_wait3A_441 : memref<100x128xf32, #tpu.memory_space<vmem>>) dst(%dma_wait3A_447 : memref<10000x128xf32, #tpu.memory_space<vmem_shared>>)
    %dma_wait3A_448 = arith.constant 1 : i32
    %dma_wait3A_449 = arith.constant 0 : i32
    %dma_wait3A_450 = arith.constant 0 : i32
    %dma_wait3A_451 = tpu.memref_slice %arg11[%dma_wait3A_448, %dma_wait3A_449, %dma_wait3A_450] : memref<2x5x100xi32, #tpu.memory_space<vmem>> -> memref<1x1x100xi32, #tpu.memory_space<vmem>>
    %dma_wait3A_452 = tpu.memref_squeeze %dma_wait3A_451 : memref<1x1x100xi32, #tpu.memory_space<vmem>> -> memref<100xi32, #tpu.memory_space<vmem>>
    %dma_wait3A_453 = arith.constant 0 : i32
    %dma_wait3A_454 = arith.constant 0 : i32
    %dma_wait3A_455 = tpu.memref_slice %arg15[%dma_wait3A_453, %dma_wait3A_454] : memref<10000x16xf32, #tpu.memory_space<vmem_shared>> -> memref<10000x16xf32, #tpu.memory_space<vmem_shared>>
    tpu.wait_indirect_dma semaphore(%arg19 : memref<!tpu.dma_semaphore, #tpu.memory_space<semaphore_mem>>) src(%arg13 : memref<100x16xf32, #tpu.memory_space<vmem>>) dst(%dma_wait3A_455 : memref<10000x16xf32, #tpu.memory_space<vmem_shared>>)
    %dma_start3A_456 = arith.constant 1 : i32
    %dma_start3A_457 = arith.constant 0 : i32
    %dma_start3A_458 = arith.constant 1 : i32
    %dma_start3A_459 = arith.constant 0 : i32
    %dma_start3A_460 = arith.constant 0 : i32
    %dma_start3A_461 = tpu.memref_slice %arg12[%dma_start3A_458, %dma_start3A_459, %dma_start3A_460] : memref<2x100x128xf32, #tpu.memory_space<vmem>> -> memref<1x100x128xf32, #tpu.memory_space<vmem>>
    %dma_start3A_462 = tpu.memref_squeeze %dma_start3A_461 : memref<1x100x128xf32, #tpu.memory_space<vmem>> -> memref<100x128xf32, #tpu.memory_space<vmem>>
    %dma_start3A_463 = arith.constant 0 : i32
    %dma_start3A_464 = tpu.memref_slice %arg10[%dma_start3A_456, %dma_start3A_457, %dma_start3A_463] : memref<2x5x100xi32, #tpu.memory_space<vmem>> -> memref<1x1x100xi32, #tpu.memory_space<vmem>>
    %dma_start3A_465 = tpu.memref_squeeze %dma_start3A_464 : memref<1x1x100xi32, #tpu.memory_space<vmem>> -> memref<100xi32, #tpu.memory_space<vmem>>
    %dma_start3A_466 = arith.constant 0 : i32
    %dma_start3A_467 = arith.constant 0 : i32
    %dma_start3A_468 = tpu.memref_slice %arg2[%dma_start3A_466, %dma_start3A_467] : memref<10000x128xf32, #tpu.memory_space<hbm>> -> memref<10000x128xf32, #tpu.memory_space<hbm>>
    tpu.enqueue_indirect_dma source(%dma_start3A_468 : memref<10000x128xf32, #tpu.memory_space<hbm>>) target(%dma_start3A_462 : memref<100x128xf32, #tpu.memory_space<vmem>>) offsets(%dma_start3A_465 : memref<100xi32, #tpu.memory_space<vmem>>) semaphore(%arg17 : memref<!tpu.dma_semaphore, #tpu.memory_space<semaphore_mem>>)
    %dma_wait3A_469 = arith.constant 0 : i32
    %dma_wait3A_470 = arith.constant 4 : i32
    %dma_wait3A_471 = arith.constant 0 : i32
    %dma_wait3A_472 = arith.constant 0 : i32
    %dma_wait3A_473 = arith.constant 0 : i32
    %dma_wait3A_474 = tpu.memref_slice %arg12[%dma_wait3A_471, %dma_wait3A_472, %dma_wait3A_473] : memref<2x100x128xf32, #tpu.memory_space<vmem>> -> memref<1x100x128xf32, #tpu.memory_space<vmem>>
    %dma_wait3A_475 = tpu.memref_squeeze %dma_wait3A_474 : memref<1x100x128xf32, #tpu.memory_space<vmem>> -> memref<100x128xf32, #tpu.memory_space<vmem>>
    %dma_wait3A_476 = arith.constant 0 : i32
    %dma_wait3A_477 = tpu.memref_slice %arg10[%dma_wait3A_469, %dma_wait3A_470, %dma_wait3A_476] : memref<2x5x100xi32, #tpu.memory_space<vmem>> -> memref<1x1x100xi32, #tpu.memory_space<vmem>>
    %dma_wait3A_478 = tpu.memref_squeeze %dma_wait3A_477 : memref<1x1x100xi32, #tpu.memory_space<vmem>> -> memref<100xi32, #tpu.memory_space<vmem>>
    %dma_wait3A_479 = arith.constant 0 : i32
    %dma_wait3A_480 = arith.constant 0 : i32
    %dma_wait3A_481 = tpu.memref_slice %arg2[%dma_wait3A_479, %dma_wait3A_480] : memref<10000x128xf32, #tpu.memory_space<hbm>> -> memref<10000x128xf32, #tpu.memory_space<hbm>>
    tpu.wait_indirect_dma semaphore(%arg16 : memref<!tpu.dma_semaphore, #tpu.memory_space<semaphore_mem>>) src(%dma_wait3A_481 : memref<10000x128xf32, #tpu.memory_space<hbm>>) dst(%dma_wait3A_475 : memref<100x128xf32, #tpu.memory_space<vmem>>)
    %dma_start3A_482 = arith.constant 0 : i32
    %dma_start3A_483 = arith.constant 0 : i32
    %dma_start3A_484 = arith.constant 4 : i32
    %dma_start3A_485 = arith.constant 0 : i32
    %dma_start3A_486 = arith.constant 0 : i32
    %dma_start3A_487 = tpu.memref_slice %arg12[%dma_start3A_482, %dma_start3A_485, %dma_start3A_486] : memref<2x100x128xf32, #tpu.memory_space<vmem>> -> memref<1x100x128xf32, #tpu.memory_space<vmem>>
    %dma_start3A_488 = tpu.memref_squeeze %dma_start3A_487 : memref<1x100x128xf32, #tpu.memory_space<vmem>> -> memref<100x128xf32, #tpu.memory_space<vmem>>
    %dma_start3A_489 = arith.constant 0 : i32
    %dma_start3A_490 = tpu.memref_slice %arg11[%dma_start3A_483, %dma_start3A_484, %dma_start3A_489] : memref<2x5x100xi32, #tpu.memory_space<vmem>> -> memref<1x1x100xi32, #tpu.memory_space<vmem>>
    %dma_start3A_491 = tpu.memref_squeeze %dma_start3A_490 : memref<1x1x100xi32, #tpu.memory_space<vmem>> -> memref<100xi32, #tpu.memory_space<vmem>>
    %dma_start3A_492 = arith.constant 0 : i32
    %dma_start3A_493 = arith.constant 0 : i32
    %dma_start3A_494 = tpu.memref_slice %arg14[%dma_start3A_492, %dma_start3A_493] : memref<10000x128xf32, #tpu.memory_space<vmem_shared>> -> memref<10000x128xf32, #tpu.memory_space<vmem_shared>>
    tpu.enqueue_indirect_dma source(%dma_start3A_488 : memref<100x128xf32, #tpu.memory_space<vmem>>) target(%dma_start3A_494 : memref<10000x128xf32, #tpu.memory_space<vmem_shared>>) offsets(%dma_start3A_491 : memref<100xi32, #tpu.memory_space<vmem>>) semaphore(%arg18 : memref<!tpu.dma_semaphore, #tpu.memory_space<semaphore_mem>>) {add = true}
    %dma_start3A_495 = arith.constant 0 : i32
    %dma_start3A_496 = arith.constant 4 : i32
    %dma_start3A_497 = arith.constant 0 : i32
    %dma_start3A_498 = tpu.memref_slice %arg11[%dma_start3A_495, %dma_start3A_496, %dma_start3A_497] : memref<2x5x100xi32, #tpu.memory_space<vmem>> -> memref<1x1x100xi32, #tpu.memory_space<vmem>>
    %dma_start3A_499 = tpu.memref_squeeze %dma_start3A_498 : memref<1x1x100xi32, #tpu.memory_space<vmem>> -> memref<100xi32, #tpu.memory_space<vmem>>
    %dma_start3A_500 = arith.constant 0 : i32
    %dma_start3A_501 = arith.constant 0 : i32
    %dma_start3A_502 = tpu.memref_slice %arg15[%dma_start3A_500, %dma_start3A_501] : memref<10000x16xf32, #tpu.memory_space<vmem_shared>> -> memref<10000x16xf32, #tpu.memory_space<vmem_shared>>
    tpu.enqueue_indirect_dma source(%arg13 : memref<100x16xf32, #tpu.memory_space<vmem>>) target(%dma_start3A_502 : memref<10000x16xf32, #tpu.memory_space<vmem_shared>>) offsets(%dma_start3A_499 : memref<100xi32, #tpu.memory_space<vmem>>) semaphore(%arg18 : memref<!tpu.dma_semaphore, #tpu.memory_space<semaphore_mem>>) {add = true}
    %dma_wait3A_503 = arith.constant 0 : i32
    %dma_wait3A_504 = arith.constant 1 : i32
    %dma_wait3A_505 = arith.constant 1 : i32
    %dma_wait3A_506 = arith.constant 0 : i32
    %dma_wait3A_507 = arith.constant 0 : i32
    %dma_wait3A_508 = tpu.memref_slice %arg12[%dma_wait3A_503, %dma_wait3A_506, %dma_wait3A_507] : memref<2x100x128xf32, #tpu.memory_space<vmem>> -> memref<1x100x128xf32, #tpu.memory_space<vmem>>
    %dma_wait3A_509 = tpu.memref_squeeze %dma_wait3A_508 : memref<1x100x128xf32, #tpu.memory_space<vmem>> -> memref<100x128xf32, #tpu.memory_space<vmem>>
    %dma_wait3A_510 = arith.constant 0 : i32
    %dma_wait3A_511 = tpu.memref_slice %arg11[%dma_wait3A_504, %dma_wait3A_505, %dma_wait3A_510] : memref<2x5x100xi32, #tpu.memory_space<vmem>> -> memref<1x1x100xi32, #tpu.memory_space<vmem>>
    %dma_wait3A_512 = tpu.memref_squeeze %dma_wait3A_511 : memref<1x1x100xi32, #tpu.memory_space<vmem>> -> memref<100xi32, #tpu.memory_space<vmem>>
    %dma_wait3A_513 = arith.constant 0 : i32
    %dma_wait3A_514 = arith.constant 0 : i32
    %dma_wait3A_515 = tpu.memref_slice %arg14[%dma_wait3A_513, %dma_wait3A_514] : memref<10000x128xf32, #tpu.memory_space<vmem_shared>> -> memref<10000x128xf32, #tpu.memory_space<vmem_shared>>
    tpu.wait_indirect_dma semaphore(%arg18 : memref<!tpu.dma_semaphore, #tpu.memory_space<semaphore_mem>>) src(%dma_wait3A_509 : memref<100x128xf32, #tpu.memory_space<vmem>>) dst(%dma_wait3A_515 : memref<10000x128xf32, #tpu.memory_space<vmem_shared>>)
    %dma_wait3A_516 = arith.constant 1 : i32
    %dma_wait3A_517 = arith.constant 1 : i32
    %dma_wait3A_518 = arith.constant 0 : i32
    %dma_wait3A_519 = tpu.memref_slice %arg11[%dma_wait3A_516, %dma_wait3A_517, %dma_wait3A_518] : memref<2x5x100xi32, #tpu.memory_space<vmem>> -> memref<1x1x100xi32, #tpu.memory_space<vmem>>
    %dma_wait3A_520 = tpu.memref_squeeze %dma_wait3A_519 : memref<1x1x100xi32, #tpu.memory_space<vmem>> -> memref<100xi32, #tpu.memory_space<vmem>>
    %dma_wait3A_521 = arith.constant 0 : i32
    %dma_wait3A_522 = arith.constant 0 : i32
    %dma_wait3A_523 = tpu.memref_slice %arg15[%dma_wait3A_521, %dma_wait3A_522] : memref<10000x16xf32, #tpu.memory_space<vmem_shared>> -> memref<10000x16xf32, #tpu.memory_space<vmem_shared>>
    tpu.wait_indirect_dma semaphore(%arg18 : memref<!tpu.dma_semaphore, #tpu.memory_space<semaphore_mem>>) src(%arg13 : memref<100x16xf32, #tpu.memory_space<vmem>>) dst(%dma_wait3A_523 : memref<10000x16xf32, #tpu.memory_space<vmem_shared>>)
    %dma_start3A_524 = arith.constant 1 : i32
    %dma_start3A_525 = arith.constant 1 : i32
    %dma_start3A_526 = arith.constant 0 : i32
    %dma_start3A_527 = arith.constant 0 : i32
    %dma_start3A_528 = arith.constant 0 : i32
    %dma_start3A_529 = tpu.memref_slice %arg12[%dma_start3A_526, %dma_start3A_527, %dma_start3A_528] : memref<2x100x128xf32, #tpu.memory_space<vmem>> -> memref<1x100x128xf32, #tpu.memory_space<vmem>>
    %dma_start3A_530 = tpu.memref_squeeze %dma_start3A_529 : memref<1x100x128xf32, #tpu.memory_space<vmem>> -> memref<100x128xf32, #tpu.memory_space<vmem>>
    %dma_start3A_531 = arith.constant 0 : i32
    %dma_start3A_532 = tpu.memref_slice %arg10[%dma_start3A_524, %dma_start3A_525, %dma_start3A_531] : memref<2x5x100xi32, #tpu.memory_space<vmem>> -> memref<1x1x100xi32, #tpu.memory_space<vmem>>
    %dma_start3A_533 = tpu.memref_squeeze %dma_start3A_532 : memref<1x1x100xi32, #tpu.memory_space<vmem>> -> memref<100xi32, #tpu.memory_space<vmem>>
    %dma_start3A_534 = arith.constant 0 : i32
    %dma_start3A_535 = arith.constant 0 : i32
    %dma_start3A_536 = tpu.memref_slice %arg2[%dma_start3A_534, %dma_start3A_535] : memref<10000x128xf32, #tpu.memory_space<hbm>> -> memref<10000x128xf32, #tpu.memory_space<hbm>>
    tpu.enqueue_indirect_dma source(%dma_start3A_536 : memref<10000x128xf32, #tpu.memory_space<hbm>>) target(%dma_start3A_530 : memref<100x128xf32, #tpu.memory_space<vmem>>) offsets(%dma_start3A_533 : memref<100xi32, #tpu.memory_space<vmem>>) semaphore(%arg16 : memref<!tpu.dma_semaphore, #tpu.memory_space<semaphore_mem>>)
    %dma_wait3A_537 = arith.constant 1 : i32
    %dma_wait3A_538 = arith.constant 0 : i32
    %dma_wait3A_539 = arith.constant 1 : i32
    %dma_wait3A_540 = arith.constant 0 : i32
    %dma_wait3A_541 = arith.constant 0 : i32
    %dma_wait3A_542 = tpu.memref_slice %arg12[%dma_wait3A_539, %dma_wait3A_540, %dma_wait3A_541] : memref<2x100x128xf32, #tpu.memory_space<vmem>> -> memref<1x100x128xf32, #tpu.memory_space<vmem>>
    %dma_wait3A_543 = tpu.memref_squeeze %dma_wait3A_542 : memref<1x100x128xf32, #tpu.memory_space<vmem>> -> memref<100x128xf32, #tpu.memory_space<vmem>>
    %dma_wait3A_544 = arith.constant 0 : i32
    %dma_wait3A_545 = tpu.memref_slice %arg10[%dma_wait3A_537, %dma_wait3A_538, %dma_wait3A_544] : memref<2x5x100xi32, #tpu.memory_space<vmem>> -> memref<1x1x100xi32, #tpu.memory_space<vmem>>
    %dma_wait3A_546 = tpu.memref_squeeze %dma_wait3A_545 : memref<1x1x100xi32, #tpu.memory_space<vmem>> -> memref<100xi32, #tpu.memory_space<vmem>>
    %dma_wait3A_547 = arith.constant 0 : i32
    %dma_wait3A_548 = arith.constant 0 : i32
    %dma_wait3A_549 = tpu.memref_slice %arg2[%dma_wait3A_547, %dma_wait3A_548] : memref<10000x128xf32, #tpu.memory_space<hbm>> -> memref<10000x128xf32, #tpu.memory_space<hbm>>
    tpu.wait_indirect_dma semaphore(%arg17 : memref<!tpu.dma_semaphore, #tpu.memory_space<semaphore_mem>>) src(%dma_wait3A_549 : memref<10000x128xf32, #tpu.memory_space<hbm>>) dst(%dma_wait3A_543 : memref<100x128xf32, #tpu.memory_space<vmem>>)
    %dma_start3A_550 = arith.constant 1 : i32
    %dma_start3A_551 = arith.constant 1 : i32
    %dma_start3A_552 = arith.constant 0 : i32
    %dma_start3A_553 = arith.constant 0 : i32
    %dma_start3A_554 = arith.constant 0 : i32
    %dma_start3A_555 = tpu.memref_slice %arg12[%dma_start3A_550, %dma_start3A_553, %dma_start3A_554] : memref<2x100x128xf32, #tpu.memory_space<vmem>> -> memref<1x100x128xf32, #tpu.memory_space<vmem>>
    %dma_start3A_556 = tpu.memref_squeeze %dma_start3A_555 : memref<1x100x128xf32, #tpu.memory_space<vmem>> -> memref<100x128xf32, #tpu.memory_space<vmem>>
    %dma_start3A_557 = arith.constant 0 : i32
    %dma_start3A_558 = tpu.memref_slice %arg11[%dma_start3A_551, %dma_start3A_552, %dma_start3A_557] : memref<2x5x100xi32, #tpu.memory_space<vmem>> -> memref<1x1x100xi32, #tpu.memory_space<vmem>>
    %dma_start3A_559 = tpu.memref_squeeze %dma_start3A_558 : memref<1x1x100xi32, #tpu.memory_space<vmem>> -> memref<100xi32, #tpu.memory_space<vmem>>
    %dma_start3A_560 = arith.constant 0 : i32
    %dma_start3A_561 = arith.constant 0 : i32
    %dma_start3A_562 = tpu.memref_slice %arg14[%dma_start3A_560, %dma_start3A_561] : memref<10000x128xf32, #tpu.memory_space<vmem_shared>> -> memref<10000x128xf32, #tpu.memory_space<vmem_shared>>
    tpu.enqueue_indirect_dma source(%dma_start3A_556 : memref<100x128xf32, #tpu.memory_space<vmem>>) target(%dma_start3A_562 : memref<10000x128xf32, #tpu.memory_space<vmem_shared>>) offsets(%dma_start3A_559 : memref<100xi32, #tpu.memory_space<vmem>>) semaphore(%arg19 : memref<!tpu.dma_semaphore, #tpu.memory_space<semaphore_mem>>) {add = true}
    %dma_start3A_563 = arith.constant 1 : i32
    %dma_start3A_564 = arith.constant 0 : i32
    %dma_start3A_565 = arith.constant 0 : i32
    %dma_start3A_566 = tpu.memref_slice %arg11[%dma_start3A_563, %dma_start3A_564, %dma_start3A_565] : memref<2x5x100xi32, #tpu.memory_space<vmem>> -> memref<1x1x100xi32, #tpu.memory_space<vmem>>
    %dma_start3A_567 = tpu.memref_squeeze %dma_start3A_566 : memref<1x1x100xi32, #tpu.memory_space<vmem>> -> memref<100xi32, #tpu.memory_space<vmem>>
    %dma_start3A_568 = arith.constant 0 : i32
    %dma_start3A_569 = arith.constant 0 : i32
    %dma_start3A_570 = tpu.memref_slice %arg15[%dma_start3A_568, %dma_start3A_569] : memref<10000x16xf32, #tpu.memory_space<vmem_shared>> -> memref<10000x16xf32, #tpu.memory_space<vmem_shared>>
    tpu.enqueue_indirect_dma source(%arg13 : memref<100x16xf32, #tpu.memory_space<vmem>>) target(%dma_start3A_570 : memref<10000x16xf32, #tpu.memory_space<vmem_shared>>) offsets(%dma_start3A_567 : memref<100xi32, #tpu.memory_space<vmem>>) semaphore(%arg19 : memref<!tpu.dma_semaphore, #tpu.memory_space<semaphore_mem>>) {add = true}
    %min3A = arith.constant 2 : i32
    %min3A_571 = arith.constant 39 : i32
    %min3A_572 = arith.minsi %min3A, %min3A_571 : i32
    %mul3A_573 = arith.constant 40 : i32
    %mul3A_574 = arith.muli %add3A, %mul3A_573 : i32
    %add3A_575 = arith.addi %mul3A_574, %min3A_572 : i32
    %dma_start3A_576 = arith.constant 0 : i32
    %dma_start3A_577 = arith.constant 0 : i32
    %dma_start3A_578 = arith.constant 0 : i32
    %dma_start3A_579 = tpu.memref_slice %arg10[%dma_start3A_576, %dma_start3A_577, %dma_start3A_578] : memref<2x5x100xi32, #tpu.memory_space<vmem>> -> memref<1x5x100xi32, #tpu.memory_space<vmem>>
    %dma_start3A_580 = tpu.memref_squeeze %dma_start3A_579 : memref<1x5x100xi32, #tpu.memory_space<vmem>> -> memref<5x100xi32, #tpu.memory_space<vmem>>
    %dma_start3A_581 = arith.constant 0 : i32
    %dma_start3A_582 = arith.constant 0 : i32
    %dma_start3A_583 = tpu.memref_slice %arg3[%add3A_575, %dma_start3A_581, %dma_start3A_582] : memref<640x5x100xi32, #tpu.memory_space<hbm>> -> memref<1x5x100xi32, #tpu.memory_space<hbm>>
    %dma_start3A_584 = tpu.memref_squeeze %dma_start3A_583 : memref<1x5x100xi32, #tpu.memory_space<hbm>> -> memref<5x100xi32, #tpu.memory_space<hbm>>
    %dma_start3A_585 = arith.constant 0 : i32
    %dma_start3A_586 = arith.constant 0 : i32
    %dma_start3A_587 = tpu.memref_slice %arg10[%dma_start3A_576, %dma_start3A_585, %dma_start3A_586] : memref<2x5x100xi32, #tpu.memory_space<vmem>> -> memref<1x5x100xi32, #tpu.memory_space<vmem>>
    %dma_start3A_588 = tpu.memref_squeeze %dma_start3A_587 : memref<1x5x100xi32, #tpu.memory_space<vmem>> -> memref<5x100xi32, #tpu.memory_space<vmem>>
    %dma_start3A_589 = arith.constant 0 : i32
    %dma_start3A_590 = arith.constant 0 : i32
    %dma_start3A_591 = tpu.memref_slice %arg3[%add3A_575, %dma_start3A_589, %dma_start3A_590] : memref<640x5x100xi32, #tpu.memory_space<hbm>> -> memref<1x5x100xi32, #tpu.memory_space<hbm>>
    %dma_start3A_592 = tpu.memref_squeeze %dma_start3A_591 : memref<1x5x100xi32, #tpu.memory_space<hbm>> -> memref<5x100xi32, #tpu.memory_space<hbm>>
    tpu.enqueue_dma source(%dma_start3A_592 : memref<5x100xi32, #tpu.memory_space<hbm>>) target(%dma_start3A_588 : memref<5x100xi32, #tpu.memory_space<vmem>>) target_semaphore(%arg20 : memref<!tpu.dma_semaphore, #tpu.memory_space<semaphore_mem>>)
    %mul3A_593 = arith.constant 40 : i32
    %mul3A_594 = arith.muli %add3A, %mul3A_593 : i32
    %add3A_595 = arith.addi %mul3A_594, %min3A_572 : i32
    %dma_start3A_596 = arith.constant 0 : i32
    %dma_start3A_597 = arith.constant 0 : i32
    %dma_start3A_598 = arith.constant 0 : i32
    %dma_start3A_599 = tpu.memref_slice %arg11[%dma_start3A_596, %dma_start3A_597, %dma_start3A_598] : memref<2x5x100xi32, #tpu.memory_space<vmem>> -> memref<1x5x100xi32, #tpu.memory_space<vmem>>
    %dma_start3A_600 = tpu.memref_squeeze %dma_start3A_599 : memref<1x5x100xi32, #tpu.memory_space<vmem>> -> memref<5x100xi32, #tpu.memory_space<vmem>>
    %dma_start3A_601 = arith.constant 0 : i32
    %dma_start3A_602 = arith.constant 0 : i32
    %dma_start3A_603 = tpu.memref_slice %arg4[%add3A_595, %dma_start3A_601, %dma_start3A_602] : memref<640x5x100xi32, #tpu.memory_space<hbm>> -> memref<1x5x100xi32, #tpu.memory_space<hbm>>
    %dma_start3A_604 = tpu.memref_squeeze %dma_start3A_603 : memref<1x5x100xi32, #tpu.memory_space<hbm>> -> memref<5x100xi32, #tpu.memory_space<hbm>>
    %dma_start3A_605 = arith.constant 0 : i32
    %dma_start3A_606 = arith.constant 0 : i32
    %dma_start3A_607 = tpu.memref_slice %arg11[%dma_start3A_596, %dma_start3A_605, %dma_start3A_606] : memref<2x5x100xi32, #tpu.memory_space<vmem>> -> memref<1x5x100xi32, #tpu.memory_space<vmem>>
    %dma_start3A_608 = tpu.memref_squeeze %dma_start3A_607 : memref<1x5x100xi32, #tpu.memory_space<vmem>> -> memref<5x100xi32, #tpu.memory_space<vmem>>
    %dma_start3A_609 = arith.constant 0 : i32
    %dma_start3A_610 = arith.constant 0 : i32
    %dma_start3A_611 = tpu.memref_slice %arg4[%add3A_595, %dma_start3A_609, %dma_start3A_610] : memref<640x5x100xi32, #tpu.memory_space<hbm>> -> memref<1x5x100xi32, #tpu.memory_space<hbm>>
    %dma_start3A_612 = tpu.memref_squeeze %dma_start3A_611 : memref<1x5x100xi32, #tpu.memory_space<hbm>> -> memref<5x100xi32, #tpu.memory_space<hbm>>
    tpu.enqueue_dma source(%dma_start3A_612 : memref<5x100xi32, #tpu.memory_space<hbm>>) target(%dma_start3A_608 : memref<5x100xi32, #tpu.memory_space<vmem>>) target_semaphore(%arg22 : memref<!tpu.dma_semaphore, #tpu.memory_space<semaphore_mem>>)
    %dma_wait3A_613 = arith.constant 1 : i32
    %dma_wait3A_614 = arith.constant 1 : i32
    %dma_wait3A_615 = arith.constant 2 : i32
    %dma_wait3A_616 = arith.constant 0 : i32
    %dma_wait3A_617 = arith.constant 0 : i32
    %dma_wait3A_618 = tpu.memref_slice %arg12[%dma_wait3A_613, %dma_wait3A_616, %dma_wait3A_617] : memref<2x100x128xf32, #tpu.memory_space<vmem>> -> memref<1x100x128xf32, #tpu.memory_space<vmem>>
    %dma_wait3A_619 = tpu.memref_squeeze %dma_wait3A_618 : memref<1x100x128xf32, #tpu.memory_space<vmem>> -> memref<100x128xf32, #tpu.memory_space<vmem>>
    %dma_wait3A_620 = arith.constant 0 : i32
    %dma_wait3A_621 = tpu.memref_slice %arg11[%dma_wait3A_614, %dma_wait3A_615, %dma_wait3A_620] : memref<2x5x100xi32, #tpu.memory_space<vmem>> -> memref<1x1x100xi32, #tpu.memory_space<vmem>>
    %dma_wait3A_622 = tpu.memref_squeeze %dma_wait3A_621 : memref<1x1x100xi32, #tpu.memory_space<vmem>> -> memref<100xi32, #tpu.memory_space<vmem>>
    %dma_wait3A_623 = arith.constant 0 : i32
    %dma_wait3A_624 = arith.constant 0 : i32
    %dma_wait3A_625 = tpu.memref_slice %arg14[%dma_wait3A_623, %dma_wait3A_624] : memref<10000x128xf32, #tpu.memory_space<vmem_shared>> -> memref<10000x128xf32, #tpu.memory_space<vmem_shared>>
    tpu.wait_indirect_dma semaphore(%arg19 : memref<!tpu.dma_semaphore, #tpu.memory_space<semaphore_mem>>) src(%dma_wait3A_619 : memref<100x128xf32, #tpu.memory_space<vmem>>) dst(%dma_wait3A_625 : memref<10000x128xf32, #tpu.memory_space<vmem_shared>>)
    %dma_wait3A_626 = arith.constant 1 : i32
    %dma_wait3A_627 = arith.constant 2 : i32
    %dma_wait3A_628 = arith.constant 0 : i32
    %dma_wait3A_629 = tpu.memref_slice %arg11[%dma_wait3A_626, %dma_wait3A_627, %dma_wait3A_628] : memref<2x5x100xi32, #tpu.memory_space<vmem>> -> memref<1x1x100xi32, #tpu.memory_space<vmem>>
    %dma_wait3A_630 = tpu.memref_squeeze %dma_wait3A_629 : memref<1x1x100xi32, #tpu.memory_space<vmem>> -> memref<100xi32, #tpu.memory_space<vmem>>
    %dma_wait3A_631 = arith.constant 0 : i32
    %dma_wait3A_632 = arith.constant 0 : i32
    %dma_wait3A_633 = tpu.memref_slice %arg15[%dma_wait3A_631, %dma_wait3A_632] : memref<10000x16xf32, #tpu.memory_space<vmem_shared>> -> memref<10000x16xf32, #tpu.memory_space<vmem_shared>>
    tpu.wait_indirect_dma semaphore(%arg19 : memref<!tpu.dma_semaphore, #tpu.memory_space<semaphore_mem>>) src(%arg13 : memref<100x16xf32, #tpu.memory_space<vmem>>) dst(%dma_wait3A_633 : memref<10000x16xf32, #tpu.memory_space<vmem_shared>>)
    %dma_start3A_634 = arith.constant 1 : i32
    %dma_start3A_635 = arith.constant 2 : i32
    %dma_start3A_636 = arith.constant 1 : i32
    %dma_start3A_637 = arith.constant 0 : i32
    %dma_start3A_638 = arith.constant 0 : i32
    %dma_start3A_639 = tpu.memref_slice %arg12[%dma_start3A_636, %dma_start3A_637, %dma_start3A_638] : memref<2x100x128xf32, #tpu.memory_space<vmem>> -> memref<1x100x128xf32, #tpu.memory_space<vmem>>
    %dma_start3A_640 = tpu.memref_squeeze %dma_start3A_639 : memref<1x100x128xf32, #tpu.memory_space<vmem>> -> memref<100x128xf32, #tpu.memory_space<vmem>>
    %dma_start3A_641 = arith.constant 0 : i32
    %dma_start3A_642 = tpu.memref_slice %arg10[%dma_start3A_634, %dma_start3A_635, %dma_start3A_641] : memref<2x5x100xi32, #tpu.memory_space<vmem>> -> memref<1x1x100xi32, #tpu.memory_space<vmem>>
    %dma_start3A_643 = tpu.memref_squeeze %dma_start3A_642 : memref<1x1x100xi32, #tpu.memory_space<vmem>> -> memref<100xi32, #tpu.memory_space<vmem>>
    %dma_start3A_644 = arith.constant 0 : i32
    %dma_start3A_645 = arith.constant 0 : i32
    %dma_start3A_646 = tpu.memref_slice %arg2[%dma_start3A_644, %dma_start3A_645] : memref<10000x128xf32, #tpu.memory_space<hbm>> -> memref<10000x128xf32, #tpu.memory_space<hbm>>
    tpu.enqueue_indirect_dma source(%dma_start3A_646 : memref<10000x128xf32, #tpu.memory_space<hbm>>) target(%dma_start3A_640 : memref<100x128xf32, #tpu.memory_space<vmem>>) offsets(%dma_start3A_643 : memref<100xi32, #tpu.memory_space<vmem>>) semaphore(%arg17 : memref<!tpu.dma_semaphore, #tpu.memory_space<semaphore_mem>>)
    %dma_wait3A_647 = arith.constant 1 : i32
    %dma_wait3A_648 = arith.constant 1 : i32
    %dma_wait3A_649 = arith.constant 0 : i32
    %dma_wait3A_650 = arith.constant 0 : i32
    %dma_wait3A_651 = arith.constant 0 : i32
    %dma_wait3A_652 = tpu.memref_slice %arg12[%dma_wait3A_649, %dma_wait3A_650, %dma_wait3A_651] : memref<2x100x128xf32, #tpu.memory_space<vmem>> -> memref<1x100x128xf32, #tpu.memory_space<vmem>>
    %dma_wait3A_653 = tpu.memref_squeeze %dma_wait3A_652 : memref<1x100x128xf32, #tpu.memory_space<vmem>> -> memref<100x128xf32, #tpu.memory_space<vmem>>
    %dma_wait3A_654 = arith.constant 0 : i32
    %dma_wait3A_655 = tpu.memref_slice %arg10[%dma_wait3A_647, %dma_wait3A_648, %dma_wait3A_654] : memref<2x5x100xi32, #tpu.memory_space<vmem>> -> memref<1x1x100xi32, #tpu.memory_space<vmem>>
    %dma_wait3A_656 = tpu.memref_squeeze %dma_wait3A_655 : memref<1x1x100xi32, #tpu.memory_space<vmem>> -> memref<100xi32, #tpu.memory_space<vmem>>
    %dma_wait3A_657 = arith.constant 0 : i32
    %dma_wait3A_658 = arith.constant 0 : i32
    %dma_wait3A_659 = tpu.memref_slice %arg2[%dma_wait3A_657, %dma_wait3A_658] : memref<10000x128xf32, #tpu.memory_space<hbm>> -> memref<10000x128xf32, #tpu.memory_space<hbm>>
    tpu.wait_indirect_dma semaphore(%arg16 : memref<!tpu.dma_semaphore, #tpu.memory_space<semaphore_mem>>) src(%dma_wait3A_659 : memref<10000x128xf32, #tpu.memory_space<hbm>>) dst(%dma_wait3A_653 : memref<100x128xf32, #tpu.memory_space<vmem>>)
    %dma_start3A_660 = arith.constant 0 : i32
    %dma_start3A_661 = arith.constant 1 : i32
    %dma_start3A_662 = arith.constant 1 : i32
    %dma_start3A_663 = arith.constant 0 : i32
    %dma_start3A_664 = arith.constant 0 : i32
    %dma_start3A_665 = tpu.memref_slice %arg12[%dma_start3A_660, %dma_start3A_663, %dma_start3A_664] : memref<2x100x128xf32, #tpu.memory_space<vmem>> -> memref<1x100x128xf32, #tpu.memory_space<vmem>>
    %dma_start3A_666 = tpu.memref_squeeze %dma_start3A_665 : memref<1x100x128xf32, #tpu.memory_space<vmem>> -> memref<100x128xf32, #tpu.memory_space<vmem>>
    %dma_start3A_667 = arith.constant 0 : i32
    %dma_start3A_668 = tpu.memref_slice %arg11[%dma_start3A_661, %dma_start3A_662, %dma_start3A_667] : memref<2x5x100xi32, #tpu.memory_space<vmem>> -> memref<1x1x100xi32, #tpu.memory_space<vmem>>
    %dma_start3A_669 = tpu.memref_squeeze %dma_start3A_668 : memref<1x1x100xi32, #tpu.memory_space<vmem>> -> memref<100xi32, #tpu.memory_space<vmem>>
    %dma_start3A_670 = arith.constant 0 : i32
    %dma_start3A_671 = arith.constant 0 : i32
    %dma_start3A_672 = tpu.memref_slice %arg14[%dma_start3A_670, %dma_start3A_671] : memref<10000x128xf32, #tpu.memory_space<vmem_shared>> -> memref<10000x128xf32, #tpu.memory_space<vmem_shared>>
    tpu.enqueue_indirect_dma source(%dma_start3A_666 : memref<100x128xf32, #tpu.memory_space<vmem>>) target(%dma_start3A_672 : memref<10000x128xf32, #tpu.memory_space<vmem_shared>>) offsets(%dma_start3A_669 : memref<100xi32, #tpu.memory_space<vmem>>) semaphore(%arg18 : memref<!tpu.dma_semaphore, #tpu.memory_space<semaphore_mem>>) {add = true}
    %dma_start3A_673 = arith.constant 1 : i32
    %dma_start3A_674 = arith.constant 1 : i32
    %dma_start3A_675 = arith.constant 0 : i32
    %dma_start3A_676 = tpu.memref_slice %arg11[%dma_start3A_673, %dma_start3A_674, %dma_start3A_675] : memref<2x5x100xi32, #tpu.memory_space<vmem>> -> memref<1x1x100xi32, #tpu.memory_space<vmem>>
    %dma_start3A_677 = tpu.memref_squeeze %dma_start3A_676 : memref<1x1x100xi32, #tpu.memory_space<vmem>> -> memref<100xi32, #tpu.memory_space<vmem>>
    %dma_start3A_678 = arith.constant 0 : i32
    %dma_start3A_679 = arith.constant 0 : i32
    %dma_start3A_680 = tpu.memref_slice %arg15[%dma_start3A_678, %dma_start3A_679] : memref<10000x16xf32, #tpu.memory_space<vmem_shared>> -> memref<10000x16xf32, #tpu.memory_space<vmem_shared>>
    tpu.enqueue_indirect_dma source(%arg13 : memref<100x16xf32, #tpu.memory_space<vmem>>) target(%dma_start3A_680 : memref<10000x16xf32, #tpu.memory_space<vmem_shared>>) offsets(%dma_start3A_677 : memref<100xi32, #tpu.memory_space<vmem>>) semaphore(%arg18 : memref<!tpu.dma_semaphore, #tpu.memory_space<semaphore_mem>>) {add = true}
    %dma_wait3A_681 = arith.constant 0 : i32
    %dma_wait3A_682 = arith.constant 1 : i32
    %dma_wait3A_683 = arith.constant 3 : i32
    %dma_wait3A_684 = arith.constant 0 : i32
    %dma_wait3A_685 = arith.constant 0 : i32
    %dma_wait3A_686 = tpu.memref_slice %arg12[%dma_wait3A_681, %dma_wait3A_684, %dma_wait3A_685] : memref<2x100x128xf32, #tpu.memory_space<vmem>> -> memref<1x100x128xf32, #tpu.memory_space<vmem>>
    %dma_wait3A_687 = tpu.memref_squeeze %dma_wait3A_686 : memref<1x100x128xf32, #tpu.memory_space<vmem>> -> memref<100x128xf32, #tpu.memory_space<vmem>>
    %dma_wait3A_688 = arith.constant 0 : i32
    %dma_wait3A_689 = tpu.memref_slice %arg11[%dma_wait3A_682, %dma_wait3A_683, %dma_wait3A_688] : memref<2x5x100xi32, #tpu.memory_space<vmem>> -> memref<1x1x100xi32, #tpu.memory_space<vmem>>
    %dma_wait3A_690 = tpu.memref_squeeze %dma_wait3A_689 : memref<1x1x100xi32, #tpu.memory_space<vmem>> -> memref<100xi32, #tpu.memory_space<vmem>>
    %dma_wait3A_691 = arith.constant 0 : i32
    %dma_wait3A_692 = arith.constant 0 : i32
    %dma_wait3A_693 = tpu.memref_slice %arg14[%dma_wait3A_691, %dma_wait3A_692] : memref<10000x128xf32, #tpu.memory_space<vmem_shared>> -> memref<10000x128xf32, #tpu.memory_space<vmem_shared>>
    tpu.wait_indirect_dma semaphore(%arg18 : memref<!tpu.dma_semaphore, #tpu.memory_space<semaphore_mem>>) src(%dma_wait3A_687 : memref<100x128xf32, #tpu.memory_space<vmem>>) dst(%dma_wait3A_693 : memref<10000x128xf32, #tpu.memory_space<vmem_shared>>)
    %dma_wait3A_694 = arith.constant 1 : i32
    %dma_wait3A_695 = arith.constant 3 : i32
    %dma_wait3A_696 = arith.constant 0 : i32
    %dma_wait3A_697 = tpu.memref_slice %arg11[%dma_wait3A_694, %dma_wait3A_695, %dma_wait3A_696] : memref<2x5x100xi32, #tpu.memory_space<vmem>> -> memref<1x1x100xi32, #tpu.memory_space<vmem>>
    %dma_wait3A_698 = tpu.memref_squeeze %dma_wait3A_697 : memref<1x1x100xi32, #tpu.memory_space<vmem>> -> memref<100xi32, #tpu.memory_space<vmem>>
    %dma_wait3A_699 = arith.constant 0 : i32
    %dma_wait3A_700 = arith.constant 0 : i32
    %dma_wait3A_701 = tpu.memref_slice %arg15[%dma_wait3A_699, %dma_wait3A_700] : memref<10000x16xf32, #tpu.memory_space<vmem_shared>> -> memref<10000x16xf32, #tpu.memory_space<vmem_shared>>
    tpu.wait_indirect_dma semaphore(%arg18 : memref<!tpu.dma_semaphore, #tpu.memory_space<semaphore_mem>>) src(%arg13 : memref<100x16xf32, #tpu.memory_space<vmem>>) dst(%dma_wait3A_701 : memref<10000x16xf32, #tpu.memory_space<vmem_shared>>)
    %dma_start3A_702 = arith.constant 1 : i32
    %dma_start3A_703 = arith.constant 3 : i32
    %dma_start3A_704 = arith.constant 0 : i32
    %dma_start3A_705 = arith.constant 0 : i32
    %dma_start3A_706 = arith.constant 0 : i32
    %dma_start3A_707 = tpu.memref_slice %arg12[%dma_start3A_704, %dma_start3A_705, %dma_start3A_706] : memref<2x100x128xf32, #tpu.memory_space<vmem>> -> memref<1x100x128xf32, #tpu.memory_space<vmem>>
    %dma_start3A_708 = tpu.memref_squeeze %dma_start3A_707 : memref<1x100x128xf32, #tpu.memory_space<vmem>> -> memref<100x128xf32, #tpu.memory_space<vmem>>
    %dma_start3A_709 = arith.constant 0 : i32
    %dma_start3A_710 = tpu.memref_slice %arg10[%dma_start3A_702, %dma_start3A_703, %dma_start3A_709] : memref<2x5x100xi32, #tpu.memory_space<vmem>> -> memref<1x1x100xi32, #tpu.memory_space<vmem>>
    %dma_start3A_711 = tpu.memref_squeeze %dma_start3A_710 : memref<1x1x100xi32, #tpu.memory_space<vmem>> -> memref<100xi32, #tpu.memory_space<vmem>>
    %dma_start3A_712 = arith.constant 0 : i32
    %dma_start3A_713 = arith.constant 0 : i32
    %dma_start3A_714 = tpu.memref_slice %arg2[%dma_start3A_712, %dma_start3A_713] : memref<10000x128xf32, #tpu.memory_space<hbm>> -> memref<10000x128xf32, #tpu.memory_space<hbm>>
    tpu.enqueue_indirect_dma source(%dma_start3A_714 : memref<10000x128xf32, #tpu.memory_space<hbm>>) target(%dma_start3A_708 : memref<100x128xf32, #tpu.memory_space<vmem>>) offsets(%dma_start3A_711 : memref<100xi32, #tpu.memory_space<vmem>>) semaphore(%arg16 : memref<!tpu.dma_semaphore, #tpu.memory_space<semaphore_mem>>)
    %dma_wait3A_715 = arith.constant 1 : i32
    %dma_wait3A_716 = arith.constant 2 : i32
    %dma_wait3A_717 = arith.constant 1 : i32
    %dma_wait3A_718 = arith.constant 0 : i32
    %dma_wait3A_719 = arith.constant 0 : i32
    %dma_wait3A_720 = tpu.memref_slice %arg12[%dma_wait3A_717, %dma_wait3A_718, %dma_wait3A_719] : memref<2x100x128xf32, #tpu.memory_space<vmem>> -> memref<1x100x128xf32, #tpu.memory_space<vmem>>
    %dma_wait3A_721 = tpu.memref_squeeze %dma_wait3A_720 : memref<1x100x128xf32, #tpu.memory_space<vmem>> -> memref<100x128xf32, #tpu.memory_space<vmem>>
    %dma_wait3A_722 = arith.constant 0 : i32
    %dma_wait3A_723 = tpu.memref_slice %arg10[%dma_wait3A_715, %dma_wait3A_716, %dma_wait3A_722] : memref<2x5x100xi32, #tpu.memory_space<vmem>> -> memref<1x1x100xi32, #tpu.memory_space<vmem>>
    %dma_wait3A_724 = tpu.memref_squeeze %dma_wait3A_723 : memref<1x1x100xi32, #tpu.memory_space<vmem>> -> memref<100xi32, #tpu.memory_space<vmem>>
    %dma_wait3A_725 = arith.constant 0 : i32
    %dma_wait3A_726 = arith.constant 0 : i32
    %dma_wait3A_727 = tpu.memref_slice %arg2[%dma_wait3A_725, %dma_wait3A_726] : memref<10000x128xf32, #tpu.memory_space<hbm>> -> memref<10000x128xf32, #tpu.memory_space<hbm>>
    tpu.wait_indirect_dma semaphore(%arg17 : memref<!tpu.dma_semaphore, #tpu.memory_space<semaphore_mem>>) src(%dma_wait3A_727 : memref<10000x128xf32, #tpu.memory_space<hbm>>) dst(%dma_wait3A_721 : memref<100x128xf32, #tpu.memory_space<vmem>>)
    %dma_start3A_728 = arith.constant 1 : i32
    %dma_start3A_729 = arith.constant 1 : i32
    %dma_start3A_730 = arith.constant 2 : i32
    %dma_start3A_731 = arith.constant 0 : i32
    %dma_start3A_732 = arith.constant 0 : i32
    %dma_start3A_733 = tpu.memref_slice %arg12[%dma_start3A_728, %dma_start3A_731, %dma_start3A_732] : memref<2x100x128xf32, #tpu.memory_space<vmem>> -> memref<1x100x128xf32, #tpu.memory_space<vmem>>
    %dma_start3A_734 = tpu.memref_squeeze %dma_start3A_733 : memref<1x100x128xf32, #tpu.memory_space<vmem>> -> memref<100x128xf32, #tpu.memory_space<vmem>>
    %dma_start3A_735 = arith.constant 0 : i32
    %dma_start3A_736 = tpu.memref_slice %arg11[%dma_start3A_729, %dma_start3A_730, %dma_start3A_735] : memref<2x5x100xi32, #tpu.memory_space<vmem>> -> memref<1x1x100xi32, #tpu.memory_space<vmem>>
    %dma_start3A_737 = tpu.memref_squeeze %dma_start3A_736 : memref<1x1x100xi32, #tpu.memory_space<vmem>> -> memref<100xi32, #tpu.memory_space<vmem>>
    %dma_start3A_738 = arith.constant 0 : i32
    %dma_start3A_739 = arith.constant 0 : i32
    %dma_start3A_740 = tpu.memref_slice %arg14[%dma_start3A_738, %dma_start3A_739] : memref<10000x128xf32, #tpu.memory_space<vmem_shared>> -> memref<10000x128xf32, #tpu.memory_space<vmem_shared>>
    tpu.enqueue_indirect_dma source(%dma_start3A_734 : memref<100x128xf32, #tpu.memory_space<vmem>>) target(%dma_start3A_740 : memref<10000x128xf32, #tpu.memory_space<vmem_shared>>) offsets(%dma_start3A_737 : memref<100xi32, #tpu.memory_space<vmem>>) semaphore(%arg19 : memref<!tpu.dma_semaphore, #tpu.memory_space<semaphore_mem>>) {add = true}
    %dma_start3A_741 = arith.constant 1 : i32
    %dma_start3A_742 = arith.constant 2 : i32
    %dma_start3A_743 = arith.constant 0 : i32
    %dma_start3A_744 = tpu.memref_slice %arg11[%dma_start3A_741, %dma_start3A_742, %dma_start3A_743] : memref<2x5x100xi32, #tpu.memory_space<vmem>> -> memref<1x1x100xi32, #tpu.memory_space<vmem>>
    %dma_start3A_745 = tpu.memref_squeeze %dma_start3A_744 : memref<1x1x100xi32, #tpu.memory_space<vmem>> -> memref<100xi32, #tpu.memory_space<vmem>>
    %dma_start3A_746 = arith.constant 0 : i32
    %dma_start3A_747 = arith.constant 0 : i32
    %dma_start3A_748 = tpu.memref_slice %arg15[%dma_start3A_746, %dma_start3A_747] : memref<10000x16xf32, #tpu.memory_space<vmem_shared>> -> memref<10000x16xf32, #tpu.memory_space<vmem_shared>>
    tpu.enqueue_indirect_dma source(%arg13 : memref<100x16xf32, #tpu.memory_space<vmem>>) target(%dma_start3A_748 : memref<10000x16xf32, #tpu.memory_space<vmem_shared>>) offsets(%dma_start3A_745 : memref<100xi32, #tpu.memory_space<vmem>>) semaphore(%arg19 : memref<!tpu.dma_semaphore, #tpu.memory_space<semaphore_mem>>) {add = true}
    %dma_wait3A_749 = arith.constant 1 : i32
    %dma_wait3A_750 = arith.constant 1 : i32
    %dma_wait3A_751 = arith.constant 4 : i32
    %dma_wait3A_752 = arith.constant 0 : i32
    %dma_wait3A_753 = arith.constant 0 : i32
    %dma_wait3A_754 = tpu.memref_slice %arg12[%dma_wait3A_749, %dma_wait3A_752, %dma_wait3A_753] : memref<2x100x128xf32, #tpu.memory_space<vmem>> -> memref<1x100x128xf32, #tpu.memory_space<vmem>>
    %dma_wait3A_755 = tpu.memref_squeeze %dma_wait3A_754 : memref<1x100x128xf32, #tpu.memory_space<vmem>> -> memref<100x128xf32, #tpu.memory_space<vmem>>
    %dma_wait3A_756 = arith.constant 0 : i32
    %dma_wait3A_757 = tpu.memref_slice %arg11[%dma_wait3A_750, %dma_wait3A_751, %dma_wait3A_756] : memref<2x5x100xi32, #tpu.memory_space<vmem>> -> memref<1x1x100xi32, #tpu.memory_space<vmem>>
    %dma_wait3A_758 = tpu.memref_squeeze %dma_wait3A_757 : memref<1x1x100xi32, #tpu.memory_space<vmem>> -> memref<100xi32, #tpu.memory_space<vmem>>
    %dma_wait3A_759 = arith.constant 0 : i32
    %dma_wait3A_760 = arith.constant 0 : i32
    %dma_wait3A_761 = tpu.memref_slice %arg14[%dma_wait3A_759, %dma_wait3A_760] : memref<10000x128xf32, #tpu.memory_space<vmem_shared>> -> memref<10000x128xf32, #tpu.memory_space<vmem_shared>>
    tpu.wait_indirect_dma semaphore(%arg19 : memref<!tpu.dma_semaphore, #tpu.memory_space<semaphore_mem>>) src(%dma_wait3A_755 : memref<100x128xf32, #tpu.memory_space<vmem>>) dst(%dma_wait3A_761 : memref<10000x128xf32, #tpu.memory_space<vmem_shared>>)
    %dma_wait3A_762 = arith.constant 1 : i32
    %dma_wait3A_763 = arith.constant 4 : i32
    %dma_wait3A_764 = arith.constant 0 : i32
    %dma_wait3A_765 = tpu.memref_slice %arg11[%dma_wait3A_762, %dma_wait3A_763, %dma_wait3A_764] : memref<2x5x100xi32, #tpu.memory_space<vmem>> -> memref<1x1x100xi32, #tpu.memory_space<vmem>>
    %dma_wait3A_766 = tpu.memref_squeeze %dma_wait3A_765 : memref<1x1x100xi32, #tpu.memory_space<vmem>> -> memref<100xi32, #tpu.memory_space<vmem>>
    %dma_wait3A_767 = arith.constant 0 : i32
    %dma_wait3A_768 = arith.constant 0 : i32
    %dma_wait3A_769 = tpu.memref_slice %arg15[%dma_wait3A_767, %dma_wait3A_768] : memref<10000x16xf32, #tpu.memory_space<vmem_shared>> -> memref<10000x16xf32, #tpu.memory_space<vmem_shared>>
    tpu.wait_indirect_dma semaphore(%arg19 : memref<!tpu.dma_semaphore, #tpu.memory_space<semaphore_mem>>) src(%arg13 : memref<100x16xf32, #tpu.memory_space<vmem>>) dst(%dma_wait3A_769 : memref<10000x16xf32, #tpu.memory_space<vmem_shared>>)
    %dma_start3A_770 = arith.constant 1 : i32
    %dma_start3A_771 = arith.constant 4 : i32
    %dma_start3A_772 = arith.constant 1 : i32
    %dma_start3A_773 = arith.constant 0 : i32
    %dma_start3A_774 = arith.constant 0 : i32
    %dma_start3A_775 = tpu.memref_slice %arg12[%dma_start3A_772, %dma_start3A_773, %dma_start3A_774] : memref<2x100x128xf32, #tpu.memory_space<vmem>> -> memref<1x100x128xf32, #tpu.memory_space<vmem>>
    %dma_start3A_776 = tpu.memref_squeeze %dma_start3A_775 : memref<1x100x128xf32, #tpu.memory_space<vmem>> -> memref<100x128xf32, #tpu.memory_space<vmem>>
    %dma_start3A_777 = arith.constant 0 : i32
    %dma_start3A_778 = tpu.memref_slice %arg10[%dma_start3A_770, %dma_start3A_771, %dma_start3A_777] : memref<2x5x100xi32, #tpu.memory_space<vmem>> -> memref<1x1x100xi32, #tpu.memory_space<vmem>>
    %dma_start3A_779 = tpu.memref_squeeze %dma_start3A_778 : memref<1x1x100xi32, #tpu.memory_space<vmem>> -> memref<100xi32, #tpu.memory_space<vmem>>
    %dma_start3A_780 = arith.constant 0 : i32
    %dma_start3A_781 = arith.constant 0 : i32
    %dma_start3A_782 = tpu.memref_slice %arg2[%dma_start3A_780, %dma_start3A_781] : memref<10000x128xf32, #tpu.memory_space<hbm>> -> memref<10000x128xf32, #tpu.memory_space<hbm>>
    tpu.enqueue_indirect_dma source(%dma_start3A_782 : memref<10000x128xf32, #tpu.memory_space<hbm>>) target(%dma_start3A_776 : memref<100x128xf32, #tpu.memory_space<vmem>>) offsets(%dma_start3A_779 : memref<100xi32, #tpu.memory_space<vmem>>) semaphore(%arg17 : memref<!tpu.dma_semaphore, #tpu.memory_space<semaphore_mem>>)
    %dma_wait3A_783 = arith.constant 1 : i32
    %dma_wait3A_784 = arith.constant 3 : i32
    %dma_wait3A_785 = arith.constant 0 : i32
    %dma_wait3A_786 = arith.constant 0 : i32
    %dma_wait3A_787 = arith.constant 0 : i32
    %dma_wait3A_788 = tpu.memref_slice %arg12[%dma_wait3A_785, %dma_wait3A_786, %dma_wait3A_787] : memref<2x100x128xf32, #tpu.memory_space<vmem>> -> memref<1x100x128xf32, #tpu.memory_space<vmem>>
    %dma_wait3A_789 = tpu.memref_squeeze %dma_wait3A_788 : memref<1x100x128xf32, #tpu.memory_space<vmem>> -> memref<100x128xf32, #tpu.memory_space<vmem>>
    %dma_wait3A_790 = arith.constant 0 : i32
    %dma_wait3A_791 = tpu.memref_slice %arg10[%dma_wait3A_783, %dma_wait3A_784, %dma_wait3A_790] : memref<2x5x100xi32, #tpu.memory_space<vmem>> -> memref<1x1x100xi32, #tpu.memory_space<vmem>>
    %dma_wait3A_792 = tpu.memref_squeeze %dma_wait3A_791 : memref<1x1x100xi32, #tpu.memory_space<vmem>> -> memref<100xi32, #tpu.memory_space<vmem>>
    %dma_wait3A_793 = arith.constant 0 : i32
    %dma_wait3A_794 = arith.constant 0 : i32
    %dma_wait3A_795 = tpu.memref_slice %arg2[%dma_wait3A_793, %dma_wait3A_794] : memref<10000x128xf32, #tpu.memory_space<hbm>> -> memref<10000x128xf32, #tpu.memory_space<hbm>>
    tpu.wait_indirect_dma semaphore(%arg16 : memref<!tpu.dma_semaphore, #tpu.memory_space<semaphore_mem>>) src(%dma_wait3A_795 : memref<10000x128xf32, #tpu.memory_space<hbm>>) dst(%dma_wait3A_789 : memref<100x128xf32, #tpu.memory_space<vmem>>)
    %dma_start3A_796 = arith.constant 0 : i32
    %dma_start3A_797 = arith.constant 1 : i32
    %dma_start3A_798 = arith.constant 3 : i32
    %dma_start3A_799 = arith.constant 0 : i32
    %dma_start3A_800 = arith.constant 0 : i32
    %dma_start3A_801 = tpu.memref_slice %arg12[%dma_start3A_796, %dma_start3A_799, %dma_start3A_800] : memref<2x100x128xf32, #tpu.memory_space<vmem>> -> memref<1x100x128xf32, #tpu.memory_space<vmem>>
    %dma_start3A_802 = tpu.memref_squeeze %dma_start3A_801 : memref<1x100x128xf32, #tpu.memory_space<vmem>> -> memref<100x128xf32, #tpu.memory_space<vmem>>
    %dma_start3A_803 = arith.constant 0 : i32
    %dma_start3A_804 = tpu.memref_slice %arg11[%dma_start3A_797, %dma_start3A_798, %dma_start3A_803] : memref<2x5x100xi32, #tpu.memory_space<vmem>> -> memref<1x1x100xi32, #tpu.memory_space<vmem>>
    %dma_start3A_805 = tpu.memref_squeeze %dma_start3A_804 : memref<1x1x100xi32, #tpu.memory_space<vmem>> -> memref<100xi32, #tpu.memory_space<vmem>>
    %dma_start3A_806 = arith.constant 0 : i32
    %dma_start3A_807 = arith.constant 0 : i32
    %dma_start3A_808 = tpu.memref_slice %arg14[%dma_start3A_806, %dma_start3A_807] : memref<10000x128xf32, #tpu.memory_space<vmem_shared>> -> memref<10000x128xf32, #tpu.memory_space<vmem_shared>>
    tpu.enqueue_indirect_dma source(%dma_start3A_802 : memref<100x128xf32, #tpu.memory_space<vmem>>) target(%dma_start3A_808 : memref<10000x128xf32, #tpu.memory_space<vmem_shared>>) offsets(%dma_start3A_805 : memref<100xi32, #tpu.memory_space<vmem>>) semaphore(%arg18 : memref<!tpu.dma_semaphore, #tpu.memory_space<semaphore_mem>>) {add = true}
    %dma_start3A_809 = arith.constant 1 : i32
    %dma_start3A_810 = arith.constant 3 : i32
    %dma_start3A_811 = arith.constant 0 : i32
    %dma_start3A_812 = tpu.memref_slice %arg11[%dma_start3A_809, %dma_start3A_810, %dma_start3A_811] : memref<2x5x100xi32, #tpu.memory_space<vmem>> -> memref<1x1x100xi32, #tpu.memory_space<vmem>>
    %dma_start3A_813 = tpu.memref_squeeze %dma_start3A_812 : memref<1x1x100xi32, #tpu.memory_space<vmem>> -> memref<100xi32, #tpu.memory_space<vmem>>
    %dma_start3A_814 = arith.constant 0 : i32
    %dma_start3A_815 = arith.constant 0 : i32
    %dma_start3A_816 = tpu.memref_slice %arg15[%dma_start3A_814, %dma_start3A_815] : memref<10000x16xf32, #tpu.memory_space<vmem_shared>> -> memref<10000x16xf32, #tpu.memory_space<vmem_shared>>
    tpu.enqueue_indirect_dma source(%arg13 : memref<100x16xf32, #tpu.memory_space<vmem>>) target(%dma_start3A_816 : memref<10000x16xf32, #tpu.memory_space<vmem_shared>>) offsets(%dma_start3A_813 : memref<100xi32, #tpu.memory_space<vmem>>) semaphore(%arg18 : memref<!tpu.dma_semaphore, #tpu.memory_space<semaphore_mem>>) {add = true}
    %scan3A = arith.constant 0 : i32
    %scan3A_817 = arith.constant 1 : i32
    %scan3A_818 = arith.constant 19 : i32
    %scan3A_819 = arith.addi %scan3A_817, %scan3A_818 : i32
    %scan3A_820 = arith.constant 1 : i32
    scf.for %scan3A_943 = %scan3A_817 to %scan3A_819 step %scan3A_820  : i32 {
      %mul3A_944 = arith.constant 2 : i32
      %mul3A_945 = arith.muli %scan3A_943, %mul3A_944 : i32
      %add3A_946 = arith.constant 0 : i32
      %add3A_947 = arith.addi %mul3A_945, %add3A_946 : i32
      %mul3A_948 = arith.constant 40 : i32
      %mul3A_949 = arith.muli %add3A, %mul3A_948 : i32
      %add3A_950 = arith.addi %mul3A_949, %add3A_947 : i32
      %dma_wait3A_951 = arith.constant 0 : i32
      %dma_wait3A_952 = arith.constant 0 : i32
      %dma_wait3A_953 = arith.constant 0 : i32
      %dma_wait3A_954 = tpu.memref_slice %arg10[%dma_wait3A_951, %dma_wait3A_952, %dma_wait3A_953] : memref<2x5x100xi32, #tpu.memory_space<vmem>> -> memref<1x5x100xi32, #tpu.memory_space<vmem>>
      %dma_wait3A_955 = tpu.memref_squeeze %dma_wait3A_954 : memref<1x5x100xi32, #tpu.memory_space<vmem>> -> memref<5x100xi32, #tpu.memory_space<vmem>>
      %dma_wait3A_956 = arith.constant 0 : i32
      %dma_wait3A_957 = arith.constant 0 : i32
      %dma_wait3A_958 = tpu.memref_slice %arg3[%add3A_950, %dma_wait3A_956, %dma_wait3A_957] : memref<640x5x100xi32, #tpu.memory_space<hbm>> -> memref<1x5x100xi32, #tpu.memory_space<hbm>>
      %dma_wait3A_959 = tpu.memref_squeeze %dma_wait3A_958 : memref<1x5x100xi32, #tpu.memory_space<hbm>> -> memref<5x100xi32, #tpu.memory_space<hbm>>
      %dma_wait3A_960 = arith.constant 0 : i32
      %dma_wait3A_961 = arith.constant 0 : i32
      %dma_wait3A_962 = tpu.memref_slice %arg10[%dma_wait3A_951, %dma_wait3A_960, %dma_wait3A_961] : memref<2x5x100xi32, #tpu.memory_space<vmem>> -> memref<1x5x100xi32, #tpu.memory_space<vmem>>
      %dma_wait3A_963 = tpu.memref_squeeze %dma_wait3A_962 : memref<1x5x100xi32, #tpu.memory_space<vmem>> -> memref<5x100xi32, #tpu.memory_space<vmem>>
      %dma_wait3A_964 = arith.constant 0 : i32
      %dma_wait3A_965 = arith.constant 0 : i32
      %dma_wait3A_966 = tpu.memref_slice %arg3[%add3A_950, %dma_wait3A_964, %dma_wait3A_965] : memref<640x5x100xi32, #tpu.memory_space<hbm>> -> memref<1x5x100xi32, #tpu.memory_space<hbm>>
      %dma_wait3A_967 = tpu.memref_squeeze %dma_wait3A_966 : memref<1x5x100xi32, #tpu.memory_space<hbm>> -> memref<5x100xi32, #tpu.memory_space<hbm>>
      tpu.wait_dma2 semaphore(%arg20 : memref<!tpu.dma_semaphore, #tpu.memory_space<semaphore_mem>>) src(%dma_wait3A_967 : memref<5x100xi32, #tpu.memory_space<hbm>>) dst(%dma_wait3A_963 : memref<5x100xi32, #tpu.memory_space<vmem>>)
      %mul3A_968 = arith.constant 40 : i32
      %mul3A_969 = arith.muli %add3A, %mul3A_968 : i32
      %add3A_970 = arith.addi %mul3A_969, %add3A_947 : i32
      %dma_wait3A_971 = arith.constant 0 : i32
      %dma_wait3A_972 = arith.constant 0 : i32
      %dma_wait3A_973 = arith.constant 0 : i32
      %dma_wait3A_974 = tpu.memref_slice %arg11[%dma_wait3A_971, %dma_wait3A_972, %dma_wait3A_973] : memref<2x5x100xi32, #tpu.memory_space<vmem>> -> memref<1x5x100xi32, #tpu.memory_space<vmem>>
      %dma_wait3A_975 = tpu.memref_squeeze %dma_wait3A_974 : memref<1x5x100xi32, #tpu.memory_space<vmem>> -> memref<5x100xi32, #tpu.memory_space<vmem>>
      %dma_wait3A_976 = arith.constant 0 : i32
      %dma_wait3A_977 = arith.constant 0 : i32
      %dma_wait3A_978 = tpu.memref_slice %arg4[%add3A_970, %dma_wait3A_976, %dma_wait3A_977] : memref<640x5x100xi32, #tpu.memory_space<hbm>> -> memref<1x5x100xi32, #tpu.memory_space<hbm>>
      %dma_wait3A_979 = tpu.memref_squeeze %dma_wait3A_978 : memref<1x5x100xi32, #tpu.memory_space<hbm>> -> memref<5x100xi32, #tpu.memory_space<hbm>>
      %dma_wait3A_980 = arith.constant 0 : i32
      %dma_wait3A_981 = arith.constant 0 : i32
      %dma_wait3A_982 = tpu.memref_slice %arg11[%dma_wait3A_971, %dma_wait3A_980, %dma_wait3A_981] : memref<2x5x100xi32, #tpu.memory_space<vmem>> -> memref<1x5x100xi32, #tpu.memory_space<vmem>>
      %dma_wait3A_983 = tpu.memref_squeeze %dma_wait3A_982 : memref<1x5x100xi32, #tpu.memory_space<vmem>> -> memref<5x100xi32, #tpu.memory_space<vmem>>
      %dma_wait3A_984 = arith.constant 0 : i32
      %dma_wait3A_985 = arith.constant 0 : i32
      %dma_wait3A_986 = tpu.memref_slice %arg4[%add3A_970, %dma_wait3A_984, %dma_wait3A_985] : memref<640x5x100xi32, #tpu.memory_space<hbm>> -> memref<1x5x100xi32, #tpu.memory_space<hbm>>
      %dma_wait3A_987 = tpu.memref_squeeze %dma_wait3A_986 : memref<1x5x100xi32, #tpu.memory_space<hbm>> -> memref<5x100xi32, #tpu.memory_space<hbm>>
      tpu.wait_dma2 semaphore(%arg22 : memref<!tpu.dma_semaphore, #tpu.memory_space<semaphore_mem>>) src(%dma_wait3A_987 : memref<5x100xi32, #tpu.memory_space<hbm>>) dst(%dma_wait3A_983 : memref<5x100xi32, #tpu.memory_space<vmem>>)
      %dma_wait3A_988 = arith.constant 0 : i32
      %dma_wait3A_989 = arith.constant 0 : i32
      %dma_wait3A_990 = arith.constant 0 : i32
      %dma_wait3A_991 = arith.constant 0 : i32
      %dma_wait3A_992 = arith.constant 0 : i32
      %dma_wait3A_993 = tpu.memref_slice %arg12[%dma_wait3A_988, %dma_wait3A_991, %dma_wait3A_992] : memref<2x100x128xf32, #tpu.memory_space<vmem>> -> memref<1x100x128xf32, #tpu.memory_space<vmem>>
      %dma_wait3A_994 = tpu.memref_squeeze %dma_wait3A_993 : memref<1x100x128xf32, #tpu.memory_space<vmem>> -> memref<100x128xf32, #tpu.memory_space<vmem>>
      %dma_wait3A_995 = arith.constant 0 : i32
      %dma_wait3A_996 = tpu.memref_slice %arg11[%dma_wait3A_989, %dma_wait3A_990, %dma_wait3A_995] : memref<2x5x100xi32, #tpu.memory_space<vmem>> -> memref<1x1x100xi32, #tpu.memory_space<vmem>>
      %dma_wait3A_997 = tpu.memref_squeeze %dma_wait3A_996 : memref<1x1x100xi32, #tpu.memory_space<vmem>> -> memref<100xi32, #tpu.memory_space<vmem>>
      %dma_wait3A_998 = arith.constant 0 : i32
      %dma_wait3A_999 = arith.constant 0 : i32
      %dma_wait3A_1000 = tpu.memref_slice %arg14[%dma_wait3A_998, %dma_wait3A_999] : memref<10000x128xf32, #tpu.memory_space<vmem_shared>> -> memref<10000x128xf32, #tpu.memory_space<vmem_shared>>
      tpu.wait_indirect_dma semaphore(%arg18 : memref<!tpu.dma_semaphore, #tpu.memory_space<semaphore_mem>>) src(%dma_wait3A_994 : memref<100x128xf32, #tpu.memory_space<vmem>>) dst(%dma_wait3A_1000 : memref<10000x128xf32, #tpu.memory_space<vmem_shared>>)
      %dma_wait3A_1001 = arith.constant 0 : i32
      %dma_wait3A_1002 = arith.constant 0 : i32
      %dma_wait3A_1003 = arith.constant 0 : i32
      %dma_wait3A_1004 = tpu.memref_slice %arg11[%dma_wait3A_1001, %dma_wait3A_1002, %dma_wait3A_1003] : memref<2x5x100xi32, #tpu.memory_space<vmem>> -> memref<1x1x100xi32, #tpu.memory_space<vmem>>
      %dma_wait3A_1005 = tpu.memref_squeeze %dma_wait3A_1004 : memref<1x1x100xi32, #tpu.memory_space<vmem>> -> memref<100xi32, #tpu.memory_space<vmem>>
      %dma_wait3A_1006 = arith.constant 0 : i32
      %dma_wait3A_1007 = arith.constant 0 : i32
      %dma_wait3A_1008 = tpu.memref_slice %arg15[%dma_wait3A_1006, %dma_wait3A_1007] : memref<10000x16xf32, #tpu.memory_space<vmem_shared>> -> memref<10000x16xf32, #tpu.memory_space<vmem_shared>>
      tpu.wait_indirect_dma semaphore(%arg18 : memref<!tpu.dma_semaphore, #tpu.memory_space<semaphore_mem>>) src(%arg13 : memref<100x16xf32, #tpu.memory_space<vmem>>) dst(%dma_wait3A_1008 : memref<10000x16xf32, #tpu.memory_space<vmem_shared>>)
      %dma_start3A_1009 = arith.constant 0 : i32
      %dma_start3A_1010 = arith.constant 0 : i32
      %dma_start3A_1011 = arith.constant 0 : i32
      %dma_start3A_1012 = arith.constant 0 : i32
      %dma_start3A_1013 = arith.constant 0 : i32
      %dma_start3A_1014 = tpu.memref_slice %arg12[%dma_start3A_1011, %dma_start3A_1012, %dma_start3A_1013] : memref<2x100x128xf32, #tpu.memory_space<vmem>> -> memref<1x100x128xf32, #tpu.memory_space<vmem>>
      %dma_start3A_1015 = tpu.memref_squeeze %dma_start3A_1014 : memref<1x100x128xf32, #tpu.memory_space<vmem>> -> memref<100x128xf32, #tpu.memory_space<vmem>>
      %dma_start3A_1016 = arith.constant 0 : i32
      %dma_start3A_1017 = tpu.memref_slice %arg10[%dma_start3A_1009, %dma_start3A_1010, %dma_start3A_1016] : memref<2x5x100xi32, #tpu.memory_space<vmem>> -> memref<1x1x100xi32, #tpu.memory_space<vmem>>
      %dma_start3A_1018 = tpu.memref_squeeze %dma_start3A_1017 : memref<1x1x100xi32, #tpu.memory_space<vmem>> -> memref<100xi32, #tpu.memory_space<vmem>>
      %dma_start3A_1019 = arith.constant 0 : i32
      %dma_start3A_1020 = arith.constant 0 : i32
      %dma_start3A_1021 = tpu.memref_slice %arg2[%dma_start3A_1019, %dma_start3A_1020] : memref<10000x128xf32, #tpu.memory_space<hbm>> -> memref<10000x128xf32, #tpu.memory_space<hbm>>
      tpu.enqueue_indirect_dma source(%dma_start3A_1021 : memref<10000x128xf32, #tpu.memory_space<hbm>>) target(%dma_start3A_1015 : memref<100x128xf32, #tpu.memory_space<vmem>>) offsets(%dma_start3A_1018 : memref<100xi32, #tpu.memory_space<vmem>>) semaphore(%arg16 : memref<!tpu.dma_semaphore, #tpu.memory_space<semaphore_mem>>)
      %dma_wait3A_1022 = arith.constant 1 : i32
      %dma_wait3A_1023 = arith.constant 4 : i32
      %dma_wait3A_1024 = arith.constant 1 : i32
      %dma_wait3A_1025 = arith.constant 0 : i32
      %dma_wait3A_1026 = arith.constant 0 : i32
      %dma_wait3A_1027 = tpu.memref_slice %arg12[%dma_wait3A_1024, %dma_wait3A_1025, %dma_wait3A_1026] : memref<2x100x128xf32, #tpu.memory_space<vmem>> -> memref<1x100x128xf32, #tpu.memory_space<vmem>>
      %dma_wait3A_1028 = tpu.memref_squeeze %dma_wait3A_1027 : memref<1x100x128xf32, #tpu.memory_space<vmem>> -> memref<100x128xf32, #tpu.memory_space<vmem>>
      %dma_wait3A_1029 = arith.constant 0 : i32
      %dma_wait3A_1030 = tpu.memref_slice %arg10[%dma_wait3A_1022, %dma_wait3A_1023, %dma_wait3A_1029] : memref<2x5x100xi32, #tpu.memory_space<vmem>> -> memref<1x1x100xi32, #tpu.memory_space<vmem>>
      %dma_wait3A_1031 = tpu.memref_squeeze %dma_wait3A_1030 : memref<1x1x100xi32, #tpu.memory_space<vmem>> -> memref<100xi32, #tpu.memory_space<vmem>>
      %dma_wait3A_1032 = arith.constant 0 : i32
      %dma_wait3A_1033 = arith.constant 0 : i32
      %dma_wait3A_1034 = tpu.memref_slice %arg2[%dma_wait3A_1032, %dma_wait3A_1033] : memref<10000x128xf32, #tpu.memory_space<hbm>> -> memref<10000x128xf32, #tpu.memory_space<hbm>>
      tpu.wait_indirect_dma semaphore(%arg17 : memref<!tpu.dma_semaphore, #tpu.memory_space<semaphore_mem>>) src(%dma_wait3A_1034 : memref<10000x128xf32, #tpu.memory_space<hbm>>) dst(%dma_wait3A_1028 : memref<100x128xf32, #tpu.memory_space<vmem>>)
      %dma_start3A_1035 = arith.constant 1 : i32
      %dma_start3A_1036 = arith.constant 1 : i32
      %dma_start3A_1037 = arith.constant 4 : i32
      %dma_start3A_1038 = arith.constant 0 : i32
      %dma_start3A_1039 = arith.constant 0 : i32
      %dma_start3A_1040 = tpu.memref_slice %arg12[%dma_start3A_1035, %dma_start3A_1038, %dma_start3A_1039] : memref<2x100x128xf32, #tpu.memory_space<vmem>> -> memref<1x100x128xf32, #tpu.memory_space<vmem>>
      %dma_start3A_1041 = tpu.memref_squeeze %dma_start3A_1040 : memref<1x100x128xf32, #tpu.memory_space<vmem>> -> memref<100x128xf32, #tpu.memory_space<vmem>>
      %dma_start3A_1042 = arith.constant 0 : i32
      %dma_start3A_1043 = tpu.memref_slice %arg11[%dma_start3A_1036, %dma_start3A_1037, %dma_start3A_1042] : memref<2x5x100xi32, #tpu.memory_space<vmem>> -> memref<1x1x100xi32, #tpu.memory_space<vmem>>
      %dma_start3A_1044 = tpu.memref_squeeze %dma_start3A_1043 : memref<1x1x100xi32, #tpu.memory_space<vmem>> -> memref<100xi32, #tpu.memory_space<vmem>>
      %dma_start3A_1045 = arith.constant 0 : i32
      %dma_start3A_1046 = arith.constant 0 : i32
      %dma_start3A_1047 = tpu.memref_slice %arg14[%dma_start3A_1045, %dma_start3A_1046] : memref<10000x128xf32, #tpu.memory_space<vmem_shared>> -> memref<10000x128xf32, #tpu.memory_space<vmem_shared>>
      tpu.enqueue_indirect_dma source(%dma_start3A_1041 : memref<100x128xf32, #tpu.memory_space<vmem>>) target(%dma_start3A_1047 : memref<10000x128xf32, #tpu.memory_space<vmem_shared>>) offsets(%dma_start3A_1044 : memref<100xi32, #tpu.memory_space<vmem>>) semaphore(%arg19 : memref<!tpu.dma_semaphore, #tpu.memory_space<semaphore_mem>>) {add = true}
      %dma_start3A_1048 = arith.constant 1 : i32
      %dma_start3A_1049 = arith.constant 4 : i32
      %dma_start3A_1050 = arith.constant 0 : i32
      %dma_start3A_1051 = tpu.memref_slice %arg11[%dma_start3A_1048, %dma_start3A_1049, %dma_start3A_1050] : memref<2x5x100xi32, #tpu.memory_space<vmem>> -> memref<1x1x100xi32, #tpu.memory_space<vmem>>
      %dma_start3A_1052 = tpu.memref_squeeze %dma_start3A_1051 : memref<1x1x100xi32, #tpu.memory_space<vmem>> -> memref<100xi32, #tpu.memory_space<vmem>>
      %dma_start3A_1053 = arith.constant 0 : i32
      %dma_start3A_1054 = arith.constant 0 : i32
      %dma_start3A_1055 = tpu.memref_slice %arg15[%dma_start3A_1053, %dma_start3A_1054] : memref<10000x16xf32, #tpu.memory_space<vmem_shared>> -> memref<10000x16xf32, #tpu.memory_space<vmem_shared>>
      tpu.enqueue_indirect_dma source(%arg13 : memref<100x16xf32, #tpu.memory_space<vmem>>) target(%dma_start3A_1055 : memref<10000x16xf32, #tpu.memory_space<vmem_shared>>) offsets(%dma_start3A_1052 : memref<100xi32, #tpu.memory_space<vmem>>) semaphore(%arg19 : memref<!tpu.dma_semaphore, #tpu.memory_space<semaphore_mem>>) {add = true}
      %add3A_1056 = arith.constant 0 : i32
      %add3A_1057 = arith.addi %mul3A_945, %add3A_1056 : i32
      %dma_wait3A_1058 = arith.constant 1 : i32
      %dma_wait3A_1059 = arith.constant 0 : i32
      %dma_wait3A_1060 = arith.constant 1 : i32
      %dma_wait3A_1061 = arith.constant 0 : i32
      %dma_wait3A_1062 = arith.constant 0 : i32
      %dma_wait3A_1063 = tpu.memref_slice %arg12[%dma_wait3A_1058, %dma_wait3A_1061, %dma_wait3A_1062] : memref<2x100x128xf32, #tpu.memory_space<vmem>> -> memref<1x100x128xf32, #tpu.memory_space<vmem>>
      %dma_wait3A_1064 = tpu.memref_squeeze %dma_wait3A_1063 : memref<1x100x128xf32, #tpu.memory_space<vmem>> -> memref<100x128xf32, #tpu.memory_space<vmem>>
      %dma_wait3A_1065 = arith.constant 0 : i32
      %dma_wait3A_1066 = tpu.memref_slice %arg11[%dma_wait3A_1059, %dma_wait3A_1060, %dma_wait3A_1065] : memref<2x5x100xi32, #tpu.memory_space<vmem>> -> memref<1x1x100xi32, #tpu.memory_space<vmem>>
      %dma_wait3A_1067 = tpu.memref_squeeze %dma_wait3A_1066 : memref<1x1x100xi32, #tpu.memory_space<vmem>> -> memref<100xi32, #tpu.memory_space<vmem>>
      %dma_wait3A_1068 = arith.constant 0 : i32
      %dma_wait3A_1069 = arith.constant 0 : i32
      %dma_wait3A_1070 = tpu.memref_slice %arg14[%dma_wait3A_1068, %dma_wait3A_1069] : memref<10000x128xf32, #tpu.memory_space<vmem_shared>> -> memref<10000x128xf32, #tpu.memory_space<vmem_shared>>
      tpu.wait_indirect_dma semaphore(%arg19 : memref<!tpu.dma_semaphore, #tpu.memory_space<semaphore_mem>>) src(%dma_wait3A_1064 : memref<100x128xf32, #tpu.memory_space<vmem>>) dst(%dma_wait3A_1070 : memref<10000x128xf32, #tpu.memory_space<vmem_shared>>)
      %dma_wait3A_1071 = arith.constant 0 : i32
      %dma_wait3A_1072 = arith.constant 1 : i32
      %dma_wait3A_1073 = arith.constant 0 : i32
      %dma_wait3A_1074 = tpu.memref_slice %arg11[%dma_wait3A_1071, %dma_wait3A_1072, %dma_wait3A_1073] : memref<2x5x100xi32, #tpu.memory_space<vmem>> -> memref<1x1x100xi32, #tpu.memory_space<vmem>>
      %dma_wait3A_1075 = tpu.memref_squeeze %dma_wait3A_1074 : memref<1x1x100xi32, #tpu.memory_space<vmem>> -> memref<100xi32, #tpu.memory_space<vmem>>
      %dma_wait3A_1076 = arith.constant 0 : i32
      %dma_wait3A_1077 = arith.constant 0 : i32
      %dma_wait3A_1078 = tpu.memref_slice %arg15[%dma_wait3A_1076, %dma_wait3A_1077] : memref<10000x16xf32, #tpu.memory_space<vmem_shared>> -> memref<10000x16xf32, #tpu.memory_space<vmem_shared>>
      tpu.wait_indirect_dma semaphore(%arg19 : memref<!tpu.dma_semaphore, #tpu.memory_space<semaphore_mem>>) src(%arg13 : memref<100x16xf32, #tpu.memory_space<vmem>>) dst(%dma_wait3A_1078 : memref<10000x16xf32, #tpu.memory_space<vmem_shared>>)
      %dma_start3A_1079 = arith.constant 0 : i32
      %dma_start3A_1080 = arith.constant 1 : i32
      %dma_start3A_1081 = arith.constant 1 : i32
      %dma_start3A_1082 = arith.constant 0 : i32
      %dma_start3A_1083 = arith.constant 0 : i32
      %dma_start3A_1084 = tpu.memref_slice %arg12[%dma_start3A_1081, %dma_start3A_1082, %dma_start3A_1083] : memref<2x100x128xf32, #tpu.memory_space<vmem>> -> memref<1x100x128xf32, #tpu.memory_space<vmem>>
      %dma_start3A_1085 = tpu.memref_squeeze %dma_start3A_1084 : memref<1x100x128xf32, #tpu.memory_space<vmem>> -> memref<100x128xf32, #tpu.memory_space<vmem>>
      %dma_start3A_1086 = arith.constant 0 : i32
      %dma_start3A_1087 = tpu.memref_slice %arg10[%dma_start3A_1079, %dma_start3A_1080, %dma_start3A_1086] : memref<2x5x100xi32, #tpu.memory_space<vmem>> -> memref<1x1x100xi32, #tpu.memory_space<vmem>>
      %dma_start3A_1088 = tpu.memref_squeeze %dma_start3A_1087 : memref<1x1x100xi32, #tpu.memory_space<vmem>> -> memref<100xi32, #tpu.memory_space<vmem>>
      %dma_start3A_1089 = arith.constant 0 : i32
      %dma_start3A_1090 = arith.constant 0 : i32
      %dma_start3A_1091 = tpu.memref_slice %arg2[%dma_start3A_1089, %dma_start3A_1090] : memref<10000x128xf32, #tpu.memory_space<hbm>> -> memref<10000x128xf32, #tpu.memory_space<hbm>>
      tpu.enqueue_indirect_dma source(%dma_start3A_1091 : memref<10000x128xf32, #tpu.memory_space<hbm>>) target(%dma_start3A_1085 : memref<100x128xf32, #tpu.memory_space<vmem>>) offsets(%dma_start3A_1088 : memref<100xi32, #tpu.memory_space<vmem>>) semaphore(%arg17 : memref<!tpu.dma_semaphore, #tpu.memory_space<semaphore_mem>>)
      %dma_wait3A_1092 = arith.constant 0 : i32
      %dma_wait3A_1093 = arith.constant 0 : i32
      %dma_wait3A_1094 = arith.constant 0 : i32
      %dma_wait3A_1095 = arith.constant 0 : i32
      %dma_wait3A_1096 = arith.constant 0 : i32
      %dma_wait3A_1097 = tpu.memref_slice %arg12[%dma_wait3A_1094, %dma_wait3A_1095, %dma_wait3A_1096] : memref<2x100x128xf32, #tpu.memory_space<vmem>> -> memref<1x100x128xf32, #tpu.memory_space<vmem>>
      %dma_wait3A_1098 = tpu.memref_squeeze %dma_wait3A_1097 : memref<1x100x128xf32, #tpu.memory_space<vmem>> -> memref<100x128xf32, #tpu.memory_space<vmem>>
      %dma_wait3A_1099 = arith.constant 0 : i32
      %dma_wait3A_1100 = tpu.memref_slice %arg10[%dma_wait3A_1092, %dma_wait3A_1093, %dma_wait3A_1099] : memref<2x5x100xi32, #tpu.memory_space<vmem>> -> memref<1x1x100xi32, #tpu.memory_space<vmem>>
      %dma_wait3A_1101 = tpu.memref_squeeze %dma_wait3A_1100 : memref<1x1x100xi32, #tpu.memory_space<vmem>> -> memref<100xi32, #tpu.memory_space<vmem>>
      %dma_wait3A_1102 = arith.constant 0 : i32
      %dma_wait3A_1103 = arith.constant 0 : i32
      %dma_wait3A_1104 = tpu.memref_slice %arg2[%dma_wait3A_1102, %dma_wait3A_1103] : memref<10000x128xf32, #tpu.memory_space<hbm>> -> memref<10000x128xf32, #tpu.memory_space<hbm>>
      tpu.wait_indirect_dma semaphore(%arg16 : memref<!tpu.dma_semaphore, #tpu.memory_space<semaphore_mem>>) src(%dma_wait3A_1104 : memref<10000x128xf32, #tpu.memory_space<hbm>>) dst(%dma_wait3A_1098 : memref<100x128xf32, #tpu.memory_space<vmem>>)
      %dma_start3A_1105 = arith.constant 0 : i32
      %dma_start3A_1106 = arith.constant 0 : i32
      %dma_start3A_1107 = arith.constant 0 : i32
      %dma_start3A_1108 = arith.constant 0 : i32
      %dma_start3A_1109 = arith.constant 0 : i32
      %dma_start3A_1110 = tpu.memref_slice %arg12[%dma_start3A_1105, %dma_start3A_1108, %dma_start3A_1109] : memref<2x100x128xf32, #tpu.memory_space<vmem>> -> memref<1x100x128xf32, #tpu.memory_space<vmem>>
      %dma_start3A_1111 = tpu.memref_squeeze %dma_start3A_1110 : memref<1x100x128xf32, #tpu.memory_space<vmem>> -> memref<100x128xf32, #tpu.memory_space<vmem>>
      %dma_start3A_1112 = arith.constant 0 : i32
      %dma_start3A_1113 = tpu.memref_slice %arg11[%dma_start3A_1106, %dma_start3A_1107, %dma_start3A_1112] : memref<2x5x100xi32, #tpu.memory_space<vmem>> -> memref<1x1x100xi32, #tpu.memory_space<vmem>>
      %dma_start3A_1114 = tpu.memref_squeeze %dma_start3A_1113 : memref<1x1x100xi32, #tpu.memory_space<vmem>> -> memref<100xi32, #tpu.memory_space<vmem>>
      %dma_start3A_1115 = arith.constant 0 : i32
      %dma_start3A_1116 = arith.constant 0 : i32
      %dma_start3A_1117 = tpu.memref_slice %arg14[%dma_start3A_1115, %dma_start3A_1116] : memref<10000x128xf32, #tpu.memory_space<vmem_shared>> -> memref<10000x128xf32, #tpu.memory_space<vmem_shared>>
      tpu.enqueue_indirect_dma source(%dma_start3A_1111 : memref<100x128xf32, #tpu.memory_space<vmem>>) target(%dma_start3A_1117 : memref<10000x128xf32, #tpu.memory_space<vmem_shared>>) offsets(%dma_start3A_1114 : memref<100xi32, #tpu.memory_space<vmem>>) semaphore(%arg18 : memref<!tpu.dma_semaphore, #tpu.memory_space<semaphore_mem>>) {add = true}
      %dma_start3A_1118 = arith.constant 0 : i32
      %dma_start3A_1119 = arith.constant 0 : i32
      %dma_start3A_1120 = arith.constant 0 : i32
      %dma_start3A_1121 = tpu.memref_slice %arg11[%dma_start3A_1118, %dma_start3A_1119, %dma_start3A_1120] : memref<2x5x100xi32, #tpu.memory_space<vmem>> -> memref<1x1x100xi32, #tpu.memory_space<vmem>>
      %dma_start3A_1122 = tpu.memref_squeeze %dma_start3A_1121 : memref<1x1x100xi32, #tpu.memory_space<vmem>> -> memref<100xi32, #tpu.memory_space<vmem>>
      %dma_start3A_1123 = arith.constant 0 : i32
      %dma_start3A_1124 = arith.constant 0 : i32
      %dma_start3A_1125 = tpu.memref_slice %arg15[%dma_start3A_1123, %dma_start3A_1124] : memref<10000x16xf32, #tpu.memory_space<vmem_shared>> -> memref<10000x16xf32, #tpu.memory_space<vmem_shared>>
      tpu.enqueue_indirect_dma source(%arg13 : memref<100x16xf32, #tpu.memory_space<vmem>>) target(%dma_start3A_1125 : memref<10000x16xf32, #tpu.memory_space<vmem_shared>>) offsets(%dma_start3A_1122 : memref<100xi32, #tpu.memory_space<vmem>>) semaphore(%arg18 : memref<!tpu.dma_semaphore, #tpu.memory_space<semaphore_mem>>) {add = true}
      %add3A_1126 = arith.constant 1 : i32
      %add3A_1127 = arith.addi %add3A_1057, %add3A_1126 : i32
      %min3A_1128 = arith.constant 39 : i32
      %min3A_1129 = arith.minsi %add3A_1127, %min3A_1128 : i32
      %mul3A_1130 = arith.constant 40 : i32
      %mul3A_1131 = arith.muli %add3A, %mul3A_1130 : i32
      %add3A_1132 = arith.addi %mul3A_1131, %min3A_1129 : i32
      %dma_start3A_1133 = arith.constant 1 : i32
      %dma_start3A_1134 = arith.constant 0 : i32
      %dma_start3A_1135 = arith.constant 0 : i32
      %dma_start3A_1136 = tpu.memref_slice %arg10[%dma_start3A_1133, %dma_start3A_1134, %dma_start3A_1135] : memref<2x5x100xi32, #tpu.memory_space<vmem>> -> memref<1x5x100xi32, #tpu.memory_space<vmem>>
      %dma_start3A_1137 = tpu.memref_squeeze %dma_start3A_1136 : memref<1x5x100xi32, #tpu.memory_space<vmem>> -> memref<5x100xi32, #tpu.memory_space<vmem>>
      %dma_start3A_1138 = arith.constant 0 : i32
      %dma_start3A_1139 = arith.constant 0 : i32
      %dma_start3A_1140 = tpu.memref_slice %arg3[%add3A_1132, %dma_start3A_1138, %dma_start3A_1139] : memref<640x5x100xi32, #tpu.memory_space<hbm>> -> memref<1x5x100xi32, #tpu.memory_space<hbm>>
      %dma_start3A_1141 = tpu.memref_squeeze %dma_start3A_1140 : memref<1x5x100xi32, #tpu.memory_space<hbm>> -> memref<5x100xi32, #tpu.memory_space<hbm>>
      %dma_start3A_1142 = arith.constant 0 : i32
      %dma_start3A_1143 = arith.constant 0 : i32
      %dma_start3A_1144 = tpu.memref_slice %arg10[%dma_start3A_1133, %dma_start3A_1142, %dma_start3A_1143] : memref<2x5x100xi32, #tpu.memory_space<vmem>> -> memref<1x5x100xi32, #tpu.memory_space<vmem>>
      %dma_start3A_1145 = tpu.memref_squeeze %dma_start3A_1144 : memref<1x5x100xi32, #tpu.memory_space<vmem>> -> memref<5x100xi32, #tpu.memory_space<vmem>>
      %dma_start3A_1146 = arith.constant 0 : i32
      %dma_start3A_1147 = arith.constant 0 : i32
      %dma_start3A_1148 = tpu.memref_slice %arg3[%add3A_1132, %dma_start3A_1146, %dma_start3A_1147] : memref<640x5x100xi32, #tpu.memory_space<hbm>> -> memref<1x5x100xi32, #tpu.memory_space<hbm>>
      %dma_start3A_1149 = tpu.memref_squeeze %dma_start3A_1148 : memref<1x5x100xi32, #tpu.memory_space<hbm>> -> memref<5x100xi32, #tpu.memory_space<hbm>>
      tpu.enqueue_dma source(%dma_start3A_1149 : memref<5x100xi32, #tpu.memory_space<hbm>>) target(%dma_start3A_1145 : memref<5x100xi32, #tpu.memory_space<vmem>>) target_semaphore(%arg21 : memref<!tpu.dma_semaphore, #tpu.memory_space<semaphore_mem>>)
      %mul3A_1150 = arith.constant 40 : i32
      %mul3A_1151 = arith.muli %add3A, %mul3A_1150 : i32
      %add3A_1152 = arith.addi %mul3A_1151, %min3A_1129 : i32
      %dma_start3A_1153 = arith.constant 1 : i32
      %dma_start3A_1154 = arith.constant 0 : i32
      %dma_start3A_1155 = arith.constant 0 : i32
      %dma_start3A_1156 = tpu.memref_slice %arg11[%dma_start3A_1153, %dma_start3A_1154, %dma_start3A_1155] : memref<2x5x100xi32, #tpu.memory_space<vmem>> -> memref<1x5x100xi32, #tpu.memory_space<vmem>>
      %dma_start3A_1157 = tpu.memref_squeeze %dma_start3A_1156 : memref<1x5x100xi32, #tpu.memory_space<vmem>> -> memref<5x100xi32, #tpu.memory_space<vmem>>
      %dma_start3A_1158 = arith.constant 0 : i32
      %dma_start3A_1159 = arith.constant 0 : i32
      %dma_start3A_1160 = tpu.memref_slice %arg4[%add3A_1152, %dma_start3A_1158, %dma_start3A_1159] : memref<640x5x100xi32, #tpu.memory_space<hbm>> -> memref<1x5x100xi32, #tpu.memory_space<hbm>>
      %dma_start3A_1161 = tpu.memref_squeeze %dma_start3A_1160 : memref<1x5x100xi32, #tpu.memory_space<hbm>> -> memref<5x100xi32, #tpu.memory_space<hbm>>
      %dma_start3A_1162 = arith.constant 0 : i32
      %dma_start3A_1163 = arith.constant 0 : i32
      %dma_start3A_1164 = tpu.memref_slice %arg11[%dma_start3A_1153, %dma_start3A_1162, %dma_start3A_1163] : memref<2x5x100xi32, #tpu.memory_space<vmem>> -> memref<1x5x100xi32, #tpu.memory_space<vmem>>
      %dma_start3A_1165 = tpu.memref_squeeze %dma_start3A_1164 : memref<1x5x100xi32, #tpu.memory_space<vmem>> -> memref<5x100xi32, #tpu.memory_space<vmem>>
      %dma_start3A_1166 = arith.constant 0 : i32
      %dma_start3A_1167 = arith.constant 0 : i32
      %dma_start3A_1168 = tpu.memref_slice %arg4[%add3A_1152, %dma_start3A_1166, %dma_start3A_1167] : memref<640x5x100xi32, #tpu.memory_space<hbm>> -> memref<1x5x100xi32, #tpu.memory_space<hbm>>
      %dma_start3A_1169 = tpu.memref_squeeze %dma_start3A_1168 : memref<1x5x100xi32, #tpu.memory_space<hbm>> -> memref<5x100xi32, #tpu.memory_space<hbm>>
      tpu.enqueue_dma source(%dma_start3A_1169 : memref<5x100xi32, #tpu.memory_space<hbm>>) target(%dma_start3A_1165 : memref<5x100xi32, #tpu.memory_space<vmem>>) target_semaphore(%arg23 : memref<!tpu.dma_semaphore, #tpu.memory_space<semaphore_mem>>)
      %add3A_1170 = arith.constant 0 : i32
      %add3A_1171 = arith.addi %mul3A_945, %add3A_1170 : i32
      %dma_wait3A_1172 = arith.constant 0 : i32
      %dma_wait3A_1173 = arith.constant 0 : i32
      %dma_wait3A_1174 = arith.constant 2 : i32
      %dma_wait3A_1175 = arith.constant 0 : i32
      %dma_wait3A_1176 = arith.constant 0 : i32
      %dma_wait3A_1177 = tpu.memref_slice %arg12[%dma_wait3A_1172, %dma_wait3A_1175, %dma_wait3A_1176] : memref<2x100x128xf32, #tpu.memory_space<vmem>> -> memref<1x100x128xf32, #tpu.memory_space<vmem>>
      %dma_wait3A_1178 = tpu.memref_squeeze %dma_wait3A_1177 : memref<1x100x128xf32, #tpu.memory_space<vmem>> -> memref<100x128xf32, #tpu.memory_space<vmem>>
      %dma_wait3A_1179 = arith.constant 0 : i32
      %dma_wait3A_1180 = tpu.memref_slice %arg11[%dma_wait3A_1173, %dma_wait3A_1174, %dma_wait3A_1179] : memref<2x5x100xi32, #tpu.memory_space<vmem>> -> memref<1x1x100xi32, #tpu.memory_space<vmem>>
      %dma_wait3A_1181 = tpu.memref_squeeze %dma_wait3A_1180 : memref<1x1x100xi32, #tpu.memory_space<vmem>> -> memref<100xi32, #tpu.memory_space<vmem>>
      %dma_wait3A_1182 = arith.constant 0 : i32
      %dma_wait3A_1183 = arith.constant 0 : i32
      %dma_wait3A_1184 = tpu.memref_slice %arg14[%dma_wait3A_1182, %dma_wait3A_1183] : memref<10000x128xf32, #tpu.memory_space<vmem_shared>> -> memref<10000x128xf32, #tpu.memory_space<vmem_shared>>
      tpu.wait_indirect_dma semaphore(%arg18 : memref<!tpu.dma_semaphore, #tpu.memory_space<semaphore_mem>>) src(%dma_wait3A_1178 : memref<100x128xf32, #tpu.memory_space<vmem>>) dst(%dma_wait3A_1184 : memref<10000x128xf32, #tpu.memory_space<vmem_shared>>)
      %dma_wait3A_1185 = arith.constant 0 : i32
      %dma_wait3A_1186 = arith.constant 2 : i32
      %dma_wait3A_1187 = arith.constant 0 : i32
      %dma_wait3A_1188 = tpu.memref_slice %arg11[%dma_wait3A_1185, %dma_wait3A_1186, %dma_wait3A_1187] : memref<2x5x100xi32, #tpu.memory_space<vmem>> -> memref<1x1x100xi32, #tpu.memory_space<vmem>>
      %dma_wait3A_1189 = tpu.memref_squeeze %dma_wait3A_1188 : memref<1x1x100xi32, #tpu.memory_space<vmem>> -> memref<100xi32, #tpu.memory_space<vmem>>
      %dma_wait3A_1190 = arith.constant 0 : i32
      %dma_wait3A_1191 = arith.constant 0 : i32
      %dma_wait3A_1192 = tpu.memref_slice %arg15[%dma_wait3A_1190, %dma_wait3A_1191] : memref<10000x16xf32, #tpu.memory_space<vmem_shared>> -> memref<10000x16xf32, #tpu.memory_space<vmem_shared>>
      tpu.wait_indirect_dma semaphore(%arg18 : memref<!tpu.dma_semaphore, #tpu.memory_space<semaphore_mem>>) src(%arg13 : memref<100x16xf32, #tpu.memory_space<vmem>>) dst(%dma_wait3A_1192 : memref<10000x16xf32, #tpu.memory_space<vmem_shared>>)
      %dma_start3A_1193 = arith.constant 0 : i32
      %dma_start3A_1194 = arith.constant 2 : i32
      %dma_start3A_1195 = arith.constant 0 : i32
      %dma_start3A_1196 = arith.constant 0 : i32
      %dma_start3A_1197 = arith.constant 0 : i32
      %dma_start3A_1198 = tpu.memref_slice %arg12[%dma_start3A_1195, %dma_start3A_1196, %dma_start3A_1197] : memref<2x100x128xf32, #tpu.memory_space<vmem>> -> memref<1x100x128xf32, #tpu.memory_space<vmem>>
      %dma_start3A_1199 = tpu.memref_squeeze %dma_start3A_1198 : memref<1x100x128xf32, #tpu.memory_space<vmem>> -> memref<100x128xf32, #tpu.memory_space<vmem>>
      %dma_start3A_1200 = arith.constant 0 : i32
      %dma_start3A_1201 = tpu.memref_slice %arg10[%dma_start3A_1193, %dma_start3A_1194, %dma_start3A_1200] : memref<2x5x100xi32, #tpu.memory_space<vmem>> -> memref<1x1x100xi32, #tpu.memory_space<vmem>>
      %dma_start3A_1202 = tpu.memref_squeeze %dma_start3A_1201 : memref<1x1x100xi32, #tpu.memory_space<vmem>> -> memref<100xi32, #tpu.memory_space<vmem>>
      %dma_start3A_1203 = arith.constant 0 : i32
      %dma_start3A_1204 = arith.constant 0 : i32
      %dma_start3A_1205 = tpu.memref_slice %arg2[%dma_start3A_1203, %dma_start3A_1204] : memref<10000x128xf32, #tpu.memory_space<hbm>> -> memref<10000x128xf32, #tpu.memory_space<hbm>>
      tpu.enqueue_indirect_dma source(%dma_start3A_1205 : memref<10000x128xf32, #tpu.memory_space<hbm>>) target(%dma_start3A_1199 : memref<100x128xf32, #tpu.memory_space<vmem>>) offsets(%dma_start3A_1202 : memref<100xi32, #tpu.memory_space<vmem>>) semaphore(%arg16 : memref<!tpu.dma_semaphore, #tpu.memory_space<semaphore_mem>>)
      %dma_wait3A_1206 = arith.constant 0 : i32
      %dma_wait3A_1207 = arith.constant 1 : i32
      %dma_wait3A_1208 = arith.constant 1 : i32
      %dma_wait3A_1209 = arith.constant 0 : i32
      %dma_wait3A_1210 = arith.constant 0 : i32
      %dma_wait3A_1211 = tpu.memref_slice %arg12[%dma_wait3A_1208, %dma_wait3A_1209, %dma_wait3A_1210] : memref<2x100x128xf32, #tpu.memory_space<vmem>> -> memref<1x100x128xf32, #tpu.memory_space<vmem>>
      %dma_wait3A_1212 = tpu.memref_squeeze %dma_wait3A_1211 : memref<1x100x128xf32, #tpu.memory_space<vmem>> -> memref<100x128xf32, #tpu.memory_space<vmem>>
      %dma_wait3A_1213 = arith.constant 0 : i32
      %dma_wait3A_1214 = tpu.memref_slice %arg10[%dma_wait3A_1206, %dma_wait3A_1207, %dma_wait3A_1213] : memref<2x5x100xi32, #tpu.memory_space<vmem>> -> memref<1x1x100xi32, #tpu.memory_space<vmem>>
      %dma_wait3A_1215 = tpu.memref_squeeze %dma_wait3A_1214 : memref<1x1x100xi32, #tpu.memory_space<vmem>> -> memref<100xi32, #tpu.memory_space<vmem>>
      %dma_wait3A_1216 = arith.constant 0 : i32
      %dma_wait3A_1217 = arith.constant 0 : i32
      %dma_wait3A_1218 = tpu.memref_slice %arg2[%dma_wait3A_1216, %dma_wait3A_1217] : memref<10000x128xf32, #tpu.memory_space<hbm>> -> memref<10000x128xf32, #tpu.memory_space<hbm>>
      tpu.wait_indirect_dma semaphore(%arg17 : memref<!tpu.dma_semaphore, #tpu.memory_space<semaphore_mem>>) src(%dma_wait3A_1218 : memref<10000x128xf32, #tpu.memory_space<hbm>>) dst(%dma_wait3A_1212 : memref<100x128xf32, #tpu.memory_space<vmem>>)
      %dma_start3A_1219 = arith.constant 1 : i32
      %dma_start3A_1220 = arith.constant 0 : i32
      %dma_start3A_1221 = arith.constant 1 : i32
      %dma_start3A_1222 = arith.constant 0 : i32
      %dma_start3A_1223 = arith.constant 0 : i32
      %dma_start3A_1224 = tpu.memref_slice %arg12[%dma_start3A_1219, %dma_start3A_1222, %dma_start3A_1223] : memref<2x100x128xf32, #tpu.memory_space<vmem>> -> memref<1x100x128xf32, #tpu.memory_space<vmem>>
      %dma_start3A_1225 = tpu.memref_squeeze %dma_start3A_1224 : memref<1x100x128xf32, #tpu.memory_space<vmem>> -> memref<100x128xf32, #tpu.memory_space<vmem>>
      %dma_start3A_1226 = arith.constant 0 : i32
      %dma_start3A_1227 = tpu.memref_slice %arg11[%dma_start3A_1220, %dma_start3A_1221, %dma_start3A_1226] : memref<2x5x100xi32, #tpu.memory_space<vmem>> -> memref<1x1x100xi32, #tpu.memory_space<vmem>>
      %dma_start3A_1228 = tpu.memref_squeeze %dma_start3A_1227 : memref<1x1x100xi32, #tpu.memory_space<vmem>> -> memref<100xi32, #tpu.memory_space<vmem>>
      %dma_start3A_1229 = arith.constant 0 : i32
      %dma_start3A_1230 = arith.constant 0 : i32
      %dma_start3A_1231 = tpu.memref_slice %arg14[%dma_start3A_1229, %dma_start3A_1230] : memref<10000x128xf32, #tpu.memory_space<vmem_shared>> -> memref<10000x128xf32, #tpu.memory_space<vmem_shared>>
      tpu.enqueue_indirect_dma source(%dma_start3A_1225 : memref<100x128xf32, #tpu.memory_space<vmem>>) target(%dma_start3A_1231 : memref<10000x128xf32, #tpu.memory_space<vmem_shared>>) offsets(%dma_start3A_1228 : memref<100xi32, #tpu.memory_space<vmem>>) semaphore(%arg19 : memref<!tpu.dma_semaphore, #tpu.memory_space<semaphore_mem>>) {add = true}
      %dma_start3A_1232 = arith.constant 0 : i32
      %dma_start3A_1233 = arith.constant 1 : i32
      %dma_start3A_1234 = arith.constant 0 : i32
      %dma_start3A_1235 = tpu.memref_slice %arg11[%dma_start3A_1232, %dma_start3A_1233, %dma_start3A_1234] : memref<2x5x100xi32, #tpu.memory_space<vmem>> -> memref<1x1x100xi32, #tpu.memory_space<vmem>>
      %dma_start3A_1236 = tpu.memref_squeeze %dma_start3A_1235 : memref<1x1x100xi32, #tpu.memory_space<vmem>> -> memref<100xi32, #tpu.memory_space<vmem>>
      %dma_start3A_1237 = arith.constant 0 : i32
      %dma_start3A_1238 = arith.constant 0 : i32
      %dma_start3A_1239 = tpu.memref_slice %arg15[%dma_start3A_1237, %dma_start3A_1238] : memref<10000x16xf32, #tpu.memory_space<vmem_shared>> -> memref<10000x16xf32, #tpu.memory_space<vmem_shared>>
      tpu.enqueue_indirect_dma source(%arg13 : memref<100x16xf32, #tpu.memory_space<vmem>>) target(%dma_start3A_1239 : memref<10000x16xf32, #tpu.memory_space<vmem_shared>>) offsets(%dma_start3A_1236 : memref<100xi32, #tpu.memory_space<vmem>>) semaphore(%arg19 : memref<!tpu.dma_semaphore, #tpu.memory_space<semaphore_mem>>) {add = true}
      %add3A_1240 = arith.constant 0 : i32
      %add3A_1241 = arith.addi %mul3A_945, %add3A_1240 : i32
      %dma_wait3A_1242 = arith.constant 1 : i32
      %dma_wait3A_1243 = arith.constant 0 : i32
      %dma_wait3A_1244 = arith.constant 3 : i32
      %dma_wait3A_1245 = arith.constant 0 : i32
      %dma_wait3A_1246 = arith.constant 0 : i32
      %dma_wait3A_1247 = tpu.memref_slice %arg12[%dma_wait3A_1242, %dma_wait3A_1245, %dma_wait3A_1246] : memref<2x100x128xf32, #tpu.memory_space<vmem>> -> memref<1x100x128xf32, #tpu.memory_space<vmem>>
      %dma_wait3A_1248 = tpu.memref_squeeze %dma_wait3A_1247 : memref<1x100x128xf32, #tpu.memory_space<vmem>> -> memref<100x128xf32, #tpu.memory_space<vmem>>
      %dma_wait3A_1249 = arith.constant 0 : i32
      %dma_wait3A_1250 = tpu.memref_slice %arg11[%dma_wait3A_1243, %dma_wait3A_1244, %dma_wait3A_1249] : memref<2x5x100xi32, #tpu.memory_space<vmem>> -> memref<1x1x100xi32, #tpu.memory_space<vmem>>
      %dma_wait3A_1251 = tpu.memref_squeeze %dma_wait3A_1250 : memref<1x1x100xi32, #tpu.memory_space<vmem>> -> memref<100xi32, #tpu.memory_space<vmem>>
      %dma_wait3A_1252 = arith.constant 0 : i32
      %dma_wait3A_1253 = arith.constant 0 : i32
      %dma_wait3A_1254 = tpu.memref_slice %arg14[%dma_wait3A_1252, %dma_wait3A_1253] : memref<10000x128xf32, #tpu.memory_space<vmem_shared>> -> memref<10000x128xf32, #tpu.memory_space<vmem_shared>>
      tpu.wait_indirect_dma semaphore(%arg19 : memref<!tpu.dma_semaphore, #tpu.memory_space<semaphore_mem>>) src(%dma_wait3A_1248 : memref<100x128xf32, #tpu.memory_space<vmem>>) dst(%dma_wait3A_1254 : memref<10000x128xf32, #tpu.memory_space<vmem_shared>>)
      %dma_wait3A_1255 = arith.constant 0 : i32
      %dma_wait3A_1256 = arith.constant 3 : i32
      %dma_wait3A_1257 = arith.constant 0 : i32
      %dma_wait3A_1258 = tpu.memref_slice %arg11[%dma_wait3A_1255, %dma_wait3A_1256, %dma_wait3A_1257] : memref<2x5x100xi32, #tpu.memory_space<vmem>> -> memref<1x1x100xi32, #tpu.memory_space<vmem>>
      %dma_wait3A_1259 = tpu.memref_squeeze %dma_wait3A_1258 : memref<1x1x100xi32, #tpu.memory_space<vmem>> -> memref<100xi32, #tpu.memory_space<vmem>>
      %dma_wait3A_1260 = arith.constant 0 : i32
      %dma_wait3A_1261 = arith.constant 0 : i32
      %dma_wait3A_1262 = tpu.memref_slice %arg15[%dma_wait3A_1260, %dma_wait3A_1261] : memref<10000x16xf32, #tpu.memory_space<vmem_shared>> -> memref<10000x16xf32, #tpu.memory_space<vmem_shared>>
      tpu.wait_indirect_dma semaphore(%arg19 : memref<!tpu.dma_semaphore, #tpu.memory_space<semaphore_mem>>) src(%arg13 : memref<100x16xf32, #tpu.memory_space<vmem>>) dst(%dma_wait3A_1262 : memref<10000x16xf32, #tpu.memory_space<vmem_shared>>)
      %dma_start3A_1263 = arith.constant 0 : i32
      %dma_start3A_1264 = arith.constant 3 : i32
      %dma_start3A_1265 = arith.constant 1 : i32
      %dma_start3A_1266 = arith.constant 0 : i32
      %dma_start3A_1267 = arith.constant 0 : i32
      %dma_start3A_1268 = tpu.memref_slice %arg12[%dma_start3A_1265, %dma_start3A_1266, %dma_start3A_1267] : memref<2x100x128xf32, #tpu.memory_space<vmem>> -> memref<1x100x128xf32, #tpu.memory_space<vmem>>
      %dma_start3A_1269 = tpu.memref_squeeze %dma_start3A_1268 : memref<1x100x128xf32, #tpu.memory_space<vmem>> -> memref<100x128xf32, #tpu.memory_space<vmem>>
      %dma_start3A_1270 = arith.constant 0 : i32
      %dma_start3A_1271 = tpu.memref_slice %arg10[%dma_start3A_1263, %dma_start3A_1264, %dma_start3A_1270] : memref<2x5x100xi32, #tpu.memory_space<vmem>> -> memref<1x1x100xi32, #tpu.memory_space<vmem>>
      %dma_start3A_1272 = tpu.memref_squeeze %dma_start3A_1271 : memref<1x1x100xi32, #tpu.memory_space<vmem>> -> memref<100xi32, #tpu.memory_space<vmem>>
      %dma_start3A_1273 = arith.constant 0 : i32
      %dma_start3A_1274 = arith.constant 0 : i32
      %dma_start3A_1275 = tpu.memref_slice %arg2[%dma_start3A_1273, %dma_start3A_1274] : memref<10000x128xf32, #tpu.memory_space<hbm>> -> memref<10000x128xf32, #tpu.memory_space<hbm>>
      tpu.enqueue_indirect_dma source(%dma_start3A_1275 : memref<10000x128xf32, #tpu.memory_space<hbm>>) target(%dma_start3A_1269 : memref<100x128xf32, #tpu.memory_space<vmem>>) offsets(%dma_start3A_1272 : memref<100xi32, #tpu.memory_space<vmem>>) semaphore(%arg17 : memref<!tpu.dma_semaphore, #tpu.memory_space<semaphore_mem>>)
      %dma_wait3A_1276 = arith.constant 0 : i32
      %dma_wait3A_1277 = arith.constant 2 : i32
      %dma_wait3A_1278 = arith.constant 0 : i32
      %dma_wait3A_1279 = arith.constant 0 : i32
      %dma_wait3A_1280 = arith.constant 0 : i32
      %dma_wait3A_1281 = tpu.memref_slice %arg12[%dma_wait3A_1278, %dma_wait3A_1279, %dma_wait3A_1280] : memref<2x100x128xf32, #tpu.memory_space<vmem>> -> memref<1x100x128xf32, #tpu.memory_space<vmem>>
      %dma_wait3A_1282 = tpu.memref_squeeze %dma_wait3A_1281 : memref<1x100x128xf32, #tpu.memory_space<vmem>> -> memref<100x128xf32, #tpu.memory_space<vmem>>
      %dma_wait3A_1283 = arith.constant 0 : i32
      %dma_wait3A_1284 = tpu.memref_slice %arg10[%dma_wait3A_1276, %dma_wait3A_1277, %dma_wait3A_1283] : memref<2x5x100xi32, #tpu.memory_space<vmem>> -> memref<1x1x100xi32, #tpu.memory_space<vmem>>
      %dma_wait3A_1285 = tpu.memref_squeeze %dma_wait3A_1284 : memref<1x1x100xi32, #tpu.memory_space<vmem>> -> memref<100xi32, #tpu.memory_space<vmem>>
      %dma_wait3A_1286 = arith.constant 0 : i32
      %dma_wait3A_1287 = arith.constant 0 : i32
      %dma_wait3A_1288 = tpu.memref_slice %arg2[%dma_wait3A_1286, %dma_wait3A_1287] : memref<10000x128xf32, #tpu.memory_space<hbm>> -> memref<10000x128xf32, #tpu.memory_space<hbm>>
      tpu.wait_indirect_dma semaphore(%arg16 : memref<!tpu.dma_semaphore, #tpu.memory_space<semaphore_mem>>) src(%dma_wait3A_1288 : memref<10000x128xf32, #tpu.memory_space<hbm>>) dst(%dma_wait3A_1282 : memref<100x128xf32, #tpu.memory_space<vmem>>)
      %dma_start3A_1289 = arith.constant 0 : i32
      %dma_start3A_1290 = arith.constant 0 : i32
      %dma_start3A_1291 = arith.constant 2 : i32
      %dma_start3A_1292 = arith.constant 0 : i32
      %dma_start3A_1293 = arith.constant 0 : i32
      %dma_start3A_1294 = tpu.memref_slice %arg12[%dma_start3A_1289, %dma_start3A_1292, %dma_start3A_1293] : memref<2x100x128xf32, #tpu.memory_space<vmem>> -> memref<1x100x128xf32, #tpu.memory_space<vmem>>
      %dma_start3A_1295 = tpu.memref_squeeze %dma_start3A_1294 : memref<1x100x128xf32, #tpu.memory_space<vmem>> -> memref<100x128xf32, #tpu.memory_space<vmem>>
      %dma_start3A_1296 = arith.constant 0 : i32
      %dma_start3A_1297 = tpu.memref_slice %arg11[%dma_start3A_1290, %dma_start3A_1291, %dma_start3A_1296] : memref<2x5x100xi32, #tpu.memory_space<vmem>> -> memref<1x1x100xi32, #tpu.memory_space<vmem>>
      %dma_start3A_1298 = tpu.memref_squeeze %dma_start3A_1297 : memref<1x1x100xi32, #tpu.memory_space<vmem>> -> memref<100xi32, #tpu.memory_space<vmem>>
      %dma_start3A_1299 = arith.constant 0 : i32
      %dma_start3A_1300 = arith.constant 0 : i32
      %dma_start3A_1301 = tpu.memref_slice %arg14[%dma_start3A_1299, %dma_start3A_1300] : memref<10000x128xf32, #tpu.memory_space<vmem_shared>> -> memref<10000x128xf32, #tpu.memory_space<vmem_shared>>
      tpu.enqueue_indirect_dma source(%dma_start3A_1295 : memref<100x128xf32, #tpu.memory_space<vmem>>) target(%dma_start3A_1301 : memref<10000x128xf32, #tpu.memory_space<vmem_shared>>) offsets(%dma_start3A_1298 : memref<100xi32, #tpu.memory_space<vmem>>) semaphore(%arg18 : memref<!tpu.dma_semaphore, #tpu.memory_space<semaphore_mem>>) {add = true}
      %dma_start3A_1302 = arith.constant 0 : i32
      %dma_start3A_1303 = arith.constant 2 : i32
      %dma_start3A_1304 = arith.constant 0 : i32
      %dma_start3A_1305 = tpu.memref_slice %arg11[%dma_start3A_1302, %dma_start3A_1303, %dma_start3A_1304] : memref<2x5x100xi32, #tpu.memory_space<vmem>> -> memref<1x1x100xi32, #tpu.memory_space<vmem>>
      %dma_start3A_1306 = tpu.memref_squeeze %dma_start3A_1305 : memref<1x1x100xi32, #tpu.memory_space<vmem>> -> memref<100xi32, #tpu.memory_space<vmem>>
      %dma_start3A_1307 = arith.constant 0 : i32
      %dma_start3A_1308 = arith.constant 0 : i32
      %dma_start3A_1309 = tpu.memref_slice %arg15[%dma_start3A_1307, %dma_start3A_1308] : memref<10000x16xf32, #tpu.memory_space<vmem_shared>> -> memref<10000x16xf32, #tpu.memory_space<vmem_shared>>
      tpu.enqueue_indirect_dma source(%arg13 : memref<100x16xf32, #tpu.memory_space<vmem>>) target(%dma_start3A_1309 : memref<10000x16xf32, #tpu.memory_space<vmem_shared>>) offsets(%dma_start3A_1306 : memref<100xi32, #tpu.memory_space<vmem>>) semaphore(%arg18 : memref<!tpu.dma_semaphore, #tpu.memory_space<semaphore_mem>>) {add = true}
      %add3A_1310 = arith.constant 0 : i32
      %add3A_1311 = arith.addi %mul3A_945, %add3A_1310 : i32
      %dma_wait3A_1312 = arith.constant 0 : i32
      %dma_wait3A_1313 = arith.constant 0 : i32
      %dma_wait3A_1314 = arith.constant 4 : i32
      %dma_wait3A_1315 = arith.constant 0 : i32
      %dma_wait3A_1316 = arith.constant 0 : i32
      %dma_wait3A_1317 = tpu.memref_slice %arg12[%dma_wait3A_1312, %dma_wait3A_1315, %dma_wait3A_1316] : memref<2x100x128xf32, #tpu.memory_space<vmem>> -> memref<1x100x128xf32, #tpu.memory_space<vmem>>
      %dma_wait3A_1318 = tpu.memref_squeeze %dma_wait3A_1317 : memref<1x100x128xf32, #tpu.memory_space<vmem>> -> memref<100x128xf32, #tpu.memory_space<vmem>>
      %dma_wait3A_1319 = arith.constant 0 : i32
      %dma_wait3A_1320 = tpu.memref_slice %arg11[%dma_wait3A_1313, %dma_wait3A_1314, %dma_wait3A_1319] : memref<2x5x100xi32, #tpu.memory_space<vmem>> -> memref<1x1x100xi32, #tpu.memory_space<vmem>>
      %dma_wait3A_1321 = tpu.memref_squeeze %dma_wait3A_1320 : memref<1x1x100xi32, #tpu.memory_space<vmem>> -> memref<100xi32, #tpu.memory_space<vmem>>
      %dma_wait3A_1322 = arith.constant 0 : i32
      %dma_wait3A_1323 = arith.constant 0 : i32
      %dma_wait3A_1324 = tpu.memref_slice %arg14[%dma_wait3A_1322, %dma_wait3A_1323] : memref<10000x128xf32, #tpu.memory_space<vmem_shared>> -> memref<10000x128xf32, #tpu.memory_space<vmem_shared>>
      tpu.wait_indirect_dma semaphore(%arg18 : memref<!tpu.dma_semaphore, #tpu.memory_space<semaphore_mem>>) src(%dma_wait3A_1318 : memref<100x128xf32, #tpu.memory_space<vmem>>) dst(%dma_wait3A_1324 : memref<10000x128xf32, #tpu.memory_space<vmem_shared>>)
      %dma_wait3A_1325 = arith.constant 0 : i32
      %dma_wait3A_1326 = arith.constant 4 : i32
      %dma_wait3A_1327 = arith.constant 0 : i32
      %dma_wait3A_1328 = tpu.memref_slice %arg11[%dma_wait3A_1325, %dma_wait3A_1326, %dma_wait3A_1327] : memref<2x5x100xi32, #tpu.memory_space<vmem>> -> memref<1x1x100xi32, #tpu.memory_space<vmem>>
      %dma_wait3A_1329 = tpu.memref_squeeze %dma_wait3A_1328 : memref<1x1x100xi32, #tpu.memory_space<vmem>> -> memref<100xi32, #tpu.memory_space<vmem>>
      %dma_wait3A_1330 = arith.constant 0 : i32
      %dma_wait3A_1331 = arith.constant 0 : i32
      %dma_wait3A_1332 = tpu.memref_slice %arg15[%dma_wait3A_1330, %dma_wait3A_1331] : memref<10000x16xf32, #tpu.memory_space<vmem_shared>> -> memref<10000x16xf32, #tpu.memory_space<vmem_shared>>
      tpu.wait_indirect_dma semaphore(%arg18 : memref<!tpu.dma_semaphore, #tpu.memory_space<semaphore_mem>>) src(%arg13 : memref<100x16xf32, #tpu.memory_space<vmem>>) dst(%dma_wait3A_1332 : memref<10000x16xf32, #tpu.memory_space<vmem_shared>>)
      %dma_start3A_1333 = arith.constant 0 : i32
      %dma_start3A_1334 = arith.constant 4 : i32
      %dma_start3A_1335 = arith.constant 0 : i32
      %dma_start3A_1336 = arith.constant 0 : i32
      %dma_start3A_1337 = arith.constant 0 : i32
      %dma_start3A_1338 = tpu.memref_slice %arg12[%dma_start3A_1335, %dma_start3A_1336, %dma_start3A_1337] : memref<2x100x128xf32, #tpu.memory_space<vmem>> -> memref<1x100x128xf32, #tpu.memory_space<vmem>>
      %dma_start3A_1339 = tpu.memref_squeeze %dma_start3A_1338 : memref<1x100x128xf32, #tpu.memory_space<vmem>> -> memref<100x128xf32, #tpu.memory_space<vmem>>
      %dma_start3A_1340 = arith.constant 0 : i32
      %dma_start3A_1341 = tpu.memref_slice %arg10[%dma_start3A_1333, %dma_start3A_1334, %dma_start3A_1340] : memref<2x5x100xi32, #tpu.memory_space<vmem>> -> memref<1x1x100xi32, #tpu.memory_space<vmem>>
      %dma_start3A_1342 = tpu.memref_squeeze %dma_start3A_1341 : memref<1x1x100xi32, #tpu.memory_space<vmem>> -> memref<100xi32, #tpu.memory_space<vmem>>
      %dma_start3A_1343 = arith.constant 0 : i32
      %dma_start3A_1344 = arith.constant 0 : i32
      %dma_start3A_1345 = tpu.memref_slice %arg2[%dma_start3A_1343, %dma_start3A_1344] : memref<10000x128xf32, #tpu.memory_space<hbm>> -> memref<10000x128xf32, #tpu.memory_space<hbm>>
      tpu.enqueue_indirect_dma source(%dma_start3A_1345 : memref<10000x128xf32, #tpu.memory_space<hbm>>) target(%dma_start3A_1339 : memref<100x128xf32, #tpu.memory_space<vmem>>) offsets(%dma_start3A_1342 : memref<100xi32, #tpu.memory_space<vmem>>) semaphore(%arg16 : memref<!tpu.dma_semaphore, #tpu.memory_space<semaphore_mem>>)
      %dma_wait3A_1346 = arith.constant 0 : i32
      %dma_wait3A_1347 = arith.constant 3 : i32
      %dma_wait3A_1348 = arith.constant 1 : i32
      %dma_wait3A_1349 = arith.constant 0 : i32
      %dma_wait3A_1350 = arith.constant 0 : i32
      %dma_wait3A_1351 = tpu.memref_slice %arg12[%dma_wait3A_1348, %dma_wait3A_1349, %dma_wait3A_1350] : memref<2x100x128xf32, #tpu.memory_space<vmem>> -> memref<1x100x128xf32, #tpu.memory_space<vmem>>
      %dma_wait3A_1352 = tpu.memref_squeeze %dma_wait3A_1351 : memref<1x100x128xf32, #tpu.memory_space<vmem>> -> memref<100x128xf32, #tpu.memory_space<vmem>>
      %dma_wait3A_1353 = arith.constant 0 : i32
      %dma_wait3A_1354 = tpu.memref_slice %arg10[%dma_wait3A_1346, %dma_wait3A_1347, %dma_wait3A_1353] : memref<2x5x100xi32, #tpu.memory_space<vmem>> -> memref<1x1x100xi32, #tpu.memory_space<vmem>>
      %dma_wait3A_1355 = tpu.memref_squeeze %dma_wait3A_1354 : memref<1x1x100xi32, #tpu.memory_space<vmem>> -> memref<100xi32, #tpu.memory_space<vmem>>
      %dma_wait3A_1356 = arith.constant 0 : i32
      %dma_wait3A_1357 = arith.constant 0 : i32
      %dma_wait3A_1358 = tpu.memref_slice %arg2[%dma_wait3A_1356, %dma_wait3A_1357] : memref<10000x128xf32, #tpu.memory_space<hbm>> -> memref<10000x128xf32, #tpu.memory_space<hbm>>
      tpu.wait_indirect_dma semaphore(%arg17 : memref<!tpu.dma_semaphore, #tpu.memory_space<semaphore_mem>>) src(%dma_wait3A_1358 : memref<10000x128xf32, #tpu.memory_space<hbm>>) dst(%dma_wait3A_1352 : memref<100x128xf32, #tpu.memory_space<vmem>>)
      %dma_start3A_1359 = arith.constant 1 : i32
      %dma_start3A_1360 = arith.constant 0 : i32
      %dma_start3A_1361 = arith.constant 3 : i32
      %dma_start3A_1362 = arith.constant 0 : i32
      %dma_start3A_1363 = arith.constant 0 : i32
      %dma_start3A_1364 = tpu.memref_slice %arg12[%dma_start3A_1359, %dma_start3A_1362, %dma_start3A_1363] : memref<2x100x128xf32, #tpu.memory_space<vmem>> -> memref<1x100x128xf32, #tpu.memory_space<vmem>>
      %dma_start3A_1365 = tpu.memref_squeeze %dma_start3A_1364 : memref<1x100x128xf32, #tpu.memory_space<vmem>> -> memref<100x128xf32, #tpu.memory_space<vmem>>
      %dma_start3A_1366 = arith.constant 0 : i32
      %dma_start3A_1367 = tpu.memref_slice %arg11[%dma_start3A_1360, %dma_start3A_1361, %dma_start3A_1366] : memref<2x5x100xi32, #tpu.memory_space<vmem>> -> memref<1x1x100xi32, #tpu.memory_space<vmem>>
      %dma_start3A_1368 = tpu.memref_squeeze %dma_start3A_1367 : memref<1x1x100xi32, #tpu.memory_space<vmem>> -> memref<100xi32, #tpu.memory_space<vmem>>
      %dma_start3A_1369 = arith.constant 0 : i32
      %dma_start3A_1370 = arith.constant 0 : i32
      %dma_start3A_1371 = tpu.memref_slice %arg14[%dma_start3A_1369, %dma_start3A_1370] : memref<10000x128xf32, #tpu.memory_space<vmem_shared>> -> memref<10000x128xf32, #tpu.memory_space<vmem_shared>>
      tpu.enqueue_indirect_dma source(%dma_start3A_1365 : memref<100x128xf32, #tpu.memory_space<vmem>>) target(%dma_start3A_1371 : memref<10000x128xf32, #tpu.memory_space<vmem_shared>>) offsets(%dma_start3A_1368 : memref<100xi32, #tpu.memory_space<vmem>>) semaphore(%arg19 : memref<!tpu.dma_semaphore, #tpu.memory_space<semaphore_mem>>) {add = true}
      %dma_start3A_1372 = arith.constant 0 : i32
      %dma_start3A_1373 = arith.constant 3 : i32
      %dma_start3A_1374 = arith.constant 0 : i32
      %dma_start3A_1375 = tpu.memref_slice %arg11[%dma_start3A_1372, %dma_start3A_1373, %dma_start3A_1374] : memref<2x5x100xi32, #tpu.memory_space<vmem>> -> memref<1x1x100xi32, #tpu.memory_space<vmem>>
      %dma_start3A_1376 = tpu.memref_squeeze %dma_start3A_1375 : memref<1x1x100xi32, #tpu.memory_space<vmem>> -> memref<100xi32, #tpu.memory_space<vmem>>
      %dma_start3A_1377 = arith.constant 0 : i32
      %dma_start3A_1378 = arith.constant 0 : i32
      %dma_start3A_1379 = tpu.memref_slice %arg15[%dma_start3A_1377, %dma_start3A_1378] : memref<10000x16xf32, #tpu.memory_space<vmem_shared>> -> memref<10000x16xf32, #tpu.memory_space<vmem_shared>>
      tpu.enqueue_indirect_dma source(%arg13 : memref<100x16xf32, #tpu.memory_space<vmem>>) target(%dma_start3A_1379 : memref<10000x16xf32, #tpu.memory_space<vmem_shared>>) offsets(%dma_start3A_1376 : memref<100xi32, #tpu.memory_space<vmem>>) semaphore(%arg19 : memref<!tpu.dma_semaphore, #tpu.memory_space<semaphore_mem>>) {add = true}
      %add3A_1380 = arith.constant 1 : i32
      %add3A_1381 = arith.addi %mul3A_945, %add3A_1380 : i32
      %mul3A_1382 = arith.constant 40 : i32
      %mul3A_1383 = arith.muli %add3A, %mul3A_1382 : i32
      %add3A_1384 = arith.addi %mul3A_1383, %add3A_1381 : i32
      %dma_wait3A_1385 = arith.constant 1 : i32
      %dma_wait3A_1386 = arith.constant 0 : i32
      %dma_wait3A_1387 = arith.constant 0 : i32
      %dma_wait3A_1388 = tpu.memref_slice %arg10[%dma_wait3A_1385, %dma_wait3A_1386, %dma_wait3A_1387] : memref<2x5x100xi32, #tpu.memory_space<vmem>> -> memref<1x5x100xi32, #tpu.memory_space<vmem>>
      %dma_wait3A_1389 = tpu.memref_squeeze %dma_wait3A_1388 : memref<1x5x100xi32, #tpu.memory_space<vmem>> -> memref<5x100xi32, #tpu.memory_space<vmem>>
      %dma_wait3A_1390 = arith.constant 0 : i32
      %dma_wait3A_1391 = arith.constant 0 : i32
      %dma_wait3A_1392 = tpu.memref_slice %arg3[%add3A_1384, %dma_wait3A_1390, %dma_wait3A_1391] : memref<640x5x100xi32, #tpu.memory_space<hbm>> -> memref<1x5x100xi32, #tpu.memory_space<hbm>>
      %dma_wait3A_1393 = tpu.memref_squeeze %dma_wait3A_1392 : memref<1x5x100xi32, #tpu.memory_space<hbm>> -> memref<5x100xi32, #tpu.memory_space<hbm>>
      %dma_wait3A_1394 = arith.constant 0 : i32
      %dma_wait3A_1395 = arith.constant 0 : i32
      %dma_wait3A_1396 = tpu.memref_slice %arg10[%dma_wait3A_1385, %dma_wait3A_1394, %dma_wait3A_1395] : memref<2x5x100xi32, #tpu.memory_space<vmem>> -> memref<1x5x100xi32, #tpu.memory_space<vmem>>
      %dma_wait3A_1397 = tpu.memref_squeeze %dma_wait3A_1396 : memref<1x5x100xi32, #tpu.memory_space<vmem>> -> memref<5x100xi32, #tpu.memory_space<vmem>>
      %dma_wait3A_1398 = arith.constant 0 : i32
      %dma_wait3A_1399 = arith.constant 0 : i32
      %dma_wait3A_1400 = tpu.memref_slice %arg3[%add3A_1384, %dma_wait3A_1398, %dma_wait3A_1399] : memref<640x5x100xi32, #tpu.memory_space<hbm>> -> memref<1x5x100xi32, #tpu.memory_space<hbm>>
      %dma_wait3A_1401 = tpu.memref_squeeze %dma_wait3A_1400 : memref<1x5x100xi32, #tpu.memory_space<hbm>> -> memref<5x100xi32, #tpu.memory_space<hbm>>
      tpu.wait_dma2 semaphore(%arg21 : memref<!tpu.dma_semaphore, #tpu.memory_space<semaphore_mem>>) src(%dma_wait3A_1401 : memref<5x100xi32, #tpu.memory_space<hbm>>) dst(%dma_wait3A_1397 : memref<5x100xi32, #tpu.memory_space<vmem>>)
      %mul3A_1402 = arith.constant 40 : i32
      %mul3A_1403 = arith.muli %add3A, %mul3A_1402 : i32
      %add3A_1404 = arith.addi %mul3A_1403, %add3A_1381 : i32
      %dma_wait3A_1405 = arith.constant 1 : i32
      %dma_wait3A_1406 = arith.constant 0 : i32
      %dma_wait3A_1407 = arith.constant 0 : i32
      %dma_wait3A_1408 = tpu.memref_slice %arg11[%dma_wait3A_1405, %dma_wait3A_1406, %dma_wait3A_1407] : memref<2x5x100xi32, #tpu.memory_space<vmem>> -> memref<1x5x100xi32, #tpu.memory_space<vmem>>
      %dma_wait3A_1409 = tpu.memref_squeeze %dma_wait3A_1408 : memref<1x5x100xi32, #tpu.memory_space<vmem>> -> memref<5x100xi32, #tpu.memory_space<vmem>>
      %dma_wait3A_1410 = arith.constant 0 : i32
      %dma_wait3A_1411 = arith.constant 0 : i32
      %dma_wait3A_1412 = tpu.memref_slice %arg4[%add3A_1404, %dma_wait3A_1410, %dma_wait3A_1411] : memref<640x5x100xi32, #tpu.memory_space<hbm>> -> memref<1x5x100xi32, #tpu.memory_space<hbm>>
      %dma_wait3A_1413 = tpu.memref_squeeze %dma_wait3A_1412 : memref<1x5x100xi32, #tpu.memory_space<hbm>> -> memref<5x100xi32, #tpu.memory_space<hbm>>
      %dma_wait3A_1414 = arith.constant 0 : i32
      %dma_wait3A_1415 = arith.constant 0 : i32
      %dma_wait3A_1416 = tpu.memref_slice %arg11[%dma_wait3A_1405, %dma_wait3A_1414, %dma_wait3A_1415] : memref<2x5x100xi32, #tpu.memory_space<vmem>> -> memref<1x5x100xi32, #tpu.memory_space<vmem>>
      %dma_wait3A_1417 = tpu.memref_squeeze %dma_wait3A_1416 : memref<1x5x100xi32, #tpu.memory_space<vmem>> -> memref<5x100xi32, #tpu.memory_space<vmem>>
      %dma_wait3A_1418 = arith.constant 0 : i32
      %dma_wait3A_1419 = arith.constant 0 : i32
      %dma_wait3A_1420 = tpu.memref_slice %arg4[%add3A_1404, %dma_wait3A_1418, %dma_wait3A_1419] : memref<640x5x100xi32, #tpu.memory_space<hbm>> -> memref<1x5x100xi32, #tpu.memory_space<hbm>>
      %dma_wait3A_1421 = tpu.memref_squeeze %dma_wait3A_1420 : memref<1x5x100xi32, #tpu.memory_space<hbm>> -> memref<5x100xi32, #tpu.memory_space<hbm>>
      tpu.wait_dma2 semaphore(%arg23 : memref<!tpu.dma_semaphore, #tpu.memory_space<semaphore_mem>>) src(%dma_wait3A_1421 : memref<5x100xi32, #tpu.memory_space<hbm>>) dst(%dma_wait3A_1417 : memref<5x100xi32, #tpu.memory_space<vmem>>)
      %dma_wait3A_1422 = arith.constant 1 : i32
      %dma_wait3A_1423 = arith.constant 1 : i32
      %dma_wait3A_1424 = arith.constant 0 : i32
      %dma_wait3A_1425 = arith.constant 0 : i32
      %dma_wait3A_1426 = arith.constant 0 : i32
      %dma_wait3A_1427 = tpu.memref_slice %arg12[%dma_wait3A_1422, %dma_wait3A_1425, %dma_wait3A_1426] : memref<2x100x128xf32, #tpu.memory_space<vmem>> -> memref<1x100x128xf32, #tpu.memory_space<vmem>>
      %dma_wait3A_1428 = tpu.memref_squeeze %dma_wait3A_1427 : memref<1x100x128xf32, #tpu.memory_space<vmem>> -> memref<100x128xf32, #tpu.memory_space<vmem>>
      %dma_wait3A_1429 = arith.constant 0 : i32
      %dma_wait3A_1430 = tpu.memref_slice %arg11[%dma_wait3A_1423, %dma_wait3A_1424, %dma_wait3A_1429] : memref<2x5x100xi32, #tpu.memory_space<vmem>> -> memref<1x1x100xi32, #tpu.memory_space<vmem>>
      %dma_wait3A_1431 = tpu.memref_squeeze %dma_wait3A_1430 : memref<1x1x100xi32, #tpu.memory_space<vmem>> -> memref<100xi32, #tpu.memory_space<vmem>>
      %dma_wait3A_1432 = arith.constant 0 : i32
      %dma_wait3A_1433 = arith.constant 0 : i32
      %dma_wait3A_1434 = tpu.memref_slice %arg14[%dma_wait3A_1432, %dma_wait3A_1433] : memref<10000x128xf32, #tpu.memory_space<vmem_shared>> -> memref<10000x128xf32, #tpu.memory_space<vmem_shared>>
      tpu.wait_indirect_dma semaphore(%arg19 : memref<!tpu.dma_semaphore, #tpu.memory_space<semaphore_mem>>) src(%dma_wait3A_1428 : memref<100x128xf32, #tpu.memory_space<vmem>>) dst(%dma_wait3A_1434 : memref<10000x128xf32, #tpu.memory_space<vmem_shared>>)
      %dma_wait3A_1435 = arith.constant 1 : i32
      %dma_wait3A_1436 = arith.constant 0 : i32
      %dma_wait3A_1437 = arith.constant 0 : i32
      %dma_wait3A_1438 = tpu.memref_slice %arg11[%dma_wait3A_1435, %dma_wait3A_1436, %dma_wait3A_1437] : memref<2x5x100xi32, #tpu.memory_space<vmem>> -> memref<1x1x100xi32, #tpu.memory_space<vmem>>
      %dma_wait3A_1439 = tpu.memref_squeeze %dma_wait3A_1438 : memref<1x1x100xi32, #tpu.memory_space<vmem>> -> memref<100xi32, #tpu.memory_space<vmem>>
      %dma_wait3A_1440 = arith.constant 0 : i32
      %dma_wait3A_1441 = arith.constant 0 : i32
      %dma_wait3A_1442 = tpu.memref_slice %arg15[%dma_wait3A_1440, %dma_wait3A_1441] : memref<10000x16xf32, #tpu.memory_space<vmem_shared>> -> memref<10000x16xf32, #tpu.memory_space<vmem_shared>>
      tpu.wait_indirect_dma semaphore(%arg19 : memref<!tpu.dma_semaphore, #tpu.memory_space<semaphore_mem>>) src(%arg13 : memref<100x16xf32, #tpu.memory_space<vmem>>) dst(%dma_wait3A_1442 : memref<10000x16xf32, #tpu.memory_space<vmem_shared>>)
      %dma_start3A_1443 = arith.constant 1 : i32
      %dma_start3A_1444 = arith.constant 0 : i32
      %dma_start3A_1445 = arith.constant 1 : i32
      %dma_start3A_1446 = arith.constant 0 : i32
      %dma_start3A_1447 = arith.constant 0 : i32
      %dma_start3A_1448 = tpu.memref_slice %arg12[%dma_start3A_1445, %dma_start3A_1446, %dma_start3A_1447] : memref<2x100x128xf32, #tpu.memory_space<vmem>> -> memref<1x100x128xf32, #tpu.memory_space<vmem>>
      %dma_start3A_1449 = tpu.memref_squeeze %dma_start3A_1448 : memref<1x100x128xf32, #tpu.memory_space<vmem>> -> memref<100x128xf32, #tpu.memory_space<vmem>>
      %dma_start3A_1450 = arith.constant 0 : i32
      %dma_start3A_1451 = tpu.memref_slice %arg10[%dma_start3A_1443, %dma_start3A_1444, %dma_start3A_1450] : memref<2x5x100xi32, #tpu.memory_space<vmem>> -> memref<1x1x100xi32, #tpu.memory_space<vmem>>
      %dma_start3A_1452 = tpu.memref_squeeze %dma_start3A_1451 : memref<1x1x100xi32, #tpu.memory_space<vmem>> -> memref<100xi32, #tpu.memory_space<vmem>>
      %dma_start3A_1453 = arith.constant 0 : i32
      %dma_start3A_1454 = arith.constant 0 : i32
      %dma_start3A_1455 = tpu.memref_slice %arg2[%dma_start3A_1453, %dma_start3A_1454] : memref<10000x128xf32, #tpu.memory_space<hbm>> -> memref<10000x128xf32, #tpu.memory_space<hbm>>
      tpu.enqueue_indirect_dma source(%dma_start3A_1455 : memref<10000x128xf32, #tpu.memory_space<hbm>>) target(%dma_start3A_1449 : memref<100x128xf32, #tpu.memory_space<vmem>>) offsets(%dma_start3A_1452 : memref<100xi32, #tpu.memory_space<vmem>>) semaphore(%arg17 : memref<!tpu.dma_semaphore, #tpu.memory_space<semaphore_mem>>)
      %dma_wait3A_1456 = arith.constant 0 : i32
      %dma_wait3A_1457 = arith.constant 4 : i32
      %dma_wait3A_1458 = arith.constant 0 : i32
      %dma_wait3A_1459 = arith.constant 0 : i32
      %dma_wait3A_1460 = arith.constant 0 : i32
      %dma_wait3A_1461 = tpu.memref_slice %arg12[%dma_wait3A_1458, %dma_wait3A_1459, %dma_wait3A_1460] : memref<2x100x128xf32, #tpu.memory_space<vmem>> -> memref<1x100x128xf32, #tpu.memory_space<vmem>>
      %dma_wait3A_1462 = tpu.memref_squeeze %dma_wait3A_1461 : memref<1x100x128xf32, #tpu.memory_space<vmem>> -> memref<100x128xf32, #tpu.memory_space<vmem>>
      %dma_wait3A_1463 = arith.constant 0 : i32
      %dma_wait3A_1464 = tpu.memref_slice %arg10[%dma_wait3A_1456, %dma_wait3A_1457, %dma_wait3A_1463] : memref<2x5x100xi32, #tpu.memory_space<vmem>> -> memref<1x1x100xi32, #tpu.memory_space<vmem>>
      %dma_wait3A_1465 = tpu.memref_squeeze %dma_wait3A_1464 : memref<1x1x100xi32, #tpu.memory_space<vmem>> -> memref<100xi32, #tpu.memory_space<vmem>>
      %dma_wait3A_1466 = arith.constant 0 : i32
      %dma_wait3A_1467 = arith.constant 0 : i32
      %dma_wait3A_1468 = tpu.memref_slice %arg2[%dma_wait3A_1466, %dma_wait3A_1467] : memref<10000x128xf32, #tpu.memory_space<hbm>> -> memref<10000x128xf32, #tpu.memory_space<hbm>>
      tpu.wait_indirect_dma semaphore(%arg16 : memref<!tpu.dma_semaphore, #tpu.memory_space<semaphore_mem>>) src(%dma_wait3A_1468 : memref<10000x128xf32, #tpu.memory_space<hbm>>) dst(%dma_wait3A_1462 : memref<100x128xf32, #tpu.memory_space<vmem>>)
      %dma_start3A_1469 = arith.constant 0 : i32
      %dma_start3A_1470 = arith.constant 0 : i32
      %dma_start3A_1471 = arith.constant 4 : i32
      %dma_start3A_1472 = arith.constant 0 : i32
      %dma_start3A_1473 = arith.constant 0 : i32
      %dma_start3A_1474 = tpu.memref_slice %arg12[%dma_start3A_1469, %dma_start3A_1472, %dma_start3A_1473] : memref<2x100x128xf32, #tpu.memory_space<vmem>> -> memref<1x100x128xf32, #tpu.memory_space<vmem>>
      %dma_start3A_1475 = tpu.memref_squeeze %dma_start3A_1474 : memref<1x100x128xf32, #tpu.memory_space<vmem>> -> memref<100x128xf32, #tpu.memory_space<vmem>>
      %dma_start3A_1476 = arith.constant 0 : i32
      %dma_start3A_1477 = tpu.memref_slice %arg11[%dma_start3A_1470, %dma_start3A_1471, %dma_start3A_1476] : memref<2x5x100xi32, #tpu.memory_space<vmem>> -> memref<1x1x100xi32, #tpu.memory_space<vmem>>
      %dma_start3A_1478 = tpu.memref_squeeze %dma_start3A_1477 : memref<1x1x100xi32, #tpu.memory_space<vmem>> -> memref<100xi32, #tpu.memory_space<vmem>>
      %dma_start3A_1479 = arith.constant 0 : i32
      %dma_start3A_1480 = arith.constant 0 : i32
      %dma_start3A_1481 = tpu.memref_slice %arg14[%dma_start3A_1479, %dma_start3A_1480] : memref<10000x128xf32, #tpu.memory_space<vmem_shared>> -> memref<10000x128xf32, #tpu.memory_space<vmem_shared>>
      tpu.enqueue_indirect_dma source(%dma_start3A_1475 : memref<100x128xf32, #tpu.memory_space<vmem>>) target(%dma_start3A_1481 : memref<10000x128xf32, #tpu.memory_space<vmem_shared>>) offsets(%dma_start3A_1478 : memref<100xi32, #tpu.memory_space<vmem>>) semaphore(%arg18 : memref<!tpu.dma_semaphore, #tpu.memory_space<semaphore_mem>>) {add = true}
      %dma_start3A_1482 = arith.constant 0 : i32
      %dma_start3A_1483 = arith.constant 4 : i32
      %dma_start3A_1484 = arith.constant 0 : i32
      %dma_start3A_1485 = tpu.memref_slice %arg11[%dma_start3A_1482, %dma_start3A_1483, %dma_start3A_1484] : memref<2x5x100xi32, #tpu.memory_space<vmem>> -> memref<1x1x100xi32, #tpu.memory_space<vmem>>
      %dma_start3A_1486 = tpu.memref_squeeze %dma_start3A_1485 : memref<1x1x100xi32, #tpu.memory_space<vmem>> -> memref<100xi32, #tpu.memory_space<vmem>>
      %dma_start3A_1487 = arith.constant 0 : i32
      %dma_start3A_1488 = arith.constant 0 : i32
      %dma_start3A_1489 = tpu.memref_slice %arg15[%dma_start3A_1487, %dma_start3A_1488] : memref<10000x16xf32, #tpu.memory_space<vmem_shared>> -> memref<10000x16xf32, #tpu.memory_space<vmem_shared>>
      tpu.enqueue_indirect_dma source(%arg13 : memref<100x16xf32, #tpu.memory_space<vmem>>) target(%dma_start3A_1489 : memref<10000x16xf32, #tpu.memory_space<vmem_shared>>) offsets(%dma_start3A_1486 : memref<100xi32, #tpu.memory_space<vmem>>) semaphore(%arg18 : memref<!tpu.dma_semaphore, #tpu.memory_space<semaphore_mem>>) {add = true}
      %add3A_1490 = arith.constant 1 : i32
      %add3A_1491 = arith.addi %mul3A_945, %add3A_1490 : i32
      %dma_wait3A_1492 = arith.constant 0 : i32
      %dma_wait3A_1493 = arith.constant 1 : i32
      %dma_wait3A_1494 = arith.constant 1 : i32
      %dma_wait3A_1495 = arith.constant 0 : i32
      %dma_wait3A_1496 = arith.constant 0 : i32
      %dma_wait3A_1497 = tpu.memref_slice %arg12[%dma_wait3A_1492, %dma_wait3A_1495, %dma_wait3A_1496] : memref<2x100x128xf32, #tpu.memory_space<vmem>> -> memref<1x100x128xf32, #tpu.memory_space<vmem>>
      %dma_wait3A_1498 = tpu.memref_squeeze %dma_wait3A_1497 : memref<1x100x128xf32, #tpu.memory_space<vmem>> -> memref<100x128xf32, #tpu.memory_space<vmem>>
      %dma_wait3A_1499 = arith.constant 0 : i32
      %dma_wait3A_1500 = tpu.memref_slice %arg11[%dma_wait3A_1493, %dma_wait3A_1494, %dma_wait3A_1499] : memref<2x5x100xi32, #tpu.memory_space<vmem>> -> memref<1x1x100xi32, #tpu.memory_space<vmem>>
      %dma_wait3A_1501 = tpu.memref_squeeze %dma_wait3A_1500 : memref<1x1x100xi32, #tpu.memory_space<vmem>> -> memref<100xi32, #tpu.memory_space<vmem>>
      %dma_wait3A_1502 = arith.constant 0 : i32
      %dma_wait3A_1503 = arith.constant 0 : i32
      %dma_wait3A_1504 = tpu.memref_slice %arg14[%dma_wait3A_1502, %dma_wait3A_1503] : memref<10000x128xf32, #tpu.memory_space<vmem_shared>> -> memref<10000x128xf32, #tpu.memory_space<vmem_shared>>
      tpu.wait_indirect_dma semaphore(%arg18 : memref<!tpu.dma_semaphore, #tpu.memory_space<semaphore_mem>>) src(%dma_wait3A_1498 : memref<100x128xf32, #tpu.memory_space<vmem>>) dst(%dma_wait3A_1504 : memref<10000x128xf32, #tpu.memory_space<vmem_shared>>)
      %dma_wait3A_1505 = arith.constant 1 : i32
      %dma_wait3A_1506 = arith.constant 1 : i32
      %dma_wait3A_1507 = arith.constant 0 : i32
      %dma_wait3A_1508 = tpu.memref_slice %arg11[%dma_wait3A_1505, %dma_wait3A_1506, %dma_wait3A_1507] : memref<2x5x100xi32, #tpu.memory_space<vmem>> -> memref<1x1x100xi32, #tpu.memory_space<vmem>>
      %dma_wait3A_1509 = tpu.memref_squeeze %dma_wait3A_1508 : memref<1x1x100xi32, #tpu.memory_space<vmem>> -> memref<100xi32, #tpu.memory_space<vmem>>
      %dma_wait3A_1510 = arith.constant 0 : i32
      %dma_wait3A_1511 = arith.constant 0 : i32
      %dma_wait3A_1512 = tpu.memref_slice %arg15[%dma_wait3A_1510, %dma_wait3A_1511] : memref<10000x16xf32, #tpu.memory_space<vmem_shared>> -> memref<10000x16xf32, #tpu.memory_space<vmem_shared>>
      tpu.wait_indirect_dma semaphore(%arg18 : memref<!tpu.dma_semaphore, #tpu.memory_space<semaphore_mem>>) src(%arg13 : memref<100x16xf32, #tpu.memory_space<vmem>>) dst(%dma_wait3A_1512 : memref<10000x16xf32, #tpu.memory_space<vmem_shared>>)
      %dma_start3A_1513 = arith.constant 1 : i32
      %dma_start3A_1514 = arith.constant 1 : i32
      %dma_start3A_1515 = arith.constant 0 : i32
      %dma_start3A_1516 = arith.constant 0 : i32
      %dma_start3A_1517 = arith.constant 0 : i32
      %dma_start3A_1518 = tpu.memref_slice %arg12[%dma_start3A_1515, %dma_start3A_1516, %dma_start3A_1517] : memref<2x100x128xf32, #tpu.memory_space<vmem>> -> memref<1x100x128xf32, #tpu.memory_space<vmem>>
      %dma_start3A_1519 = tpu.memref_squeeze %dma_start3A_1518 : memref<1x100x128xf32, #tpu.memory_space<vmem>> -> memref<100x128xf32, #tpu.memory_space<vmem>>
      %dma_start3A_1520 = arith.constant 0 : i32
      %dma_start3A_1521 = tpu.memref_slice %arg10[%dma_start3A_1513, %dma_start3A_1514, %dma_start3A_1520] : memref<2x5x100xi32, #tpu.memory_space<vmem>> -> memref<1x1x100xi32, #tpu.memory_space<vmem>>
      %dma_start3A_1522 = tpu.memref_squeeze %dma_start3A_1521 : memref<1x1x100xi32, #tpu.memory_space<vmem>> -> memref<100xi32, #tpu.memory_space<vmem>>
      %dma_start3A_1523 = arith.constant 0 : i32
      %dma_start3A_1524 = arith.constant 0 : i32
      %dma_start3A_1525 = tpu.memref_slice %arg2[%dma_start3A_1523, %dma_start3A_1524] : memref<10000x128xf32, #tpu.memory_space<hbm>> -> memref<10000x128xf32, #tpu.memory_space<hbm>>
      tpu.enqueue_indirect_dma source(%dma_start3A_1525 : memref<10000x128xf32, #tpu.memory_space<hbm>>) target(%dma_start3A_1519 : memref<100x128xf32, #tpu.memory_space<vmem>>) offsets(%dma_start3A_1522 : memref<100xi32, #tpu.memory_space<vmem>>) semaphore(%arg16 : memref<!tpu.dma_semaphore, #tpu.memory_space<semaphore_mem>>)
      %dma_wait3A_1526 = arith.constant 1 : i32
      %dma_wait3A_1527 = arith.constant 0 : i32
      %dma_wait3A_1528 = arith.constant 1 : i32
      %dma_wait3A_1529 = arith.constant 0 : i32
      %dma_wait3A_1530 = arith.constant 0 : i32
      %dma_wait3A_1531 = tpu.memref_slice %arg12[%dma_wait3A_1528, %dma_wait3A_1529, %dma_wait3A_1530] : memref<2x100x128xf32, #tpu.memory_space<vmem>> -> memref<1x100x128xf32, #tpu.memory_space<vmem>>
      %dma_wait3A_1532 = tpu.memref_squeeze %dma_wait3A_1531 : memref<1x100x128xf32, #tpu.memory_space<vmem>> -> memref<100x128xf32, #tpu.memory_space<vmem>>
      %dma_wait3A_1533 = arith.constant 0 : i32
      %dma_wait3A_1534 = tpu.memref_slice %arg10[%dma_wait3A_1526, %dma_wait3A_1527, %dma_wait3A_1533] : memref<2x5x100xi32, #tpu.memory_space<vmem>> -> memref<1x1x100xi32, #tpu.memory_space<vmem>>
      %dma_wait3A_1535 = tpu.memref_squeeze %dma_wait3A_1534 : memref<1x1x100xi32, #tpu.memory_space<vmem>> -> memref<100xi32, #tpu.memory_space<vmem>>
      %dma_wait3A_1536 = arith.constant 0 : i32
      %dma_wait3A_1537 = arith.constant 0 : i32
      %dma_wait3A_1538 = tpu.memref_slice %arg2[%dma_wait3A_1536, %dma_wait3A_1537] : memref<10000x128xf32, #tpu.memory_space<hbm>> -> memref<10000x128xf32, #tpu.memory_space<hbm>>
      tpu.wait_indirect_dma semaphore(%arg17 : memref<!tpu.dma_semaphore, #tpu.memory_space<semaphore_mem>>) src(%dma_wait3A_1538 : memref<10000x128xf32, #tpu.memory_space<hbm>>) dst(%dma_wait3A_1532 : memref<100x128xf32, #tpu.memory_space<vmem>>)
      %dma_start3A_1539 = arith.constant 1 : i32
      %dma_start3A_1540 = arith.constant 1 : i32
      %dma_start3A_1541 = arith.constant 0 : i32
      %dma_start3A_1542 = arith.constant 0 : i32
      %dma_start3A_1543 = arith.constant 0 : i32
      %dma_start3A_1544 = tpu.memref_slice %arg12[%dma_start3A_1539, %dma_start3A_1542, %dma_start3A_1543] : memref<2x100x128xf32, #tpu.memory_space<vmem>> -> memref<1x100x128xf32, #tpu.memory_space<vmem>>
      %dma_start3A_1545 = tpu.memref_squeeze %dma_start3A_1544 : memref<1x100x128xf32, #tpu.memory_space<vmem>> -> memref<100x128xf32, #tpu.memory_space<vmem>>
      %dma_start3A_1546 = arith.constant 0 : i32
      %dma_start3A_1547 = tpu.memref_slice %arg11[%dma_start3A_1540, %dma_start3A_1541, %dma_start3A_1546] : memref<2x5x100xi32, #tpu.memory_space<vmem>> -> memref<1x1x100xi32, #tpu.memory_space<vmem>>
      %dma_start3A_1548 = tpu.memref_squeeze %dma_start3A_1547 : memref<1x1x100xi32, #tpu.memory_space<vmem>> -> memref<100xi32, #tpu.memory_space<vmem>>
      %dma_start3A_1549 = arith.constant 0 : i32
      %dma_start3A_1550 = arith.constant 0 : i32
      %dma_start3A_1551 = tpu.memref_slice %arg14[%dma_start3A_1549, %dma_start3A_1550] : memref<10000x128xf32, #tpu.memory_space<vmem_shared>> -> memref<10000x128xf32, #tpu.memory_space<vmem_shared>>
      tpu.enqueue_indirect_dma source(%dma_start3A_1545 : memref<100x128xf32, #tpu.memory_space<vmem>>) target(%dma_start3A_1551 : memref<10000x128xf32, #tpu.memory_space<vmem_shared>>) offsets(%dma_start3A_1548 : memref<100xi32, #tpu.memory_space<vmem>>) semaphore(%arg19 : memref<!tpu.dma_semaphore, #tpu.memory_space<semaphore_mem>>) {add = true}
      %dma_start3A_1552 = arith.constant 1 : i32
      %dma_start3A_1553 = arith.constant 0 : i32
      %dma_start3A_1554 = arith.constant 0 : i32
      %dma_start3A_1555 = tpu.memref_slice %arg11[%dma_start3A_1552, %dma_start3A_1553, %dma_start3A_1554] : memref<2x5x100xi32, #tpu.memory_space<vmem>> -> memref<1x1x100xi32, #tpu.memory_space<vmem>>
      %dma_start3A_1556 = tpu.memref_squeeze %dma_start3A_1555 : memref<1x1x100xi32, #tpu.memory_space<vmem>> -> memref<100xi32, #tpu.memory_space<vmem>>
      %dma_start3A_1557 = arith.constant 0 : i32
      %dma_start3A_1558 = arith.constant 0 : i32
      %dma_start3A_1559 = tpu.memref_slice %arg15[%dma_start3A_1557, %dma_start3A_1558] : memref<10000x16xf32, #tpu.memory_space<vmem_shared>> -> memref<10000x16xf32, #tpu.memory_space<vmem_shared>>
      tpu.enqueue_indirect_dma source(%arg13 : memref<100x16xf32, #tpu.memory_space<vmem>>) target(%dma_start3A_1559 : memref<10000x16xf32, #tpu.memory_space<vmem_shared>>) offsets(%dma_start3A_1556 : memref<100xi32, #tpu.memory_space<vmem>>) semaphore(%arg19 : memref<!tpu.dma_semaphore, #tpu.memory_space<semaphore_mem>>) {add = true}
      %add3A_1560 = arith.constant 1 : i32
      %add3A_1561 = arith.addi %add3A_1491, %add3A_1560 : i32
      %min3A_1562 = arith.constant 39 : i32
      %min3A_1563 = arith.minsi %add3A_1561, %min3A_1562 : i32
      %mul3A_1564 = arith.constant 40 : i32
      %mul3A_1565 = arith.muli %add3A, %mul3A_1564 : i32
      %add3A_1566 = arith.addi %mul3A_1565, %min3A_1563 : i32
      %dma_start3A_1567 = arith.constant 0 : i32
      %dma_start3A_1568 = arith.constant 0 : i32
      %dma_start3A_1569 = arith.constant 0 : i32
      %dma_start3A_1570 = tpu.memref_slice %arg10[%dma_start3A_1567, %dma_start3A_1568, %dma_start3A_1569] : memref<2x5x100xi32, #tpu.memory_space<vmem>> -> memref<1x5x100xi32, #tpu.memory_space<vmem>>
      %dma_start3A_1571 = tpu.memref_squeeze %dma_start3A_1570 : memref<1x5x100xi32, #tpu.memory_space<vmem>> -> memref<5x100xi32, #tpu.memory_space<vmem>>
      %dma_start3A_1572 = arith.constant 0 : i32
      %dma_start3A_1573 = arith.constant 0 : i32
      %dma_start3A_1574 = tpu.memref_slice %arg3[%add3A_1566, %dma_start3A_1572, %dma_start3A_1573] : memref<640x5x100xi32, #tpu.memory_space<hbm>> -> memref<1x5x100xi32, #tpu.memory_space<hbm>>
      %dma_start3A_1575 = tpu.memref_squeeze %dma_start3A_1574 : memref<1x5x100xi32, #tpu.memory_space<hbm>> -> memref<5x100xi32, #tpu.memory_space<hbm>>
      %dma_start3A_1576 = arith.constant 0 : i32
      %dma_start3A_1577 = arith.constant 0 : i32
      %dma_start3A_1578 = tpu.memref_slice %arg10[%dma_start3A_1567, %dma_start3A_1576, %dma_start3A_1577] : memref<2x5x100xi32, #tpu.memory_space<vmem>> -> memref<1x5x100xi32, #tpu.memory_space<vmem>>
      %dma_start3A_1579 = tpu.memref_squeeze %dma_start3A_1578 : memref<1x5x100xi32, #tpu.memory_space<vmem>> -> memref<5x100xi32, #tpu.memory_space<vmem>>
      %dma_start3A_1580 = arith.constant 0 : i32
      %dma_start3A_1581 = arith.constant 0 : i32
      %dma_start3A_1582 = tpu.memref_slice %arg3[%add3A_1566, %dma_start3A_1580, %dma_start3A_1581] : memref<640x5x100xi32, #tpu.memory_space<hbm>> -> memref<1x5x100xi32, #tpu.memory_space<hbm>>
      %dma_start3A_1583 = tpu.memref_squeeze %dma_start3A_1582 : memref<1x5x100xi32, #tpu.memory_space<hbm>> -> memref<5x100xi32, #tpu.memory_space<hbm>>
      tpu.enqueue_dma source(%dma_start3A_1583 : memref<5x100xi32, #tpu.memory_space<hbm>>) target(%dma_start3A_1579 : memref<5x100xi32, #tpu.memory_space<vmem>>) target_semaphore(%arg20 : memref<!tpu.dma_semaphore, #tpu.memory_space<semaphore_mem>>)
      %mul3A_1584 = arith.constant 40 : i32
      %mul3A_1585 = arith.muli %add3A, %mul3A_1584 : i32
      %add3A_1586 = arith.addi %mul3A_1585, %min3A_1563 : i32
      %dma_start3A_1587 = arith.constant 0 : i32
      %dma_start3A_1588 = arith.constant 0 : i32
      %dma_start3A_1589 = arith.constant 0 : i32
      %dma_start3A_1590 = tpu.memref_slice %arg11[%dma_start3A_1587, %dma_start3A_1588, %dma_start3A_1589] : memref<2x5x100xi32, #tpu.memory_space<vmem>> -> memref<1x5x100xi32, #tpu.memory_space<vmem>>
      %dma_start3A_1591 = tpu.memref_squeeze %dma_start3A_1590 : memref<1x5x100xi32, #tpu.memory_space<vmem>> -> memref<5x100xi32, #tpu.memory_space<vmem>>
      %dma_start3A_1592 = arith.constant 0 : i32
      %dma_start3A_1593 = arith.constant 0 : i32
      %dma_start3A_1594 = tpu.memref_slice %arg4[%add3A_1586, %dma_start3A_1592, %dma_start3A_1593] : memref<640x5x100xi32, #tpu.memory_space<hbm>> -> memref<1x5x100xi32, #tpu.memory_space<hbm>>
      %dma_start3A_1595 = tpu.memref_squeeze %dma_start3A_1594 : memref<1x5x100xi32, #tpu.memory_space<hbm>> -> memref<5x100xi32, #tpu.memory_space<hbm>>
      %dma_start3A_1596 = arith.constant 0 : i32
      %dma_start3A_1597 = arith.constant 0 : i32
      %dma_start3A_1598 = tpu.memref_slice %arg11[%dma_start3A_1587, %dma_start3A_1596, %dma_start3A_1597] : memref<2x5x100xi32, #tpu.memory_space<vmem>> -> memref<1x5x100xi32, #tpu.memory_space<vmem>>
      %dma_start3A_1599 = tpu.memref_squeeze %dma_start3A_1598 : memref<1x5x100xi32, #tpu.memory_space<vmem>> -> memref<5x100xi32, #tpu.memory_space<vmem>>
      %dma_start3A_1600 = arith.constant 0 : i32
      %dma_start3A_1601 = arith.constant 0 : i32
      %dma_start3A_1602 = tpu.memref_slice %arg4[%add3A_1586, %dma_start3A_1600, %dma_start3A_1601] : memref<640x5x100xi32, #tpu.memory_space<hbm>> -> memref<1x5x100xi32, #tpu.memory_space<hbm>>
      %dma_start3A_1603 = tpu.memref_squeeze %dma_start3A_1602 : memref<1x5x100xi32, #tpu.memory_space<hbm>> -> memref<5x100xi32, #tpu.memory_space<hbm>>
      tpu.enqueue_dma source(%dma_start3A_1603 : memref<5x100xi32, #tpu.memory_space<hbm>>) target(%dma_start3A_1599 : memref<5x100xi32, #tpu.memory_space<vmem>>) target_semaphore(%arg22 : memref<!tpu.dma_semaphore, #tpu.memory_space<semaphore_mem>>)
      %add3A_1604 = arith.constant 1 : i32
      %add3A_1605 = arith.addi %mul3A_945, %add3A_1604 : i32
      %dma_wait3A_1606 = arith.constant 1 : i32
      %dma_wait3A_1607 = arith.constant 1 : i32
      %dma_wait3A_1608 = arith.constant 2 : i32
      %dma_wait3A_1609 = arith.constant 0 : i32
      %dma_wait3A_1610 = arith.constant 0 : i32
      %dma_wait3A_1611 = tpu.memref_slice %arg12[%dma_wait3A_1606, %dma_wait3A_1609, %dma_wait3A_1610] : memref<2x100x128xf32, #tpu.memory_space<vmem>> -> memref<1x100x128xf32, #tpu.memory_space<vmem>>
      %dma_wait3A_1612 = tpu.memref_squeeze %dma_wait3A_1611 : memref<1x100x128xf32, #tpu.memory_space<vmem>> -> memref<100x128xf32, #tpu.memory_space<vmem>>
      %dma_wait3A_1613 = arith.constant 0 : i32
      %dma_wait3A_1614 = tpu.memref_slice %arg11[%dma_wait3A_1607, %dma_wait3A_1608, %dma_wait3A_1613] : memref<2x5x100xi32, #tpu.memory_space<vmem>> -> memref<1x1x100xi32, #tpu.memory_space<vmem>>
      %dma_wait3A_1615 = tpu.memref_squeeze %dma_wait3A_1614 : memref<1x1x100xi32, #tpu.memory_space<vmem>> -> memref<100xi32, #tpu.memory_space<vmem>>
      %dma_wait3A_1616 = arith.constant 0 : i32
      %dma_wait3A_1617 = arith.constant 0 : i32
      %dma_wait3A_1618 = tpu.memref_slice %arg14[%dma_wait3A_1616, %dma_wait3A_1617] : memref<10000x128xf32, #tpu.memory_space<vmem_shared>> -> memref<10000x128xf32, #tpu.memory_space<vmem_shared>>
      tpu.wait_indirect_dma semaphore(%arg19 : memref<!tpu.dma_semaphore, #tpu.memory_space<semaphore_mem>>) src(%dma_wait3A_1612 : memref<100x128xf32, #tpu.memory_space<vmem>>) dst(%dma_wait3A_1618 : memref<10000x128xf32, #tpu.memory_space<vmem_shared>>)
      %dma_wait3A_1619 = arith.constant 1 : i32
      %dma_wait3A_1620 = arith.constant 2 : i32
      %dma_wait3A_1621 = arith.constant 0 : i32
      %dma_wait3A_1622 = tpu.memref_slice %arg11[%dma_wait3A_1619, %dma_wait3A_1620, %dma_wait3A_1621] : memref<2x5x100xi32, #tpu.memory_space<vmem>> -> memref<1x1x100xi32, #tpu.memory_space<vmem>>
      %dma_wait3A_1623 = tpu.memref_squeeze %dma_wait3A_1622 : memref<1x1x100xi32, #tpu.memory_space<vmem>> -> memref<100xi32, #tpu.memory_space<vmem>>
      %dma_wait3A_1624 = arith.constant 0 : i32
      %dma_wait3A_1625 = arith.constant 0 : i32
      %dma_wait3A_1626 = tpu.memref_slice %arg15[%dma_wait3A_1624, %dma_wait3A_1625] : memref<10000x16xf32, #tpu.memory_space<vmem_shared>> -> memref<10000x16xf32, #tpu.memory_space<vmem_shared>>
      tpu.wait_indirect_dma semaphore(%arg19 : memref<!tpu.dma_semaphore, #tpu.memory_space<semaphore_mem>>) src(%arg13 : memref<100x16xf32, #tpu.memory_space<vmem>>) dst(%dma_wait3A_1626 : memref<10000x16xf32, #tpu.memory_space<vmem_shared>>)
      %dma_start3A_1627 = arith.constant 1 : i32
      %dma_start3A_1628 = arith.constant 2 : i32
      %dma_start3A_1629 = arith.constant 1 : i32
      %dma_start3A_1630 = arith.constant 0 : i32
      %dma_start3A_1631 = arith.constant 0 : i32
      %dma_start3A_1632 = tpu.memref_slice %arg12[%dma_start3A_1629, %dma_start3A_1630, %dma_start3A_1631] : memref<2x100x128xf32, #tpu.memory_space<vmem>> -> memref<1x100x128xf32, #tpu.memory_space<vmem>>
      %dma_start3A_1633 = tpu.memref_squeeze %dma_start3A_1632 : memref<1x100x128xf32, #tpu.memory_space<vmem>> -> memref<100x128xf32, #tpu.memory_space<vmem>>
      %dma_start3A_1634 = arith.constant 0 : i32
      %dma_start3A_1635 = tpu.memref_slice %arg10[%dma_start3A_1627, %dma_start3A_1628, %dma_start3A_1634] : memref<2x5x100xi32, #tpu.memory_space<vmem>> -> memref<1x1x100xi32, #tpu.memory_space<vmem>>
      %dma_start3A_1636 = tpu.memref_squeeze %dma_start3A_1635 : memref<1x1x100xi32, #tpu.memory_space<vmem>> -> memref<100xi32, #tpu.memory_space<vmem>>
      %dma_start3A_1637 = arith.constant 0 : i32
      %dma_start3A_1638 = arith.constant 0 : i32
      %dma_start3A_1639 = tpu.memref_slice %arg2[%dma_start3A_1637, %dma_start3A_1638] : memref<10000x128xf32, #tpu.memory_space<hbm>> -> memref<10000x128xf32, #tpu.memory_space<hbm>>
      tpu.enqueue_indirect_dma source(%dma_start3A_1639 : memref<10000x128xf32, #tpu.memory_space<hbm>>) target(%dma_start3A_1633 : memref<100x128xf32, #tpu.memory_space<vmem>>) offsets(%dma_start3A_1636 : memref<100xi32, #tpu.memory_space<vmem>>) semaphore(%arg17 : memref<!tpu.dma_semaphore, #tpu.memory_space<semaphore_mem>>)
      %dma_wait3A_1640 = arith.constant 1 : i32
      %dma_wait3A_1641 = arith.constant 1 : i32
      %dma_wait3A_1642 = arith.constant 0 : i32
      %dma_wait3A_1643 = arith.constant 0 : i32
      %dma_wait3A_1644 = arith.constant 0 : i32
      %dma_wait3A_1645 = tpu.memref_slice %arg12[%dma_wait3A_1642, %dma_wait3A_1643, %dma_wait3A_1644] : memref<2x100x128xf32, #tpu.memory_space<vmem>> -> memref<1x100x128xf32, #tpu.memory_space<vmem>>
      %dma_wait3A_1646 = tpu.memref_squeeze %dma_wait3A_1645 : memref<1x100x128xf32, #tpu.memory_space<vmem>> -> memref<100x128xf32, #tpu.memory_space<vmem>>
      %dma_wait3A_1647 = arith.constant 0 : i32
      %dma_wait3A_1648 = tpu.memref_slice %arg10[%dma_wait3A_1640, %dma_wait3A_1641, %dma_wait3A_1647] : memref<2x5x100xi32, #tpu.memory_space<vmem>> -> memref<1x1x100xi32, #tpu.memory_space<vmem>>
      %dma_wait3A_1649 = tpu.memref_squeeze %dma_wait3A_1648 : memref<1x1x100xi32, #tpu.memory_space<vmem>> -> memref<100xi32, #tpu.memory_space<vmem>>
      %dma_wait3A_1650 = arith.constant 0 : i32
      %dma_wait3A_1651 = arith.constant 0 : i32
      %dma_wait3A_1652 = tpu.memref_slice %arg2[%dma_wait3A_1650, %dma_wait3A_1651] : memref<10000x128xf32, #tpu.memory_space<hbm>> -> memref<10000x128xf32, #tpu.memory_space<hbm>>
      tpu.wait_indirect_dma semaphore(%arg16 : memref<!tpu.dma_semaphore, #tpu.memory_space<semaphore_mem>>) src(%dma_wait3A_1652 : memref<10000x128xf32, #tpu.memory_space<hbm>>) dst(%dma_wait3A_1646 : memref<100x128xf32, #tpu.memory_space<vmem>>)
      %dma_start3A_1653 = arith.constant 0 : i32
      %dma_start3A_1654 = arith.constant 1 : i32
      %dma_start3A_1655 = arith.constant 1 : i32
      %dma_start3A_1656 = arith.constant 0 : i32
      %dma_start3A_1657 = arith.constant 0 : i32
      %dma_start3A_1658 = tpu.memref_slice %arg12[%dma_start3A_1653, %dma_start3A_1656, %dma_start3A_1657] : memref<2x100x128xf32, #tpu.memory_space<vmem>> -> memref<1x100x128xf32, #tpu.memory_space<vmem>>
      %dma_start3A_1659 = tpu.memref_squeeze %dma_start3A_1658 : memref<1x100x128xf32, #tpu.memory_space<vmem>> -> memref<100x128xf32, #tpu.memory_space<vmem>>
      %dma_start3A_1660 = arith.constant 0 : i32
      %dma_start3A_1661 = tpu.memref_slice %arg11[%dma_start3A_1654, %dma_start3A_1655, %dma_start3A_1660] : memref<2x5x100xi32, #tpu.memory_space<vmem>> -> memref<1x1x100xi32, #tpu.memory_space<vmem>>
      %dma_start3A_1662 = tpu.memref_squeeze %dma_start3A_1661 : memref<1x1x100xi32, #tpu.memory_space<vmem>> -> memref<100xi32, #tpu.memory_space<vmem>>
      %dma_start3A_1663 = arith.constant 0 : i32
      %dma_start3A_1664 = arith.constant 0 : i32
      %dma_start3A_1665 = tpu.memref_slice %arg14[%dma_start3A_1663, %dma_start3A_1664] : memref<10000x128xf32, #tpu.memory_space<vmem_shared>> -> memref<10000x128xf32, #tpu.memory_space<vmem_shared>>
      tpu.enqueue_indirect_dma source(%dma_start3A_1659 : memref<100x128xf32, #tpu.memory_space<vmem>>) target(%dma_start3A_1665 : memref<10000x128xf32, #tpu.memory_space<vmem_shared>>) offsets(%dma_start3A_1662 : memref<100xi32, #tpu.memory_space<vmem>>) semaphore(%arg18 : memref<!tpu.dma_semaphore, #tpu.memory_space<semaphore_mem>>) {add = true}
      %dma_start3A_1666 = arith.constant 1 : i32
      %dma_start3A_1667 = arith.constant 1 : i32
      %dma_start3A_1668 = arith.constant 0 : i32
      %dma_start3A_1669 = tpu.memref_slice %arg11[%dma_start3A_1666, %dma_start3A_1667, %dma_start3A_1668] : memref<2x5x100xi32, #tpu.memory_space<vmem>> -> memref<1x1x100xi32, #tpu.memory_space<vmem>>
      %dma_start3A_1670 = tpu.memref_squeeze %dma_start3A_1669 : memref<1x1x100xi32, #tpu.memory_space<vmem>> -> memref<100xi32, #tpu.memory_space<vmem>>
      %dma_start3A_1671 = arith.constant 0 : i32
      %dma_start3A_1672 = arith.constant 0 : i32
      %dma_start3A_1673 = tpu.memref_slice %arg15[%dma_start3A_1671, %dma_start3A_1672] : memref<10000x16xf32, #tpu.memory_space<vmem_shared>> -> memref<10000x16xf32, #tpu.memory_space<vmem_shared>>
      tpu.enqueue_indirect_dma source(%arg13 : memref<100x16xf32, #tpu.memory_space<vmem>>) target(%dma_start3A_1673 : memref<10000x16xf32, #tpu.memory_space<vmem_shared>>) offsets(%dma_start3A_1670 : memref<100xi32, #tpu.memory_space<vmem>>) semaphore(%arg18 : memref<!tpu.dma_semaphore, #tpu.memory_space<semaphore_mem>>) {add = true}
      %add3A_1674 = arith.constant 1 : i32
      %add3A_1675 = arith.addi %mul3A_945, %add3A_1674 : i32
      %dma_wait3A_1676 = arith.constant 0 : i32
      %dma_wait3A_1677 = arith.constant 1 : i32
      %dma_wait3A_1678 = arith.constant 3 : i32
      %dma_wait3A_1679 = arith.constant 0 : i32
      %dma_wait3A_1680 = arith.constant 0 : i32
      %dma_wait3A_1681 = tpu.memref_slice %arg12[%dma_wait3A_1676, %dma_wait3A_1679, %dma_wait3A_1680] : memref<2x100x128xf32, #tpu.memory_space<vmem>> -> memref<1x100x128xf32, #tpu.memory_space<vmem>>
      %dma_wait3A_1682 = tpu.memref_squeeze %dma_wait3A_1681 : memref<1x100x128xf32, #tpu.memory_space<vmem>> -> memref<100x128xf32, #tpu.memory_space<vmem>>
      %dma_wait3A_1683 = arith.constant 0 : i32
      %dma_wait3A_1684 = tpu.memref_slice %arg11[%dma_wait3A_1677, %dma_wait3A_1678, %dma_wait3A_1683] : memref<2x5x100xi32, #tpu.memory_space<vmem>> -> memref<1x1x100xi32, #tpu.memory_space<vmem>>
      %dma_wait3A_1685 = tpu.memref_squeeze %dma_wait3A_1684 : memref<1x1x100xi32, #tpu.memory_space<vmem>> -> memref<100xi32, #tpu.memory_space<vmem>>
      %dma_wait3A_1686 = arith.constant 0 : i32
      %dma_wait3A_1687 = arith.constant 0 : i32
      %dma_wait3A_1688 = tpu.memref_slice %arg14[%dma_wait3A_1686, %dma_wait3A_1687] : memref<10000x128xf32, #tpu.memory_space<vmem_shared>> -> memref<10000x128xf32, #tpu.memory_space<vmem_shared>>
      tpu.wait_indirect_dma semaphore(%arg18 : memref<!tpu.dma_semaphore, #tpu.memory_space<semaphore_mem>>) src(%dma_wait3A_1682 : memref<100x128xf32, #tpu.memory_space<vmem>>) dst(%dma_wait3A_1688 : memref<10000x128xf32, #tpu.memory_space<vmem_shared>>)
      %dma_wait3A_1689 = arith.constant 1 : i32
      %dma_wait3A_1690 = arith.constant 3 : i32
      %dma_wait3A_1691 = arith.constant 0 : i32
      %dma_wait3A_1692 = tpu.memref_slice %arg11[%dma_wait3A_1689, %dma_wait3A_1690, %dma_wait3A_1691] : memref<2x5x100xi32, #tpu.memory_space<vmem>> -> memref<1x1x100xi32, #tpu.memory_space<vmem>>
      %dma_wait3A_1693 = tpu.memref_squeeze %dma_wait3A_1692 : memref<1x1x100xi32, #tpu.memory_space<vmem>> -> memref<100xi32, #tpu.memory_space<vmem>>
      %dma_wait3A_1694 = arith.constant 0 : i32
      %dma_wait3A_1695 = arith.constant 0 : i32
      %dma_wait3A_1696 = tpu.memref_slice %arg15[%dma_wait3A_1694, %dma_wait3A_1695] : memref<10000x16xf32, #tpu.memory_space<vmem_shared>> -> memref<10000x16xf32, #tpu.memory_space<vmem_shared>>
      tpu.wait_indirect_dma semaphore(%arg18 : memref<!tpu.dma_semaphore, #tpu.memory_space<semaphore_mem>>) src(%arg13 : memref<100x16xf32, #tpu.memory_space<vmem>>) dst(%dma_wait3A_1696 : memref<10000x16xf32, #tpu.memory_space<vmem_shared>>)
      %dma_start3A_1697 = arith.constant 1 : i32
      %dma_start3A_1698 = arith.constant 3 : i32
      %dma_start3A_1699 = arith.constant 0 : i32
      %dma_start3A_1700 = arith.constant 0 : i32
      %dma_start3A_1701 = arith.constant 0 : i32
      %dma_start3A_1702 = tpu.memref_slice %arg12[%dma_start3A_1699, %dma_start3A_1700, %dma_start3A_1701] : memref<2x100x128xf32, #tpu.memory_space<vmem>> -> memref<1x100x128xf32, #tpu.memory_space<vmem>>
      %dma_start3A_1703 = tpu.memref_squeeze %dma_start3A_1702 : memref<1x100x128xf32, #tpu.memory_space<vmem>> -> memref<100x128xf32, #tpu.memory_space<vmem>>
      %dma_start3A_1704 = arith.constant 0 : i32
      %dma_start3A_1705 = tpu.memref_slice %arg10[%dma_start3A_1697, %dma_start3A_1698, %dma_start3A_1704] : memref<2x5x100xi32, #tpu.memory_space<vmem>> -> memref<1x1x100xi32, #tpu.memory_space<vmem>>
      %dma_start3A_1706 = tpu.memref_squeeze %dma_start3A_1705 : memref<1x1x100xi32, #tpu.memory_space<vmem>> -> memref<100xi32, #tpu.memory_space<vmem>>
      %dma_start3A_1707 = arith.constant 0 : i32
      %dma_start3A_1708 = arith.constant 0 : i32
      %dma_start3A_1709 = tpu.memref_slice %arg2[%dma_start3A_1707, %dma_start3A_1708] : memref<10000x128xf32, #tpu.memory_space<hbm>> -> memref<10000x128xf32, #tpu.memory_space<hbm>>
      tpu.enqueue_indirect_dma source(%dma_start3A_1709 : memref<10000x128xf32, #tpu.memory_space<hbm>>) target(%dma_start3A_1703 : memref<100x128xf32, #tpu.memory_space<vmem>>) offsets(%dma_start3A_1706 : memref<100xi32, #tpu.memory_space<vmem>>) semaphore(%arg16 : memref<!tpu.dma_semaphore, #tpu.memory_space<semaphore_mem>>)
      %dma_wait3A_1710 = arith.constant 1 : i32
      %dma_wait3A_1711 = arith.constant 2 : i32
      %dma_wait3A_1712 = arith.constant 1 : i32
      %dma_wait3A_1713 = arith.constant 0 : i32
      %dma_wait3A_1714 = arith.constant 0 : i32
      %dma_wait3A_1715 = tpu.memref_slice %arg12[%dma_wait3A_1712, %dma_wait3A_1713, %dma_wait3A_1714] : memref<2x100x128xf32, #tpu.memory_space<vmem>> -> memref<1x100x128xf32, #tpu.memory_space<vmem>>
      %dma_wait3A_1716 = tpu.memref_squeeze %dma_wait3A_1715 : memref<1x100x128xf32, #tpu.memory_space<vmem>> -> memref<100x128xf32, #tpu.memory_space<vmem>>
      %dma_wait3A_1717 = arith.constant 0 : i32
      %dma_wait3A_1718 = tpu.memref_slice %arg10[%dma_wait3A_1710, %dma_wait3A_1711, %dma_wait3A_1717] : memref<2x5x100xi32, #tpu.memory_space<vmem>> -> memref<1x1x100xi32, #tpu.memory_space<vmem>>
      %dma_wait3A_1719 = tpu.memref_squeeze %dma_wait3A_1718 : memref<1x1x100xi32, #tpu.memory_space<vmem>> -> memref<100xi32, #tpu.memory_space<vmem>>
      %dma_wait3A_1720 = arith.constant 0 : i32
      %dma_wait3A_1721 = arith.constant 0 : i32
      %dma_wait3A_1722 = tpu.memref_slice %arg2[%dma_wait3A_1720, %dma_wait3A_1721] : memref<10000x128xf32, #tpu.memory_space<hbm>> -> memref<10000x128xf32, #tpu.memory_space<hbm>>
      tpu.wait_indirect_dma semaphore(%arg17 : memref<!tpu.dma_semaphore, #tpu.memory_space<semaphore_mem>>) src(%dma_wait3A_1722 : memref<10000x128xf32, #tpu.memory_space<hbm>>) dst(%dma_wait3A_1716 : memref<100x128xf32, #tpu.memory_space<vmem>>)
      %dma_start3A_1723 = arith.constant 1 : i32
      %dma_start3A_1724 = arith.constant 1 : i32
      %dma_start3A_1725 = arith.constant 2 : i32
      %dma_start3A_1726 = arith.constant 0 : i32
      %dma_start3A_1727 = arith.constant 0 : i32
      %dma_start3A_1728 = tpu.memref_slice %arg12[%dma_start3A_1723, %dma_start3A_1726, %dma_start3A_1727] : memref<2x100x128xf32, #tpu.memory_space<vmem>> -> memref<1x100x128xf32, #tpu.memory_space<vmem>>
      %dma_start3A_1729 = tpu.memref_squeeze %dma_start3A_1728 : memref<1x100x128xf32, #tpu.memory_space<vmem>> -> memref<100x128xf32, #tpu.memory_space<vmem>>
      %dma_start3A_1730 = arith.constant 0 : i32
      %dma_start3A_1731 = tpu.memref_slice %arg11[%dma_start3A_1724, %dma_start3A_1725, %dma_start3A_1730] : memref<2x5x100xi32, #tpu.memory_space<vmem>> -> memref<1x1x100xi32, #tpu.memory_space<vmem>>
      %dma_start3A_1732 = tpu.memref_squeeze %dma_start3A_1731 : memref<1x1x100xi32, #tpu.memory_space<vmem>> -> memref<100xi32, #tpu.memory_space<vmem>>
      %dma_start3A_1733 = arith.constant 0 : i32
      %dma_start3A_1734 = arith.constant 0 : i32
      %dma_start3A_1735 = tpu.memref_slice %arg14[%dma_start3A_1733, %dma_start3A_1734] : memref<10000x128xf32, #tpu.memory_space<vmem_shared>> -> memref<10000x128xf32, #tpu.memory_space<vmem_shared>>
      tpu.enqueue_indirect_dma source(%dma_start3A_1729 : memref<100x128xf32, #tpu.memory_space<vmem>>) target(%dma_start3A_1735 : memref<10000x128xf32, #tpu.memory_space<vmem_shared>>) offsets(%dma_start3A_1732 : memref<100xi32, #tpu.memory_space<vmem>>) semaphore(%arg19 : memref<!tpu.dma_semaphore, #tpu.memory_space<semaphore_mem>>) {add = true}
      %dma_start3A_1736 = arith.constant 1 : i32
      %dma_start3A_1737 = arith.constant 2 : i32
      %dma_start3A_1738 = arith.constant 0 : i32
      %dma_start3A_1739 = tpu.memref_slice %arg11[%dma_start3A_1736, %dma_start3A_1737, %dma_start3A_1738] : memref<2x5x100xi32, #tpu.memory_space<vmem>> -> memref<1x1x100xi32, #tpu.memory_space<vmem>>
      %dma_start3A_1740 = tpu.memref_squeeze %dma_start3A_1739 : memref<1x1x100xi32, #tpu.memory_space<vmem>> -> memref<100xi32, #tpu.memory_space<vmem>>
      %dma_start3A_1741 = arith.constant 0 : i32
      %dma_start3A_1742 = arith.constant 0 : i32
      %dma_start3A_1743 = tpu.memref_slice %arg15[%dma_start3A_1741, %dma_start3A_1742] : memref<10000x16xf32, #tpu.memory_space<vmem_shared>> -> memref<10000x16xf32, #tpu.memory_space<vmem_shared>>
      tpu.enqueue_indirect_dma source(%arg13 : memref<100x16xf32, #tpu.memory_space<vmem>>) target(%dma_start3A_1743 : memref<10000x16xf32, #tpu.memory_space<vmem_shared>>) offsets(%dma_start3A_1740 : memref<100xi32, #tpu.memory_space<vmem>>) semaphore(%arg19 : memref<!tpu.dma_semaphore, #tpu.memory_space<semaphore_mem>>) {add = true}
      %add3A_1744 = arith.constant 1 : i32
      %add3A_1745 = arith.addi %mul3A_945, %add3A_1744 : i32
      %dma_wait3A_1746 = arith.constant 1 : i32
      %dma_wait3A_1747 = arith.constant 1 : i32
      %dma_wait3A_1748 = arith.constant 4 : i32
      %dma_wait3A_1749 = arith.constant 0 : i32
      %dma_wait3A_1750 = arith.constant 0 : i32
      %dma_wait3A_1751 = tpu.memref_slice %arg12[%dma_wait3A_1746, %dma_wait3A_1749, %dma_wait3A_1750] : memref<2x100x128xf32, #tpu.memory_space<vmem>> -> memref<1x100x128xf32, #tpu.memory_space<vmem>>
      %dma_wait3A_1752 = tpu.memref_squeeze %dma_wait3A_1751 : memref<1x100x128xf32, #tpu.memory_space<vmem>> -> memref<100x128xf32, #tpu.memory_space<vmem>>
      %dma_wait3A_1753 = arith.constant 0 : i32
      %dma_wait3A_1754 = tpu.memref_slice %arg11[%dma_wait3A_1747, %dma_wait3A_1748, %dma_wait3A_1753] : memref<2x5x100xi32, #tpu.memory_space<vmem>> -> memref<1x1x100xi32, #tpu.memory_space<vmem>>
      %dma_wait3A_1755 = tpu.memref_squeeze %dma_wait3A_1754 : memref<1x1x100xi32, #tpu.memory_space<vmem>> -> memref<100xi32, #tpu.memory_space<vmem>>
      %dma_wait3A_1756 = arith.constant 0 : i32
      %dma_wait3A_1757 = arith.constant 0 : i32
      %dma_wait3A_1758 = tpu.memref_slice %arg14[%dma_wait3A_1756, %dma_wait3A_1757] : memref<10000x128xf32, #tpu.memory_space<vmem_shared>> -> memref<10000x128xf32, #tpu.memory_space<vmem_shared>>
      tpu.wait_indirect_dma semaphore(%arg19 : memref<!tpu.dma_semaphore, #tpu.memory_space<semaphore_mem>>) src(%dma_wait3A_1752 : memref<100x128xf32, #tpu.memory_space<vmem>>) dst(%dma_wait3A_1758 : memref<10000x128xf32, #tpu.memory_space<vmem_shared>>)
      %dma_wait3A_1759 = arith.constant 1 : i32
      %dma_wait3A_1760 = arith.constant 4 : i32
      %dma_wait3A_1761 = arith.constant 0 : i32
      %dma_wait3A_1762 = tpu.memref_slice %arg11[%dma_wait3A_1759, %dma_wait3A_1760, %dma_wait3A_1761] : memref<2x5x100xi32, #tpu.memory_space<vmem>> -> memref<1x1x100xi32, #tpu.memory_space<vmem>>
      %dma_wait3A_1763 = tpu.memref_squeeze %dma_wait3A_1762 : memref<1x1x100xi32, #tpu.memory_space<vmem>> -> memref<100xi32, #tpu.memory_space<vmem>>
      %dma_wait3A_1764 = arith.constant 0 : i32
      %dma_wait3A_1765 = arith.constant 0 : i32
      %dma_wait3A_1766 = tpu.memref_slice %arg15[%dma_wait3A_1764, %dma_wait3A_1765] : memref<10000x16xf32, #tpu.memory_space<vmem_shared>> -> memref<10000x16xf32, #tpu.memory_space<vmem_shared>>
      tpu.wait_indirect_dma semaphore(%arg19 : memref<!tpu.dma_semaphore, #tpu.memory_space<semaphore_mem>>) src(%arg13 : memref<100x16xf32, #tpu.memory_space<vmem>>) dst(%dma_wait3A_1766 : memref<10000x16xf32, #tpu.memory_space<vmem_shared>>)
      %dma_start3A_1767 = arith.constant 1 : i32
      %dma_start3A_1768 = arith.constant 4 : i32
      %dma_start3A_1769 = arith.constant 1 : i32
      %dma_start3A_1770 = arith.constant 0 : i32
      %dma_start3A_1771 = arith.constant 0 : i32
      %dma_start3A_1772 = tpu.memref_slice %arg12[%dma_start3A_1769, %dma_start3A_1770, %dma_start3A_1771] : memref<2x100x128xf32, #tpu.memory_space<vmem>> -> memref<1x100x128xf32, #tpu.memory_space<vmem>>
      %dma_start3A_1773 = tpu.memref_squeeze %dma_start3A_1772 : memref<1x100x128xf32, #tpu.memory_space<vmem>> -> memref<100x128xf32, #tpu.memory_space<vmem>>
      %dma_start3A_1774 = arith.constant 0 : i32
      %dma_start3A_1775 = tpu.memref_slice %arg10[%dma_start3A_1767, %dma_start3A_1768, %dma_start3A_1774] : memref<2x5x100xi32, #tpu.memory_space<vmem>> -> memref<1x1x100xi32, #tpu.memory_space<vmem>>
      %dma_start3A_1776 = tpu.memref_squeeze %dma_start3A_1775 : memref<1x1x100xi32, #tpu.memory_space<vmem>> -> memref<100xi32, #tpu.memory_space<vmem>>
      %dma_start3A_1777 = arith.constant 0 : i32
      %dma_start3A_1778 = arith.constant 0 : i32
      %dma_start3A_1779 = tpu.memref_slice %arg2[%dma_start3A_1777, %dma_start3A_1778] : memref<10000x128xf32, #tpu.memory_space<hbm>> -> memref<10000x128xf32, #tpu.memory_space<hbm>>
      tpu.enqueue_indirect_dma source(%dma_start3A_1779 : memref<10000x128xf32, #tpu.memory_space<hbm>>) target(%dma_start3A_1773 : memref<100x128xf32, #tpu.memory_space<vmem>>) offsets(%dma_start3A_1776 : memref<100xi32, #tpu.memory_space<vmem>>) semaphore(%arg17 : memref<!tpu.dma_semaphore, #tpu.memory_space<semaphore_mem>>)
      %dma_wait3A_1780 = arith.constant 1 : i32
      %dma_wait3A_1781 = arith.constant 3 : i32
      %dma_wait3A_1782 = arith.constant 0 : i32
      %dma_wait3A_1783 = arith.constant 0 : i32
      %dma_wait3A_1784 = arith.constant 0 : i32
      %dma_wait3A_1785 = tpu.memref_slice %arg12[%dma_wait3A_1782, %dma_wait3A_1783, %dma_wait3A_1784] : memref<2x100x128xf32, #tpu.memory_space<vmem>> -> memref<1x100x128xf32, #tpu.memory_space<vmem>>
      %dma_wait3A_1786 = tpu.memref_squeeze %dma_wait3A_1785 : memref<1x100x128xf32, #tpu.memory_space<vmem>> -> memref<100x128xf32, #tpu.memory_space<vmem>>
      %dma_wait3A_1787 = arith.constant 0 : i32
      %dma_wait3A_1788 = tpu.memref_slice %arg10[%dma_wait3A_1780, %dma_wait3A_1781, %dma_wait3A_1787] : memref<2x5x100xi32, #tpu.memory_space<vmem>> -> memref<1x1x100xi32, #tpu.memory_space<vmem>>
      %dma_wait3A_1789 = tpu.memref_squeeze %dma_wait3A_1788 : memref<1x1x100xi32, #tpu.memory_space<vmem>> -> memref<100xi32, #tpu.memory_space<vmem>>
      %dma_wait3A_1790 = arith.constant 0 : i32
      %dma_wait3A_1791 = arith.constant 0 : i32
      %dma_wait3A_1792 = tpu.memref_slice %arg2[%dma_wait3A_1790, %dma_wait3A_1791] : memref<10000x128xf32, #tpu.memory_space<hbm>> -> memref<10000x128xf32, #tpu.memory_space<hbm>>
      tpu.wait_indirect_dma semaphore(%arg16 : memref<!tpu.dma_semaphore, #tpu.memory_space<semaphore_mem>>) src(%dma_wait3A_1792 : memref<10000x128xf32, #tpu.memory_space<hbm>>) dst(%dma_wait3A_1786 : memref<100x128xf32, #tpu.memory_space<vmem>>)
      %dma_start3A_1793 = arith.constant 0 : i32
      %dma_start3A_1794 = arith.constant 1 : i32
      %dma_start3A_1795 = arith.constant 3 : i32
      %dma_start3A_1796 = arith.constant 0 : i32
      %dma_start3A_1797 = arith.constant 0 : i32
      %dma_start3A_1798 = tpu.memref_slice %arg12[%dma_start3A_1793, %dma_start3A_1796, %dma_start3A_1797] : memref<2x100x128xf32, #tpu.memory_space<vmem>> -> memref<1x100x128xf32, #tpu.memory_space<vmem>>
      %dma_start3A_1799 = tpu.memref_squeeze %dma_start3A_1798 : memref<1x100x128xf32, #tpu.memory_space<vmem>> -> memref<100x128xf32, #tpu.memory_space<vmem>>
      %dma_start3A_1800 = arith.constant 0 : i32
      %dma_start3A_1801 = tpu.memref_slice %arg11[%dma_start3A_1794, %dma_start3A_1795, %dma_start3A_1800] : memref<2x5x100xi32, #tpu.memory_space<vmem>> -> memref<1x1x100xi32, #tpu.memory_space<vmem>>
      %dma_start3A_1802 = tpu.memref_squeeze %dma_start3A_1801 : memref<1x1x100xi32, #tpu.memory_space<vmem>> -> memref<100xi32, #tpu.memory_space<vmem>>
      %dma_start3A_1803 = arith.constant 0 : i32
      %dma_start3A_1804 = arith.constant 0 : i32
      %dma_start3A_1805 = tpu.memref_slice %arg14[%dma_start3A_1803, %dma_start3A_1804] : memref<10000x128xf32, #tpu.memory_space<vmem_shared>> -> memref<10000x128xf32, #tpu.memory_space<vmem_shared>>
      tpu.enqueue_indirect_dma source(%dma_start3A_1799 : memref<100x128xf32, #tpu.memory_space<vmem>>) target(%dma_start3A_1805 : memref<10000x128xf32, #tpu.memory_space<vmem_shared>>) offsets(%dma_start3A_1802 : memref<100xi32, #tpu.memory_space<vmem>>) semaphore(%arg18 : memref<!tpu.dma_semaphore, #tpu.memory_space<semaphore_mem>>) {add = true}
      %dma_start3A_1806 = arith.constant 1 : i32
      %dma_start3A_1807 = arith.constant 3 : i32
      %dma_start3A_1808 = arith.constant 0 : i32
      %dma_start3A_1809 = tpu.memref_slice %arg11[%dma_start3A_1806, %dma_start3A_1807, %dma_start3A_1808] : memref<2x5x100xi32, #tpu.memory_space<vmem>> -> memref<1x1x100xi32, #tpu.memory_space<vmem>>
      %dma_start3A_1810 = tpu.memref_squeeze %dma_start3A_1809 : memref<1x1x100xi32, #tpu.memory_space<vmem>> -> memref<100xi32, #tpu.memory_space<vmem>>
      %dma_start3A_1811 = arith.constant 0 : i32
      %dma_start3A_1812 = arith.constant 0 : i32
      %dma_start3A_1813 = tpu.memref_slice %arg15[%dma_start3A_1811, %dma_start3A_1812] : memref<10000x16xf32, #tpu.memory_space<vmem_shared>> -> memref<10000x16xf32, #tpu.memory_space<vmem_shared>>
      tpu.enqueue_indirect_dma source(%arg13 : memref<100x16xf32, #tpu.memory_space<vmem>>) target(%dma_start3A_1813 : memref<10000x16xf32, #tpu.memory_space<vmem_shared>>) offsets(%dma_start3A_1810 : memref<100xi32, #tpu.memory_space<vmem>>) semaphore(%arg18 : memref<!tpu.dma_semaphore, #tpu.memory_space<semaphore_mem>>) {add = true}
    }
    %scan3A_821 = arith.constant 19 : i32
    %dma_wait3A_822 = arith.constant 1 : i32
    %dma_wait3A_823 = arith.constant 4 : i32
    %dma_wait3A_824 = arith.constant 1 : i32
    %dma_wait3A_825 = arith.constant 0 : i32
    %dma_wait3A_826 = arith.constant 0 : i32
    %dma_wait3A_827 = tpu.memref_slice %arg12[%dma_wait3A_824, %dma_wait3A_825, %dma_wait3A_826] : memref<2x100x128xf32, #tpu.memory_space<vmem>> -> memref<1x100x128xf32, #tpu.memory_space<vmem>>
    %dma_wait3A_828 = tpu.memref_squeeze %dma_wait3A_827 : memref<1x100x128xf32, #tpu.memory_space<vmem>> -> memref<100x128xf32, #tpu.memory_space<vmem>>
    %dma_wait3A_829 = arith.constant 0 : i32
    %dma_wait3A_830 = tpu.memref_slice %arg10[%dma_wait3A_822, %dma_wait3A_823, %dma_wait3A_829] : memref<2x5x100xi32, #tpu.memory_space<vmem>> -> memref<1x1x100xi32, #tpu.memory_space<vmem>>
    %dma_wait3A_831 = tpu.memref_squeeze %dma_wait3A_830 : memref<1x1x100xi32, #tpu.memory_space<vmem>> -> memref<100xi32, #tpu.memory_space<vmem>>
    %dma_wait3A_832 = arith.constant 0 : i32
    %dma_wait3A_833 = arith.constant 0 : i32
    %dma_wait3A_834 = tpu.memref_slice %arg2[%dma_wait3A_832, %dma_wait3A_833] : memref<10000x128xf32, #tpu.memory_space<hbm>> -> memref<10000x128xf32, #tpu.memory_space<hbm>>
    tpu.wait_indirect_dma semaphore(%arg17 : memref<!tpu.dma_semaphore, #tpu.memory_space<semaphore_mem>>) src(%dma_wait3A_834 : memref<10000x128xf32, #tpu.memory_space<hbm>>) dst(%dma_wait3A_828 : memref<100x128xf32, #tpu.memory_space<vmem>>)
    %dma_start3A_835 = arith.constant 1 : i32
    %dma_start3A_836 = arith.constant 1 : i32
    %dma_start3A_837 = arith.constant 4 : i32
    %dma_start3A_838 = arith.constant 0 : i32
    %dma_start3A_839 = arith.constant 0 : i32
    %dma_start3A_840 = tpu.memref_slice %arg12[%dma_start3A_835, %dma_start3A_838, %dma_start3A_839] : memref<2x100x128xf32, #tpu.memory_space<vmem>> -> memref<1x100x128xf32, #tpu.memory_space<vmem>>
    %dma_start3A_841 = tpu.memref_squeeze %dma_start3A_840 : memref<1x100x128xf32, #tpu.memory_space<vmem>> -> memref<100x128xf32, #tpu.memory_space<vmem>>
    %dma_start3A_842 = arith.constant 0 : i32
    %dma_start3A_843 = tpu.memref_slice %arg11[%dma_start3A_836, %dma_start3A_837, %dma_start3A_842] : memref<2x5x100xi32, #tpu.memory_space<vmem>> -> memref<1x1x100xi32, #tpu.memory_space<vmem>>
    %dma_start3A_844 = tpu.memref_squeeze %dma_start3A_843 : memref<1x1x100xi32, #tpu.memory_space<vmem>> -> memref<100xi32, #tpu.memory_space<vmem>>
    %dma_start3A_845 = arith.constant 0 : i32
    %dma_start3A_846 = arith.constant 0 : i32
    %dma_start3A_847 = tpu.memref_slice %arg14[%dma_start3A_845, %dma_start3A_846] : memref<10000x128xf32, #tpu.memory_space<vmem_shared>> -> memref<10000x128xf32, #tpu.memory_space<vmem_shared>>
    tpu.enqueue_indirect_dma source(%dma_start3A_841 : memref<100x128xf32, #tpu.memory_space<vmem>>) target(%dma_start3A_847 : memref<10000x128xf32, #tpu.memory_space<vmem_shared>>) offsets(%dma_start3A_844 : memref<100xi32, #tpu.memory_space<vmem>>) semaphore(%arg19 : memref<!tpu.dma_semaphore, #tpu.memory_space<semaphore_mem>>) {add = true}
    %dma_start3A_848 = arith.constant 1 : i32
    %dma_start3A_849 = arith.constant 4 : i32
    %dma_start3A_850 = arith.constant 0 : i32
    %dma_start3A_851 = tpu.memref_slice %arg11[%dma_start3A_848, %dma_start3A_849, %dma_start3A_850] : memref<2x5x100xi32, #tpu.memory_space<vmem>> -> memref<1x1x100xi32, #tpu.memory_space<vmem>>
    %dma_start3A_852 = tpu.memref_squeeze %dma_start3A_851 : memref<1x1x100xi32, #tpu.memory_space<vmem>> -> memref<100xi32, #tpu.memory_space<vmem>>
    %dma_start3A_853 = arith.constant 0 : i32
    %dma_start3A_854 = arith.constant 0 : i32
    %dma_start3A_855 = tpu.memref_slice %arg15[%dma_start3A_853, %dma_start3A_854] : memref<10000x16xf32, #tpu.memory_space<vmem_shared>> -> memref<10000x16xf32, #tpu.memory_space<vmem_shared>>
    tpu.enqueue_indirect_dma source(%arg13 : memref<100x16xf32, #tpu.memory_space<vmem>>) target(%dma_start3A_855 : memref<10000x16xf32, #tpu.memory_space<vmem_shared>>) offsets(%dma_start3A_852 : memref<100xi32, #tpu.memory_space<vmem>>) semaphore(%arg19 : memref<!tpu.dma_semaphore, #tpu.memory_space<semaphore_mem>>) {add = true}
    %dma_wait3A_856 = arith.constant 0 : i32
    %dma_wait3A_857 = arith.constant 1 : i32
    %dma_wait3A_858 = arith.constant 3 : i32
    %dma_wait3A_859 = arith.constant 0 : i32
    %dma_wait3A_860 = arith.constant 0 : i32
    %dma_wait3A_861 = tpu.memref_slice %arg12[%dma_wait3A_856, %dma_wait3A_859, %dma_wait3A_860] : memref<2x100x128xf32, #tpu.memory_space<vmem>> -> memref<1x100x128xf32, #tpu.memory_space<vmem>>
    %dma_wait3A_862 = tpu.memref_squeeze %dma_wait3A_861 : memref<1x100x128xf32, #tpu.memory_space<vmem>> -> memref<100x128xf32, #tpu.memory_space<vmem>>
    %dma_wait3A_863 = arith.constant 0 : i32
    %dma_wait3A_864 = tpu.memref_slice %arg11[%dma_wait3A_857, %dma_wait3A_858, %dma_wait3A_863] : memref<2x5x100xi32, #tpu.memory_space<vmem>> -> memref<1x1x100xi32, #tpu.memory_space<vmem>>
    %dma_wait3A_865 = tpu.memref_squeeze %dma_wait3A_864 : memref<1x1x100xi32, #tpu.memory_space<vmem>> -> memref<100xi32, #tpu.memory_space<vmem>>
    %dma_wait3A_866 = arith.constant 0 : i32
    %dma_wait3A_867 = arith.constant 0 : i32
    %dma_wait3A_868 = tpu.memref_slice %arg14[%dma_wait3A_866, %dma_wait3A_867] : memref<10000x128xf32, #tpu.memory_space<vmem_shared>> -> memref<10000x128xf32, #tpu.memory_space<vmem_shared>>
    tpu.wait_indirect_dma semaphore(%arg18 : memref<!tpu.dma_semaphore, #tpu.memory_space<semaphore_mem>>) src(%dma_wait3A_862 : memref<100x128xf32, #tpu.memory_space<vmem>>) dst(%dma_wait3A_868 : memref<10000x128xf32, #tpu.memory_space<vmem_shared>>)
    %dma_wait3A_869 = arith.constant 1 : i32
    %dma_wait3A_870 = arith.constant 3 : i32
    %dma_wait3A_871 = arith.constant 0 : i32
    %dma_wait3A_872 = tpu.memref_slice %arg11[%dma_wait3A_869, %dma_wait3A_870, %dma_wait3A_871] : memref<2x5x100xi32, #tpu.memory_space<vmem>> -> memref<1x1x100xi32, #tpu.memory_space<vmem>>
    %dma_wait3A_873 = tpu.memref_squeeze %dma_wait3A_872 : memref<1x1x100xi32, #tpu.memory_space<vmem>> -> memref<100xi32, #tpu.memory_space<vmem>>
    %dma_wait3A_874 = arith.constant 0 : i32
    %dma_wait3A_875 = arith.constant 0 : i32
    %dma_wait3A_876 = tpu.memref_slice %arg15[%dma_wait3A_874, %dma_wait3A_875] : memref<10000x16xf32, #tpu.memory_space<vmem_shared>> -> memref<10000x16xf32, #tpu.memory_space<vmem_shared>>
    tpu.wait_indirect_dma semaphore(%arg18 : memref<!tpu.dma_semaphore, #tpu.memory_space<semaphore_mem>>) src(%arg13 : memref<100x16xf32, #tpu.memory_space<vmem>>) dst(%dma_wait3A_876 : memref<10000x16xf32, #tpu.memory_space<vmem_shared>>)
    %dma_wait3A_877 = arith.constant 1 : i32
    %dma_wait3A_878 = arith.constant 1 : i32
    %dma_wait3A_879 = arith.constant 4 : i32
    %dma_wait3A_880 = arith.constant 0 : i32
    %dma_wait3A_881 = arith.constant 0 : i32
    %dma_wait3A_882 = tpu.memref_slice %arg12[%dma_wait3A_877, %dma_wait3A_880, %dma_wait3A_881] : memref<2x100x128xf32, #tpu.memory_space<vmem>> -> memref<1x100x128xf32, #tpu.memory_space<vmem>>
    %dma_wait3A_883 = tpu.memref_squeeze %dma_wait3A_882 : memref<1x100x128xf32, #tpu.memory_space<vmem>> -> memref<100x128xf32, #tpu.memory_space<vmem>>
    %dma_wait3A_884 = arith.constant 0 : i32
    %dma_wait3A_885 = tpu.memref_slice %arg11[%dma_wait3A_878, %dma_wait3A_879, %dma_wait3A_884] : memref<2x5x100xi32, #tpu.memory_space<vmem>> -> memref<1x1x100xi32, #tpu.memory_space<vmem>>
    %dma_wait3A_886 = tpu.memref_squeeze %dma_wait3A_885 : memref<1x1x100xi32, #tpu.memory_space<vmem>> -> memref<100xi32, #tpu.memory_space<vmem>>
    %dma_wait3A_887 = arith.constant 0 : i32
    %dma_wait3A_888 = arith.constant 0 : i32
    %dma_wait3A_889 = tpu.memref_slice %arg14[%dma_wait3A_887, %dma_wait3A_888] : memref<10000x128xf32, #tpu.memory_space<vmem_shared>> -> memref<10000x128xf32, #tpu.memory_space<vmem_shared>>
    tpu.wait_indirect_dma semaphore(%arg19 : memref<!tpu.dma_semaphore, #tpu.memory_space<semaphore_mem>>) src(%dma_wait3A_883 : memref<100x128xf32, #tpu.memory_space<vmem>>) dst(%dma_wait3A_889 : memref<10000x128xf32, #tpu.memory_space<vmem_shared>>)
    %dma_wait3A_890 = arith.constant 1 : i32
    %dma_wait3A_891 = arith.constant 4 : i32
    %dma_wait3A_892 = arith.constant 0 : i32
    %dma_wait3A_893 = tpu.memref_slice %arg11[%dma_wait3A_890, %dma_wait3A_891, %dma_wait3A_892] : memref<2x5x100xi32, #tpu.memory_space<vmem>> -> memref<1x1x100xi32, #tpu.memory_space<vmem>>
    %dma_wait3A_894 = tpu.memref_squeeze %dma_wait3A_893 : memref<1x1x100xi32, #tpu.memory_space<vmem>> -> memref<100xi32, #tpu.memory_space<vmem>>
    %dma_wait3A_895 = arith.constant 0 : i32
    %dma_wait3A_896 = arith.constant 0 : i32
    %dma_wait3A_897 = tpu.memref_slice %arg15[%dma_wait3A_895, %dma_wait3A_896] : memref<10000x16xf32, #tpu.memory_space<vmem_shared>> -> memref<10000x16xf32, #tpu.memory_space<vmem_shared>>
    tpu.wait_indirect_dma semaphore(%arg19 : memref<!tpu.dma_semaphore, #tpu.memory_space<semaphore_mem>>) src(%arg13 : memref<100x16xf32, #tpu.memory_space<vmem>>) dst(%dma_wait3A_897 : memref<10000x16xf32, #tpu.memory_space<vmem_shared>>)
    %mul3A_898 = arith.constant 40 : i32
    %mul3A_899 = arith.muli %add3A, %mul3A_898 : i32
    %add3A_900 = arith.constant 39 : i32
    %add3A_901 = arith.addi %mul3A_899, %add3A_900 : i32
    %dma_wait3A_902 = arith.constant 0 : i32
    %dma_wait3A_903 = arith.constant 0 : i32
    %dma_wait3A_904 = arith.constant 0 : i32
    %dma_wait3A_905 = tpu.memref_slice %arg10[%dma_wait3A_902, %dma_wait3A_903, %dma_wait3A_904] : memref<2x5x100xi32, #tpu.memory_space<vmem>> -> memref<1x5x100xi32, #tpu.memory_space<vmem>>
    %dma_wait3A_906 = tpu.memref_squeeze %dma_wait3A_905 : memref<1x5x100xi32, #tpu.memory_space<vmem>> -> memref<5x100xi32, #tpu.memory_space<vmem>>
    %dma_wait3A_907 = arith.constant 0 : i32
    %dma_wait3A_908 = arith.constant 0 : i32
    %dma_wait3A_909 = tpu.memref_slice %arg3[%add3A_901, %dma_wait3A_907, %dma_wait3A_908] : memref<640x5x100xi32, #tpu.memory_space<hbm>> -> memref<1x5x100xi32, #tpu.memory_space<hbm>>
    %dma_wait3A_910 = tpu.memref_squeeze %dma_wait3A_909 : memref<1x5x100xi32, #tpu.memory_space<hbm>> -> memref<5x100xi32, #tpu.memory_space<hbm>>
    %dma_wait3A_911 = arith.constant 0 : i32
    %dma_wait3A_912 = arith.constant 0 : i32
    %dma_wait3A_913 = tpu.memref_slice %arg10[%dma_wait3A_902, %dma_wait3A_911, %dma_wait3A_912] : memref<2x5x100xi32, #tpu.memory_space<vmem>> -> memref<1x5x100xi32, #tpu.memory_space<vmem>>
    %dma_wait3A_914 = tpu.memref_squeeze %dma_wait3A_913 : memref<1x5x100xi32, #tpu.memory_space<vmem>> -> memref<5x100xi32, #tpu.memory_space<vmem>>
    %dma_wait3A_915 = arith.constant 0 : i32
    %dma_wait3A_916 = arith.constant 0 : i32
    %dma_wait3A_917 = tpu.memref_slice %arg3[%add3A_901, %dma_wait3A_915, %dma_wait3A_916] : memref<640x5x100xi32, #tpu.memory_space<hbm>> -> memref<1x5x100xi32, #tpu.memory_space<hbm>>
    %dma_wait3A_918 = tpu.memref_squeeze %dma_wait3A_917 : memref<1x5x100xi32, #tpu.memory_space<hbm>> -> memref<5x100xi32, #tpu.memory_space<hbm>>
    tpu.wait_dma2 semaphore(%arg20 : memref<!tpu.dma_semaphore, #tpu.memory_space<semaphore_mem>>) src(%dma_wait3A_918 : memref<5x100xi32, #tpu.memory_space<hbm>>) dst(%dma_wait3A_914 : memref<5x100xi32, #tpu.memory_space<vmem>>)
    %mul3A_919 = arith.constant 40 : i32
    %mul3A_920 = arith.muli %add3A, %mul3A_919 : i32
    %add3A_921 = arith.constant 39 : i32
    %add3A_922 = arith.addi %mul3A_920, %add3A_921 : i32
    %dma_wait3A_923 = arith.constant 0 : i32
    %dma_wait3A_924 = arith.constant 0 : i32
    %dma_wait3A_925 = arith.constant 0 : i32
    %dma_wait3A_926 = tpu.memref_slice %arg11[%dma_wait3A_923, %dma_wait3A_924, %dma_wait3A_925] : memref<2x5x100xi32, #tpu.memory_space<vmem>> -> memref<1x5x100xi32, #tpu.memory_space<vmem>>
    %dma_wait3A_927 = tpu.memref_squeeze %dma_wait3A_926 : memref<1x5x100xi32, #tpu.memory_space<vmem>> -> memref<5x100xi32, #tpu.memory_space<vmem>>
    %dma_wait3A_928 = arith.constant 0 : i32
    %dma_wait3A_929 = arith.constant 0 : i32
    %dma_wait3A_930 = tpu.memref_slice %arg4[%add3A_922, %dma_wait3A_928, %dma_wait3A_929] : memref<640x5x100xi32, #tpu.memory_space<hbm>> -> memref<1x5x100xi32, #tpu.memory_space<hbm>>
    %dma_wait3A_931 = tpu.memref_squeeze %dma_wait3A_930 : memref<1x5x100xi32, #tpu.memory_space<hbm>> -> memref<5x100xi32, #tpu.memory_space<hbm>>
    %dma_wait3A_932 = arith.constant 0 : i32
    %dma_wait3A_933 = arith.constant 0 : i32
    %dma_wait3A_934 = tpu.memref_slice %arg11[%dma_wait3A_923, %dma_wait3A_932, %dma_wait3A_933] : memref<2x5x100xi32, #tpu.memory_space<vmem>> -> memref<1x5x100xi32, #tpu.memory_space<vmem>>
    %dma_wait3A_935 = tpu.memref_squeeze %dma_wait3A_934 : memref<1x5x100xi32, #tpu.memory_space<vmem>> -> memref<5x100xi32, #tpu.memory_space<vmem>>
    %dma_wait3A_936 = arith.constant 0 : i32
    %dma_wait3A_937 = arith.constant 0 : i32
    %dma_wait3A_938 = tpu.memref_slice %arg4[%add3A_922, %dma_wait3A_936, %dma_wait3A_937] : memref<640x5x100xi32, #tpu.memory_space<hbm>> -> memref<1x5x100xi32, #tpu.memory_space<hbm>>
    %dma_wait3A_939 = tpu.memref_squeeze %dma_wait3A_938 : memref<1x5x100xi32, #tpu.memory_space<hbm>> -> memref<5x100xi32, #tpu.memory_space<hbm>>
    tpu.wait_dma2 semaphore(%arg22 : memref<!tpu.dma_semaphore, #tpu.memory_space<semaphore_mem>>) src(%dma_wait3A_939 : memref<5x100xi32, #tpu.memory_space<hbm>>) dst(%dma_wait3A_935 : memref<5x100xi32, #tpu.memory_space<vmem>>)
    %barrier3A_940 = arith.constant 0 : index
    tpu.barrier barrier_id(%barrier3A_940)
    %mul3A_941 = arith.constant 625 : i32
    %mul3A_942 = arith.muli %arg1, %mul3A_941 : i32
    "tpu.region"() ({
      %run_scoped3A = tpu.sem_alloc : memref<!tpu.dma_semaphore, #tpu.memory_space<semaphore_mem>>
      %dma_start3A_943 = arith.constant 0 : i32
      %dma_start3A_944 = tpu.memref_slice %arg8[%mul3A_942, %dma_start3A_943] : memref<10000x128xf32, #tpu.memory_space<hbm>> -> memref<625x128xf32, #tpu.memory_space<hbm>>
      %dma_start3A_945 = arith.constant 0 : i32
      %dma_start3A_946 = tpu.memref_slice %arg14[%mul3A_942, %dma_start3A_945] : memref<10000x128xf32, #tpu.memory_space<vmem_shared>> -> memref<625x128xf32, #tpu.memory_space<vmem_shared>>
      tpu.enqueue_dma source(%dma_start3A_946 : memref<625x128xf32, #tpu.memory_space<vmem_shared>>) target(%dma_start3A_944 : memref<625x128xf32, #tpu.memory_space<hbm>>) target_semaphore(%run_scoped3A : memref<!tpu.dma_semaphore, #tpu.memory_space<semaphore_mem>>)
      %dma_wait3A_947 = arith.constant 0 : i32
      %dma_wait3A_948 = tpu.memref_slice %arg8[%mul3A_942, %dma_wait3A_947] : memref<10000x128xf32, #tpu.memory_space<hbm>> -> memref<625x128xf32, #tpu.memory_space<hbm>>
      %dma_wait3A_949 = arith.constant 0 : i32
      %dma_wait3A_950 = tpu.memref_slice %arg14[%mul3A_942, %dma_wait3A_949] : memref<10000x128xf32, #tpu.memory_space<vmem_shared>> -> memref<625x128xf32, #tpu.memory_space<vmem_shared>>
      tpu.wait_dma2 semaphore(%run_scoped3A : memref<!tpu.dma_semaphore, #tpu.memory_space<semaphore_mem>>) src(%dma_wait3A_950 : memref<625x128xf32, #tpu.memory_space<vmem_shared>>) dst(%dma_wait3A_948 : memref<625x128xf32, #tpu.memory_space<hbm>>)
      tpu.yield
    }) : () -> ()
    "tpu.region"() ({
      %run_scoped3A = tpu.sem_alloc : memref<!tpu.dma_semaphore, #tpu.memory_space<semaphore_mem>>
      %dma_start3A_943 = arith.constant 0 : i32
      %dma_start3A_944 = tpu.memref_slice %arg9[%mul3A_942, %dma_start3A_943] : memref<10000x16xf32, #tpu.memory_space<hbm>> -> memref<625x16xf32, #tpu.memory_space<hbm>>
      %dma_start3A_945 = arith.constant 0 : i32
      %dma_start3A_946 = tpu.memref_slice %arg15[%mul3A_942, %dma_start3A_945] : memref<10000x16xf32, #tpu.memory_space<vmem_shared>> -> memref<625x16xf32, #tpu.memory_space<vmem_shared>>
      tpu.enqueue_dma source(%dma_start3A_946 : memref<625x16xf32, #tpu.memory_space<vmem_shared>>) target(%dma_start3A_944 : memref<625x16xf32, #tpu.memory_space<hbm>>) target_semaphore(%run_scoped3A : memref<!tpu.dma_semaphore, #tpu.memory_space<semaphore_mem>>)
      %dma_wait3A_947 = arith.constant 0 : i32
      %dma_wait3A_948 = tpu.memref_slice %arg9[%mul3A_942, %dma_wait3A_947] : memref<10000x16xf32, #tpu.memory_space<hbm>> -> memref<625x16xf32, #tpu.memory_space<hbm>>
      %dma_wait3A_949 = arith.constant 0 : i32
      %dma_wait3A_950 = tpu.memref_slice %arg15[%mul3A_942, %dma_wait3A_949] : memref<10000x16xf32, #tpu.memory_space<vmem_shared>> -> memref<625x16xf32, #tpu.memory_space<vmem_shared>>
      tpu.wait_dma2 semaphore(%run_scoped3A : memref<!tpu.dma_semaphore, #tpu.memory_space<semaphore_mem>>) src(%dma_wait3A_950 : memref<625x16xf32, #tpu.memory_space<vmem_shared>>) dst(%dma_wait3A_948 : memref<625x16xf32, #tpu.memory_space<hbm>>)
      tpu.yield
    }) : () -> ()
    return
  }
}

module attributes {stable_mosaic.version = 14 : i64} {
  func.func @_tc_body(%arg0: i32, %arg1: memref<1000x128xf32, #tpu.memory_space<vmem>>, %arg2: memref<1000x16xf32, #tpu.memory_space<vmem>>, %arg3: memref<1000x128xf32, #tpu.memory_space<vmem>>, %arg4: memref<128x128xf32, #tpu.memory_space<vmem>>, %arg5: memref<1x128xf32, #tpu.memory_space<vmem>>, %arg6: memref<128x128xf32, #tpu.memory_space<vmem>>, %arg7: memref<1x128xf32, #tpu.memory_space<vmem>>, %arg8: memref<128x128xf32, #tpu.memory_space<vmem>>, %arg9: memref<1x128xf32, #tpu.memory_space<vmem>>, %arg10: memref<1000x128xf32, #tpu.memory_space<vmem>>) attributes {dimension_semantics = [#tpu.dimension_semantics<arbitrary>], iteration_bounds = array<i64: 10>, scalar_prefetch = 0 : i64, scratch_operands = 0 : i64, tpu.core_type = #tpu.core_type<tc>, window_params = [{transform_indices = @transform_0, window_bounds = array<i64: 1000, 128>}, {transform_indices = @transform_1, window_bounds = array<i64: 1000, 16>}, {transform_indices = @transform_2, window_bounds = array<i64: 1000, 128>}, {pipeline_mode = #tpu.pipeline_mode<synchronous>, transform_indices = @transform_3, window_bounds = array<i64: 128, 128>}, {pipeline_mode = #tpu.pipeline_mode<synchronous>, transform_indices = @transform_4, window_bounds = array<i64: 1, 128>}, {pipeline_mode = #tpu.pipeline_mode<synchronous>, transform_indices = @transform_5, window_bounds = array<i64: 128, 128>}, {pipeline_mode = #tpu.pipeline_mode<synchronous>, transform_indices = @transform_6, window_bounds = array<i64: 1, 128>}, {pipeline_mode = #tpu.pipeline_mode<synchronous>, transform_indices = @transform_7, window_bounds = array<i64: 128, 128>}, {pipeline_mode = #tpu.pipeline_mode<synchronous>, transform_indices = @transform_8, window_bounds = array<i64: 1, 128>}, {transform_indices = @transform_9, window_bounds = array<i64: 1000, 128>}]} {
    %get3A = arith.constant 0 : index
    %get3A_0 = arith.constant 0 : index
    %get3A_1 = vector.load %arg2[%get3A, %get3A_0] : memref<1000x16xf32, #tpu.memory_space<vmem>>, vector<1000x1xf32>
    %get3A_2 = arith.constant 0 : index
    %get3A_3 = arith.constant 0 : index
    %get3A_4 = vector.load %arg1[%get3A_2, %get3A_3] : memref<1000x128xf32, #tpu.memory_space<vmem>>, vector<1000x128xf32>
    %max3A = arith.constant 1.000000e+00 : f32
    %max3A_5 = vector.broadcast %max3A : f32 to vector<1000x1xf32>
    %max3A_6 = arith.maximumf %get3A_1, %max3A_5 : vector<1000x1xf32>
    %div3A = arith.constant 1.000000e+00 : f32
    %div3A_7 = vector.broadcast %div3A : f32 to vector<1000x1xf32>
    %div3A_8 = arith.divf %div3A_7, %max3A_6 : vector<1000x1xf32>
    %mul3A = vector.broadcast %div3A_8 : vector<1000x1xf32> to vector<1000x128xf32>
    %mul3A_9 = arith.mulf %get3A_4, %mul3A : vector<1000x128xf32>
    %get3A_10 = arith.constant 0 : index
    %get3A_11 = arith.constant 0 : index
    %get3A_12 = vector.load %arg4[%get3A_10, %get3A_11] : memref<128x128xf32, #tpu.memory_space<vmem>>, vector<128x128xf32>
    %dot_general3A = arith.constant dense<0.000000e+00> : vector<1000x128xf32>
    %dot_general3A_13 = tpu.matmul %mul3A_9, %get3A_12, %dot_general3A {dimension_numbers = #tpu.dot_dimension_numbers<[1], [1], [0], [0], [0, 0, 1, 0], [], []>, transpose_lhs_hint = false} : vector<1000x128xf32>, vector<128x128xf32>, vector<1000x128xf32> -> vector<1000x128xf32>
    %get3A_14 = arith.constant 0 : index
    %get3A_15 = arith.constant 0 : index
    %get3A_16 = vector.load %arg5[%get3A_14, %get3A_15] : memref<1x128xf32, #tpu.memory_space<vmem>>, vector<1x128xf32>
    %add3A = vector.broadcast %get3A_16 : vector<1x128xf32> to vector<1000x128xf32>
    %add3A_17 = arith.addf %dot_general3A_13, %add3A : vector<1000x128xf32>
    %max3A_18 = arith.constant 0.000000e+00 : f32
    %max3A_19 = vector.broadcast %max3A_18 : f32 to vector<1000x128xf32>
    %max3A_20 = arith.maximumf %add3A_17, %max3A_19 : vector<1000x128xf32>
    %get3A_21 = arith.constant 0 : index
    %get3A_22 = arith.constant 0 : index
    %get3A_23 = vector.load %arg6[%get3A_21, %get3A_22] : memref<128x128xf32, #tpu.memory_space<vmem>>, vector<128x128xf32>
    %dot_general3A_24 = arith.constant dense<0.000000e+00> : vector<1000x128xf32>
    %dot_general3A_25 = tpu.matmul %max3A_20, %get3A_23, %dot_general3A_24 {dimension_numbers = #tpu.dot_dimension_numbers<[1], [1], [0], [0], [0, 0, 1, 0], [], []>, transpose_lhs_hint = false} : vector<1000x128xf32>, vector<128x128xf32>, vector<1000x128xf32> -> vector<1000x128xf32>
    %get3A_26 = arith.constant 0 : index
    %get3A_27 = arith.constant 0 : index
    %get3A_28 = vector.load %arg7[%get3A_26, %get3A_27] : memref<1x128xf32, #tpu.memory_space<vmem>>, vector<1x128xf32>
    %add3A_29 = vector.broadcast %get3A_28 : vector<1x128xf32> to vector<1000x128xf32>
    %add3A_30 = arith.addf %dot_general3A_25, %add3A_29 : vector<1000x128xf32>
    %get3A_31 = arith.constant 0 : index
    %get3A_32 = arith.constant 0 : index
    %get3A_33 = vector.load %arg3[%get3A_31, %get3A_32] : memref<1000x128xf32, #tpu.memory_space<vmem>>, vector<1000x128xf32>
    %get3A_34 = arith.constant 0 : index
    %get3A_35 = arith.constant 0 : index
    %get3A_36 = vector.load %arg8[%get3A_34, %get3A_35] : memref<128x128xf32, #tpu.memory_space<vmem>>, vector<128x128xf32>
    %dot_general3A_37 = arith.constant dense<0.000000e+00> : vector<1000x128xf32>
    %dot_general3A_38 = tpu.matmul %get3A_33, %get3A_36, %dot_general3A_37 {dimension_numbers = #tpu.dot_dimension_numbers<[1], [1], [0], [0], [0, 0, 1, 0], [], []>, transpose_lhs_hint = false} : vector<1000x128xf32>, vector<128x128xf32>, vector<1000x128xf32> -> vector<1000x128xf32>
    %add3A_39 = arith.addf %add3A_30, %dot_general3A_38 : vector<1000x128xf32>
    %get3A_40 = arith.constant 0 : index
    %get3A_41 = arith.constant 0 : index
    %get3A_42 = vector.load %arg9[%get3A_40, %get3A_41] : memref<1x128xf32, #tpu.memory_space<vmem>>, vector<1x128xf32>
    %add3A_43 = vector.broadcast %get3A_42 : vector<1x128xf32> to vector<1000x128xf32>
    %add3A_44 = arith.addf %add3A_39, %add3A_43 : vector<1000x128xf32>
    %swap3A = arith.constant 0 : index
    %swap3A_45 = arith.constant 0 : index
    %swap3A_46 = vector.load %arg10[%swap3A, %swap3A_45] : memref<1000x128xf32, #tpu.memory_space<vmem>>, vector<1000x128xf32>
    tpu.vector_store %arg10[%swap3A, %swap3A_45], %add3A_44 {strides = array<i32>} : memref<1000x128xf32, #tpu.memory_space<vmem>>, vector<1000x128xf32>,
    return
  }
  func.func @transform_0(%arg0: i32) -> (i32, i32) {
    %c0_i32 = arith.constant 0 : i32
    %c0_i32_0 = arith.constant 0 : i32
    return %arg0, %c0_i32 : i32, i32
  }
  func.func @transform_1(%arg0: i32) -> (i32, i32) {
    %c0_i32 = arith.constant 0 : i32
    %c0_i32_0 = arith.constant 0 : i32
    return %arg0, %c0_i32 : i32, i32
  }
  func.func @transform_2(%arg0: i32) -> (i32, i32) {
    %c0_i32 = arith.constant 0 : i32
    %c0_i32_0 = arith.constant 0 : i32
    return %arg0, %c0_i32 : i32, i32
  }
  func.func @transform_3(%arg0: i32) -> (i32, i32) {
    %c0_i32 = arith.constant 0 : i32
    %c0_i32_0 = arith.constant 0 : i32
    %c0_i32_1 = arith.constant 0 : i32
    return %c0_i32, %c0_i32_0 : i32, i32
  }
  func.func @transform_4(%arg0: i32) -> (i32, i32) {
    %c0_i32 = arith.constant 0 : i32
    %c0_i32_0 = arith.constant 0 : i32
    %c0_i32_1 = arith.constant 0 : i32
    return %c0_i32, %c0_i32_0 : i32, i32
  }
  func.func @transform_5(%arg0: i32) -> (i32, i32) {
    %c0_i32 = arith.constant 0 : i32
    %c0_i32_0 = arith.constant 0 : i32
    %c0_i32_1 = arith.constant 0 : i32
    return %c0_i32, %c0_i32_0 : i32, i32
  }
  func.func @transform_6(%arg0: i32) -> (i32, i32) {
    %c0_i32 = arith.constant 0 : i32
    %c0_i32_0 = arith.constant 0 : i32
    %c0_i32_1 = arith.constant 0 : i32
    return %c0_i32, %c0_i32_0 : i32, i32
  }
  func.func @transform_7(%arg0: i32) -> (i32, i32) {
    %c0_i32 = arith.constant 0 : i32
    %c0_i32_0 = arith.constant 0 : i32
    %c0_i32_1 = arith.constant 0 : i32
    return %c0_i32, %c0_i32_0 : i32, i32
  }
  func.func @transform_8(%arg0: i32) -> (i32, i32) {
    %c0_i32 = arith.constant 0 : i32
    %c0_i32_0 = arith.constant 0 : i32
    %c0_i32_1 = arith.constant 0 : i32
    return %c0_i32, %c0_i32_0 : i32, i32
  }
  func.func @transform_9(%arg0: i32) -> (i32, i32) {
    %c0_i32 = arith.constant 0 : i32
    %c0_i32_0 = arith.constant 0 : i32
    return %arg0, %c0_i32 : i32, i32
  }
}

</mosaic_0001>

<sc_bundles>
// kernel: kernel.4.cloned.1.call-start
scs
__scs_entry_jumppad:
0x0: {  	(pc) =	sbr.rel $0x88, $3  }
0x1: {  	(tag) =	ssettag $0x0;
	lr =	simm.s32 $0x1  }
0x2: {  	[smem:$0x3F99] =	sst lr;
	_ =	strace $0xD0000000  }
0x3: {  	_ = 	snop  }
0x4: {  	_ = 	snop  }
0x5: {  	_ = 	snop  }
0x6: {  	_ = 	snop  }
0x7: {  	_ = 	snop  }
__scs_overlays_trampoline_lowered:
0x8: {  	[smem:$0x3FA8] =	sst s0  }
0x9: {  	[smem:$0x3FA9] =	sst s1  }
0xa: {  	[smem:$0x3FAA] =	sst s2  }
0xb: {  	[smem:$0x3FAB] =	sst s3  }
0xc: {  	[smem:$0x3FAC] =	sst s4  }
0xd: {  	[smem:$0x3FAD] =	sst s5  }
0xe: {  	[smem:$0x3FAE] =	sst s6  }
0xf: {  	[smem:$0x3FAF] =	sst s7  }
0x10: {  	[smem:$0x3FB0] =	sst s8  }
0x11: {  	[smem:$0x3FB1] =	sst s9;
	s0 =	simm.s32 @!p0 $0x0  }
0x12: {  	s1 =	sld [smem:$0x3F97];
	s0 =	simm.s32 @p0 $0x1  }
0x13: {  	[smem:$0x3FB2] =	sst s0;
	s0 =	simm.s32 @!p1 $0x0  }
0x14: {  	s2 =	sld [smem:$0x3F96];
	s0 =	simm.s32 @p1 $0x1  }
0x15: {  	[smem:$0x3FB3] =	sst s0;
	s0 =	simm.s32 @!p2 $0x0  }
0x16: {  	s3 =	sld [smem:$0x3FDB];
	s0 =	simm.s32 @p2 $0x1  }
0x17: {  	s4 =	simm.s32 $0x1BF5;
	[smem:$0x3FB5] =	sst s0  }
0x18: {  	s0 =	sld [smem:$0x3F98];
	_ =	swait.ge [sflag:s4], $0x0  }
0x19: {  	s7 =	sld [smem:$0x3F99]  }
0x1a: {  	s8 =	sadd.s32 $0xFFFFE003, lr  }
0x1b: {  	s9 =	sadd.s32 $0xFFFFFEF7, lr;
	s5 =	simm.s32 $0xFFFFFFFF;
	p2 =	slt.u32 s8, $0xFFFFF086  }
0x1c: {  	p1 =	slt.u32 s9, $0xF7A;
	s5 =	simm.s32 @!p2 $0x0  }
0x1d: {  	s5 =	simm.s32 @p1 $0x1;
	p0 =	seq.s32 s7, s2  }
0x1e: {  	s7 =	smul.u32 @!p0 $0xF7A, s2;
	p2 =	seq.s32 @!p0 s5, $0x0  }
0x1f: {  	s9 =	smul.u32 $0xF7A, s1;
	s8 =	simm.s32 @!p0 $0x1BF5;
	p2 =	por !p2, p0  }
0x20: {  	[sflag:s8] =	ssyncset.s32 @!p0 $0xFFFFF086;
	s6 =	sadd.s32 @!p0 s3, s7;
	s7 =	simm.s32 @!p0 $0x108  }
0x21: {  	s3 =	sadd.s32 s3, s9;
	s6 =	sadd.s32 @!p0 $0x88, s6;
	s7 =	simm.s32 @p2 $0x1082  }
0x22: {  	[simem:s7], [sflag:s8] =	dma.local @!p0 [hbm:s6], $0xF7A  }
0x23: {  	s9 =	sor.u32 $0xD0000000, s2;
	s6 =	simm.s32 $0x108;
	_ =	swait.ge @!p0 [sflag:s8], $0x0  }
0x24: {  	s3 =	sadd.s32 $0x88, s3;
	s6 =	simm.s32 @!p1 $0x1082;
	[sflag:s4] =	ssyncset.s32 $0xFFFFF086  }
0x25: {  	[simem:s6], [sflag:s4] =	dma.local [hbm:s3], $0xF7A  }
0x26: {  	[smem:$0x3F99] =	sst s1;
	(tag) =	ssettag s2;
	_ =	strace s9  }
0x27: {  	s1 =	sld [smem:$0x3FA9]  }
0x28: {  	s2 =	sld [smem:$0x3FAA]  }
0x29: {  	s4 =	sld [smem:$0x3FAC]  }
0x2a: {  	p0 =	seq.s32 s5, $0x0;
	s5 =	sld [smem:$0x3FAD]  }
0x2b: {  	s6 =	sld [smem:$0x3FAE]  }
0x2c: {  	s7 =	sld [smem:$0x3FAF]  }
0x2d: {  	s3 =	simm.s32 $0x108;
	s8 =	sld [smem:$0x3FB0]  }
0x2e: {  	s3 =	simm.s32 @!p0 $0x1082;
	s9 =	sld [smem:$0x3FB1]  }
0x2f: {  	lr =	sadd.s32 s0, s3;
	s0 =	sld [smem:$0x3FA8]  }
0x30: {  	s3 =	sld [smem:$0x3FAB]  }
0x31: {  	[smem:$0x3FB4] =	sst s10  }
0x32: {  	s10 =	sld [smem:$0x3FB2];
	_ =	sdelay $0x3  }
0x33: {  	p0 =	seq.s32 s10, $0x1;
	s10 =	sld [smem:$0x3FB4];
	_ =	sdelay $0x3  }
0x34: {  	[smem:$0x3FB4] =	sst s10  }
0x35: {  	s10 =	sld [smem:$0x3FB3];
	_ =	sdelay $0x3  }
0x36: {  	p1 =	seq.s32 s10, $0x1;
	s10 =	sld [smem:$0x3FB4];
	_ =	sdelay $0x3  }
0x37: {  	[smem:$0x3FB4] =	sst s10  }
0x38: {  	s10 =	sld [smem:$0x3FB5]  }
0x39: {  	_ = 	snop;
	(pc) =	sbr.ind lr, $3  }
0x3a: {  	_ = 	snop  }
0x3b: {  	_ = 	snop  }
0x3c: {  	p2 =	seq.s32 s10, $0x1;
	s10 =	sld [smem:$0x3FB4]  }
0x3d: {  	_ =	shalt  }
0x3e: {  	_ =	shalt  }
0x3f: {  	_ =	shalt  }
0x40: {  	_ =	shalt  }
0x41: {  	_ =	shalt  }
0x42: {  	_ =	shalt  }
0x43: {  	_ =	shalt  }
0x44: {  	_ =	shalt  }
0x45: {  	_ =	shalt  }
0x46: {  	_ =	shalt  }
0x47: {  	_ =	shalt  }
0x48: {  	_ =	shalt  }
0x49: {  	_ =	shalt  }
0x4a: {  	_ =	shalt  }
0x4b: {  	_ =	shalt  }
0x4c: {  	_ =	shalt  }
0x4d: {  	_ =	shalt  }
0x4e: {  	_ =	shalt  }
0x4f: {  	_ =	shalt  }
0x50: {  	_ =	shalt  }
0x51: {  	_ =	shalt  }
0x52: {  	_ =	shalt  }
0x53: {  	_ =	shalt  }
0x54: {  	_ =	shalt  }
0x55: {  	_ =	shalt  }
0x56: {  	_ =	shalt  }
0x57: {  	_ =	shalt  }
0x58: {  	_ =	shalt  }
0x59: {  	_ =	shalt  }
0x5a: {  	_ =	shalt  }
0x5b: {  	_ =	shalt  }
0x5c: {  	_ =	shalt  }
0x5d: {  	_ =	shalt  }
0x5e: {  	_ =	shalt  }
0x5f: {  	_ =	shalt  }
0x60: {  	_ =	shalt  }
0x61: {  	_ =	shalt  }
0x62: {  	_ =	shalt  }
0x63: {  	_ =	shalt  }
0x64: {  	_ =	shalt  }
0x65: {  	_ =	shalt  }
0x66: {  	_ =	shalt  }
0x67: {  	_ =	shalt  }
0x68: {  	_ =	shalt  }
0x69: {  	_ =	shalt  }
0x6a: {  	_ =	shalt  }
0x6b: {  	_ =	shalt  }
0x6c: {  	_ =	shalt  }
0x6d: {  	_ =	shalt  }
0x6e: {  	_ =	shalt  }
0x6f: {  	_ =	shalt  }
0x70: {  	_ =	shalt  }
0x71: {  	_ =	shalt  }
0x72: {  	_ =	shalt  }
0x73: {  	_ =	shalt  }
0x74: {  	_ =	shalt  }
0x75: {  	_ =	shalt  }
0x76: {  	_ =	shalt  }
0x77: {  	_ =	shalt  }
0x78: {  	_ =	shalt  }
0x79: {  	_ =	shalt  }
0x7a: {  	_ =	shalt  }
0x7b: {  	_ =	shalt  }
0x7c: {  	_ =	shalt  }
0x7d: {  	_ =	shalt  }
0x7e: {  	_ =	shalt  }
0x7f: {  	_ =	shalt  }
0x80: {  	_ =	shalt  }
0x81: {  	_ =	shalt  }
0x82: {  	_ =	shalt  }
0x83: {  	_ =	shalt  }
0x84: {  	_ =	shalt  }
0x85: {  	_ =	shalt  }
0x86: {  	_ =	shalt  }
0x87: {  	_ =	shalt  }
.Lfunc_end0:
.L_simem_size_0:
called_computation_lowered:
.L_overlay_start_0:
0x88: {  	s0 =	sld [smem:$0x3FD9]  }
0x89: {  	s1 =	sld [smem:$0x3FFE];
	_ =	sdelay $0x3  }
0x8a: {  	s0 =	sadd.s32 s1, s0  }
0x8b: {  	[smem:$0x3FC0] =	sst s0  }
0x8c: {  	_ = 	snop  }
0x8d: {  	s0 =	sld [smem:$0x3FC9]  }
0x8e: {  	s16 =	sld [smem:$0x3FD0];
	(tm) =	ssettm $0x1  }
0x8f: {  	s2 =	sld [smem:$0x3FFB];
	_ =	sdelay $0x3  }
0x90: {  	_ =	strace s2  }
0x91: {  	s2 =	sld [smem:$0x3FFC];
	_ =	sdelay $0x3  }
0x92: {  	_ =	strace s2  }
0x93: {  	s2 =	sld [smem:$0x3FFD];
	_ =	sdelay $0x3  }
0x94: {  	_ =	strace s2  }
0x95: {  	_ =	strace $0x8FFFFFFF  }
0x96: {  	s17 =	sld [smem:$0x3FDB];
	_ =	sdelay $0x1  }
0x97: {  	s3 =	simm.s32 $_scs_section_size  }
0x98: {  	s4 =	simm.s32 $_size__tile_overlayer_lowered;
	s5 =	simm.s32 $_tile_overlayer_lowered  }
0x99: {  	s20 =	simm.s32 $0x1BFF;
	s19 =	sshll.u32 s5, $0x1;
	s2 =	sadd.s32 s3, s17  }
0x9a: {  	s6 =	simm.s32 $0x0;
	s18 =	sshll.u32 s4, $0x1;
	s4 =	sadd.s32 s19, s2  }
0x9b: {  	[timem:s6], [sflag:s20] =	dma.local [hbm:s4], s18  }
0x9c: {  	_ =	swait.ge [sflag:s20], s18  }
0x9d: {  	s3 =	ssub.s32 $0x0, s18;
	[sflag:s20] =	ssyncset.done $0x0  }
0x9e: {  	[sflag:s20] =	ssyncadd.s32 s3;
	_ =	sdelay $0x1  }
0x9f: {  	s21 =	simm.s32 $0x1B8B  }
0xa0: {  	_ =	swait.ge [sflag:s21], $0x1  }
0xa1: {  	[sflag:s21] =	ssyncset.done $0x0  }
0xa2: {  	s23 =	simm.s32 $0x1B8E;
	s22 =	sld [smem:$0x3FFE];
	[sflag:s21] =	ssyncadd.s32 $0xFFFFFFFF  }
0xa3: {  	s24 =	simm.s32 $execute0_lowered;
	[smem:$0x3FD2] =	sst s23  }
0xa4: {  	s4 =	sshll.u32 s24, $0x1;
	_ =	strace $0x80000046;
	[dreg:$0x1] =	wrdreg $0xFFFFFFFF  }
0xa5: {  	s25 =	simm.s32 $_size_execute0_lowered;
	s2 =	sadd.s32 s2, s4;
	[dreg:$0x0] =	wrdreg $0x0  }
0xa6: {  	s4 =	sshll.u32 s25, $0x1;
	[dreg:$0x2] =	wrdreg s2  }
0xa7: {  	[dreg:$0x3] =	wrdreg s4  }
0xa8: {  	[dreg:$0x4] =	wrdreg $0xC0  }
0xa9: {  	_ =	task [dreg:s6], $0x5FFFF  }
0xaa: {  	[dreg:$0x1] =	wrdreg $0xFFFFFFFF  }
0xab: {  	[dreg:$0x0] =	wrdreg $0x60  }
0xac: {  	[dreg:$0x2] =	wrdreg s0  }
0xad: {  	[dreg:$0x3] =	wrdreg s22  }
0xae: {  	[dreg:$0x4] =	wrdreg s16  }
0xaf: {  	[dreg:$0x5] =	wrdreg $0x72600  }
0xb0: {  	[dreg:$0x6] =	wrdreg $0x1AAE00  }
0xb1: {  	[dreg:$0x7] =	wrdreg $0x9  }
0xb2: {  	_ =	task.clear_ibuf [dreg:s6], $0x8FFFF;
	_ =	strace $0x90000046  }
0xb3: {  	s26 =	simm.s32 $0x9;
	_ =	strace $0x80000048  }
0xb4: {  	_ =	swait.ge [sflag:s26], $0x1  }
0xb5: {  	[sflag:s26] =	ssyncadd.s32 $0xFFFFFFFF  }
0xb6: {  	_ =	strace $0x90000048  }
0xb7: {  	_ =	sfence  }
0xb8: {  	s28 =	sld [smem:$0x0];
	_ =	sdelay $0x1  }
0xb9: {  	s29 =	srdreg.scid  }
0xba: {  	s30 =	sshll.u32 s29, $0xD;
	s31 =	sshrl.u32 s29, $0x2  }
0xbb: {  	s1 =	sand.u32 $0x1, s29;
	s2 =	sand.u32 $0x4000, s30;
	s0 =	sadd.s32 s31, s28  }
0xbc: {  	s1 =	sor.u32 s2, s1;
	s0 =	sshll.u32 s0, $0x11  }
0xbd: {  	s0 =	sor.u32 s0, s1  }
0xbe: {  	s0 =	sadd.s32 $0x8F2B, s0  }
0xbf: {  	[sflag:s0] =	ssyncadd.remote.s32 $0x1  }
0xc0: {  	_ =	sfence.sel $0xFFFF  }
0xc1: {  	[dreg:$0x0] =	wrdreg $0xFFFFFFFF;
	(pc) =	sbr.abs _section_cstart, $3  }
0xc2: {  	[dreg:$0x1] =	wrdreg $0xFFFFFFFF  }
0xc3: {  	_ =	task.clear_ibuf [dreg:s6], $0x2FFFF;
	_ =	strace $0x9FFFFFFF  }
0xc4: {  	(tm) =	ssettm $0x7FFFFFFF  }
0xc5: {  	_ =	shalt  }
tec
execute0_lowered:
.L_overlay_start_1:
0x0: {  	(tag) =	ssettag $0x1  }
0x1: {  	s10 =	rddreg [dreg:$0x0]  }
0x2: {  	s5 =	rddreg [dreg:$0x1]  }
0x3: {  	s9 =	rddreg [dreg:$0x3];
	s4 =	stileid.u32  }
0x4: {  	s8 =	rddreg [dreg:$0x4];
	s11 =	simm.s32 $0x0;
	s2 =	smul.u32 $0x13880, s4  }
0x5: {  	[smem:$0x7FF] =	sst s11;
	s0 =	smul.u32 $0x28, s4  }
0x6: {  	s20 =	simm.s32 $0x9;
	s1 =	sadd.s32 $0x16600, s5;
	_ =	strace $0x80000047  }
0x7: {  	[dreg:$0x8] =	wrdreg s2;
	s2 =	sadd.s32 s2, s9;
	s0 =	sor.u32 $0x2, s0  }
0x8: {  	s3 =	sshll.u32 s4, $0x6;
	[dreg:$0x6] =	wrdreg s0;
	s18 =	sshrl.u32 s2, $0x3  }
0x9: {  	s19 =	smul.u32 $0x2710, s4;
	s3 =	sor.u32 $0x1C09, s3;
	[dreg:$0xa] =	wrdreg s18  }
0xa: {  	[spmem:s18], [sflag:s3] =	dma.local [hbm:s1], $0x2710  }
0xb: {  	s1 =	sadd.s32 s19, s8;
	_ =	swait.ge [sflag:s20], $0x2710;
	[dreg:$0x9] =	wrdreg s19  }
0xc: {  	s1 =	sshrl.u32 s1, $0x3;
	[dreg:$0x7] =	wrdreg s3;
	[sflag:s20] =	ssyncset.done $0x0  }
0xd: {  	s21 =	sadd.s32 $0x16000, s5;
	[dreg:$0xb] =	wrdreg s1;
	[sflag:s20] =	ssyncadd.s32 $0xFFFFD8F0  }
0xe: {  	[spmem:s1], [sflag:s3] =	dma.local [hbm:s21], $0x4E2  }
0xf: {  	_ =	swait.ge [sflag:s20], $0x4E2  }
0x10: {  	[sflag:s20] =	ssyncset.done $0x0  }
0x11: {  	s12 =	simm.s32 $0x6C20;
	s22 =	sadd.s32 $0x1600, s5;
	[sflag:s20] =	ssyncadd.s32 $0xFFFFFB1E  }
0x12: {  	[tilespmem:s12], [sflag:$0x9] =	stream.linear.gather [hbm4b:s22+s11], $0x640, $0x38;
	[tilespmem:$0x1D1F0] =	vst v63  }
0x13: {  	s23 =	smul.u32 $0xA28, s4;
	_ =	swait.ge [sflag:s20], $0x640  }
0x14: {  	s18 =	sadd.s32 $0xBC00, s5;
	[sflag:s20] =	ssyncset.done $0x0  }
0x15: {  	s2 =	sadd.s32 s18, s23;
	s22 =	sadd.s32 $0x1800, s5;
	[sflag:s20] =	ssyncadd.s32 $0xFFFFF9C0  }
0x16: {  	[tilespmem:s11], [sflag:$0x5] =	stream.linear.gather [hbm4b:s2+s11], $0x208, $0x38;
	[tilespmem:$0x1D1F0] =	vst v63  }
0x17: {  	s15 =	simm.s32 $0x410;
	s16 =	simm.s32 $0x5;
	s13 =	sadd.s32 s22, s23  }
0x18: {  	[tilespmem:s15], [sflag:$0x7] =	stream.linear.gather [hbm4b:s13+s11], $0x208, $0x38;
	[tilespmem:$0x1D1F0] =	vst v63  }
0x19: {  	_ =	swait.ge [sflag:s16], $0x208  }
0x1a: {  	s1 =	smul.u32 $0x5140, s4;
	[sflag:s16] =	ssyncset.done $0x0  }
0x1b: {  	s17 =	simm.s32 $0x7;
	[sflag:s16] =	ssyncadd.s32 $0xFFFFFDF8  }
0x1c: {  	s24 =	sadd.s32 $0x208, s1;
	_ =	swait.ge [sflag:s17], $0x208  }
0x1d: {  	s0 =	sshrl.u32 s24, $0x3;
	[sflag:s17] =	ssyncset.done $0x0  }
0x1e: {  	s26 =	simm.s32 $0x208;
	s25 =	sadd.s32 s18, s0;
	[sflag:s17] =	ssyncadd.s32 $0xFFFFFDF8  }
0x1f: {  	[tilespmem:s26], [sflag:$0x6] =	stream.linear.gather [hbm4b:s25+s11], $0x208, $0x38;
	[tilespmem:$0x1D1F0] =	vst v63  }
0x20: {  	s19 =	simm.s32 $0x618;
	s0 =	sadd.s32 s22, s0;
	[dreg:$0xd] =	wrdreg s22  }
0x21: {  	[tilespmem:s19], [sflag:$0x8] =	stream.linear.gather [hbm4b:s0+s11], $0x208, $0x38;
	[tilespmem:$0x1D1F0] =	vst v63  }
0x22: {  	s21 =	simm.s32 $0x820;
	s20 =	simm.s32 $0x64;
	[bflag:$0x0] =	sbarrier.arrive $0xFFFF  }
0x23: {  	[tilespmem:s21], [sflag:$0x1] =	stream.indirect.gather [hbm4b:s10+s20], $0x80, s11, s20, $0xb8;
	[tilespmem:$0x1D1F0] =	vst v63  }
0x24: {  	s4 =	simm.s32 $0x68;
	s24 =	simm.s32 $0x1;
	s23 =	simm.s32 $0x3A20  }
0x25: {  	[tilespmem:s23], [sflag:$0x2] =	stream.indirect.gather [hbm4b:s10+s20], $0x80, s4, s20, $0xb8;
	[tilespmem:$0x1D1F0] =	vst v63  }
0x26: {  	_ =	swait.ge [sflag:s24], $0x3200  }
0x27: {  	[sflag:s24] =	ssyncset.done $0x0  }
0x28: {  	[sflag:s24] =	ssyncadd.s32 $0xFFFFCE00  }
0x29: {  	[spmem:s9] =	stream.indirect.scatter.add.f32 [tilespmem:s21], [sflag:$0x3], $0x80, s15, s20, $0xb8;
	[tilespmem:$0x1D1F0] =	vst v63  }
0x2a: {  	s25 =	simm.s32 $0x3  }
0x2b: {  	[spmem:s8] =	stream.indirect.scatter.add.f32 [tilespmem:s12], [sflag:$0x3], $0x10, s15, s20, $0xb8;
	[tilespmem:$0x1D1F0] =	vst v63  }
0x2c: {  	_ =	swait.ge [sflag:s25], $0x3200  }
0x2d: {  	[sflag:s25] =	ssyncset.done $0x0  }
0x2e: {  	[sflag:s25] =	ssyncadd.s32 $0xFFFFCE00  }
0x2f: {  	_ =	swait.ge [sflag:s25], $0x640  }
0x30: {  	[sflag:s25] =	ssyncset.done $0x0  }
0x31: {  	s28 =	simm.s32 $0x2;
	s5 =	simm.s32 $0xD0;
	[sflag:s25] =	ssyncadd.s32 $0xFFFFF9C0  }
0x32: {  	[tilespmem:s21], [sflag:$0x1] =	stream.indirect.gather [hbm4b:s10+s20], $0x80, s5, s20, $0xb8;
	[tilespmem:$0x1D1F0] =	vst v63  }
0x33: {  	_ =	swait.ge [sflag:s28], $0x3200  }
0x34: {  	[sflag:s28] =	ssyncset.done $0x0  }
0x35: {  	s14 =	simm.s32 $0x478;
	[sflag:s28] =	ssyncadd.s32 $0xFFFFCE00  }
0x36: {  	[spmem:s9] =	stream.indirect.scatter.add.f32 [tilespmem:s23], [sflag:$0x4], $0x80, s14, s20, $0xb8;
	[tilespmem:$0x1D1F0] =	vst v63  }
0x37: {  	s30 =	simm.s32 $0x4  }
0x38: {  	[spmem:s8] =	stream.indirect.scatter.add.f32 [tilespmem:s12], [sflag:$0x4], $0x10, s14, s20, $0xb8;
	[tilespmem:$0x1D1F0] =	vst v63  }
0x39: {  	_ =	swait.ge [sflag:s30], $0x3200  }
0x3a: {  	[sflag:s30] =	ssyncset.done $0x0  }
0x3b: {  	[sflag:s30] =	ssyncadd.s32 $0xFFFFCE00  }
0x3c: {  	_ =	swait.ge [sflag:s30], $0x640  }
0x3d: {  	[sflag:s30] =	ssyncset.done $0x0  }
0x3e: {  	s6 =	simm.s32 $0x138;
	[sflag:s30] =	ssyncadd.s32 $0xFFFFF9C0  }
0x3f: {  	[tilespmem:s23], [sflag:$0x2] =	stream.indirect.gather [hbm4b:s10+s20], $0x80, s6, s20, $0xb8;
	[tilespmem:$0x1D1F0] =	vst v63  }
0x40: {  	_ =	swait.ge [sflag:s24], $0x3200  }
0x41: {  	[sflag:s24] =	ssyncset.done $0x0  }
0x42: {  	s4 =	simm.s32 $0x4E0;
	[sflag:s24] =	ssyncadd.s32 $0xFFFFCE00  }
0x43: {  	[spmem:s9] =	stream.indirect.scatter.add.f32 [tilespmem:s21], [sflag:$0x3], $0x80, s4, s20, $0xb8;
	[tilespmem:$0x1D1F0] =	vst v63  }
0x44: {  	_ = 	snop  }
0x45: {  	[spmem:s8] =	stream.indirect.scatter.add.f32 [tilespmem:s12], [sflag:$0x3], $0x10, s4, s20, $0xb8;
	[tilespmem:$0x1D1F0] =	vst v63  }
0x46: {  	_ =	swait.ge [sflag:s25], $0x3200  }
0x47: {  	[sflag:s25] =	ssyncset.done $0x0  }
0x48: {  	[sflag:s25] =	ssyncadd.s32 $0xFFFFCE00  }
0x49: {  	_ =	swait.ge [sflag:s25], $0x640  }
0x4a: {  	[sflag:s25] =	ssyncset.done $0x0  }
0x4b: {  	s7 =	simm.s32 $0x1A0;
	[sflag:s25] =	ssyncadd.s32 $0xFFFFF9C0  }
0x4c: {  	[tilespmem:s21], [sflag:$0x1] =	stream.indirect.gather [hbm4b:s10+s20], $0x80, s7, s20, $0xb8;
	[tilespmem:$0x1D1F0] =	vst v63  }
0x4d: {  	_ =	swait.ge [sflag:s28], $0x3200  }
0x4e: {  	[sflag:s28] =	ssyncset.done $0x0  }
0x4f: {  	s0 =	simm.s32 $0x548;
	[sflag:s28] =	ssyncadd.s32 $0xFFFFCE00  }
0x50: {  	[spmem:s9] =	stream.indirect.scatter.add.f32 [tilespmem:s23], [sflag:$0x4], $0x80, s0, s20, $0xb8;
	[tilespmem:$0x1D1F0] =	vst v63  }
0x51: {  	s5 =	simm.s32 $0x6  }
0x52: {  	[spmem:s8] =	stream.indirect.scatter.add.f32 [tilespmem:s12], [sflag:$0x4], $0x10, s0, s20, $0xb8;
	[tilespmem:$0x1D1F0] =	vst v63  }
0x53: {  	_ =	swait.ge [sflag:s5], $0x208  }
0x54: {  	[sflag:s5] =	ssyncset.done $0x0  }
0x55: {  	s6 =	simm.s32 $0x8;
	[sflag:s5] =	ssyncadd.s32 $0xFFFFFDF8  }
0x56: {  	_ =	swait.ge [sflag:s6], $0x208  }
0x57: {  	[sflag:s6] =	ssyncset.done $0x0  }
0x58: {  	[sflag:s6] =	ssyncadd.s32 $0xFFFFFDF8  }
0x59: {  	_ =	swait.ge [sflag:s30], $0x3200  }
0x5a: {  	[sflag:s30] =	ssyncset.done $0x0  }
0x5b: {  	[sflag:s30] =	ssyncadd.s32 $0xFFFFCE00  }
0x5c: {  	_ =	swait.ge [sflag:s30], $0x640  }
0x5d: {  	[sflag:s30] =	ssyncset.done $0x0  }
0x5e: {  	[sflag:s30] =	ssyncadd.s32 $0xFFFFF9C0  }
0x5f: {  	[tilespmem:s23], [sflag:$0x2] =	stream.indirect.gather [hbm4b:s10+s20], $0x80, s26, s20, $0xb8;
	[tilespmem:$0x1D1F0] =	vst v63  }
0x60: {  	_ =	swait.ge [sflag:s24], $0x3200  }
0x61: {  	[sflag:s24] =	ssyncset.done $0x0  }
0x62: {  	s7 =	simm.s32 $0x5B0;
	[sflag:s24] =	ssyncadd.s32 $0xFFFFCE00  }
0x63: {  	[spmem:s9] =	stream.indirect.scatter.add.f32 [tilespmem:s21], [sflag:$0x3], $0x80, s7, s20, $0xb8;
	[tilespmem:$0x1D1F0] =	vst v63  }
0x64: {  	_ = 	snop  }
0x65: {  	[spmem:s8] =	stream.indirect.scatter.add.f32 [tilespmem:s12], [sflag:$0x3], $0x10, s7, s20, $0xb8;
	[tilespmem:$0x1D1F0] =	vst v63  }
0x66: {  	_ =	swait.ge [sflag:s25], $0x3200  }
0x67: {  	[sflag:s25] =	ssyncset.done $0x0  }
0x68: {  	[sflag:s25] =	ssyncadd.s32 $0xFFFFCE00  }
0x69: {  	_ =	swait.ge [sflag:s25], $0x640  }
0x6a: {  	[sflag:s25] =	ssyncset.done $0x0  }
0x6b: {  	s3 =	simm.s32 $0x270;
	[sflag:s25] =	ssyncadd.s32 $0xFFFFF9C0  }
0x6c: {  	[tilespmem:s21], [sflag:$0x1] =	stream.indirect.gather [hbm4b:s10+s20], $0x80, s3, s20, $0xb8;
	[tilespmem:$0x1D1F0] =	vst v63  }
0x6d: {  	_ =	swait.ge [sflag:s28], $0x3200  }
0x6e: {  	[sflag:s28] =	ssyncset.done $0x0  }
0x6f: {  	s1 =	sshrl.u32 s1, $0x3;
	[sflag:s28] =	ssyncadd.s32 $0xFFFFCE00  }
0x70: {  	[spmem:s9] =	stream.indirect.scatter.add.f32 [tilespmem:s23], [sflag:$0x4], $0x80, s19, s20, $0xb8;
	[tilespmem:$0x1D1F0] =	vst v63  }
0x71: {  	s1 =	sadd.s32 $0x82, s1  }
0x72: {  	[spmem:s8] =	stream.indirect.scatter.add.f32 [tilespmem:s12], [sflag:$0x4], $0x10, s19, s20, $0xb8;
	[tilespmem:$0x1D1F0] =	vst v63  }
0x73: {  	s3 =	sadd.s32 s18, s1  }
0x74: {  	[tilespmem:s11], [sflag:$0x5] =	stream.linear.gather [hbm4b:s3+s11], $0x208, $0x38;
	[tilespmem:$0x1D1F0] =	vst v63  }
0x75: {  	s1 =	sadd.s32 s22, s1  }
0x76: {  	[tilespmem:s15], [sflag:$0x7] =	stream.linear.gather [hbm4b:s1+s11], $0x208, $0x38;
	[tilespmem:$0x1D1F0] =	vst v63  }
0x77: {  	_ =	swait.ge [sflag:s30], $0x3200  }
0x78: {  	[sflag:s30] =	ssyncset.done $0x0  }
0x79: {  	[sflag:s30] =	ssyncadd.s32 $0xFFFFCE00  }
0x7a: {  	_ =	swait.ge [sflag:s30], $0x640  }
0x7b: {  	[sflag:s30] =	ssyncset.done $0x0  }
0x7c: {  	s22 =	simm.s32 $0x2D8;
	[sflag:s30] =	ssyncadd.s32 $0xFFFFF9C0  }
0x7d: {  	[tilespmem:s23], [sflag:$0x2] =	stream.indirect.gather [hbm4b:s10+s20], $0x80, s22, s20, $0xb8;
	[tilespmem:$0x1D1F0] =	vst v63  }
0x7e: {  	_ =	swait.ge [sflag:s24], $0x3200  }
0x7f: {  	[sflag:s24] =	ssyncset.done $0x0  }
0x80: {  	s22 =	simm.s32 $0x680;
	[sflag:s24] =	ssyncadd.s32 $0xFFFFCE00  }
0x81: {  	[spmem:s9] =	stream.indirect.scatter.add.f32 [tilespmem:s21], [sflag:$0x3], $0x80, s22, s20, $0xb8;
	[tilespmem:$0x1D1F0] =	vst v63  }
0x82: {  	_ = 	snop  }
0x83: {  	[spmem:s8] =	stream.indirect.scatter.add.f32 [tilespmem:s12], [sflag:$0x3], $0x10, s22, s20, $0xb8;
	[tilespmem:$0x1D1F0] =	vst v63  }
0x84: {  	_ =	swait.ge [sflag:s25], $0x3200  }
0x85: {  	[sflag:s25] =	ssyncset.done $0x0  }
0x86: {  	[sflag:s25] =	ssyncadd.s32 $0xFFFFCE00  }
0x87: {  	_ =	swait.ge [sflag:s25], $0x640  }
0x88: {  	[sflag:s25] =	ssyncset.done $0x0  }
0x89: {  	s3 =	simm.s32 $0x340;
	[sflag:s25] =	ssyncadd.s32 $0xFFFFF9C0  }
0x8a: {  	[tilespmem:s21], [sflag:$0x1] =	stream.indirect.gather [hbm4b:s10+s20], $0x80, s3, s20, $0xb8;
	[tilespmem:$0x1D1F0] =	vst v63  }
0x8b: {  	_ =	swait.ge [sflag:s28], $0x3200  }
0x8c: {  	[sflag:s28] =	ssyncset.done $0x0  }
0x8d: {  	s31 =	simm.s32 $0x6E8;
	[sflag:s28] =	ssyncadd.s32 $0xFFFFCE00  }
0x8e: {  	[spmem:s9] =	stream.indirect.scatter.add.f32 [tilespmem:s23], [sflag:$0x4], $0x80, s31, s20, $0xb8;
	[tilespmem:$0x1D1F0] =	vst v63  }
0x8f: {  	_ = 	snop  }
0x90: {  	[spmem:s8] =	stream.indirect.scatter.add.f32 [tilespmem:s12], [sflag:$0x4], $0x10, s31, s20, $0xb8;
	[tilespmem:$0x1D1F0] =	vst v63  }
0x91: {  	_ =	swait.ge [sflag:s30], $0x3200  }
0x92: {  	[sflag:s30] =	ssyncset.done $0x0  }
0x93: {  	[sflag:s30] =	ssyncadd.s32 $0xFFFFCE00  }
0x94: {  	_ =	swait.ge [sflag:s30], $0x640  }
0x95: {  	[sflag:s30] =	ssyncset.done $0x0  }
0x96: {  	s3 =	simm.s32 $0x3A8;
	[sflag:s30] =	ssyncadd.s32 $0xFFFFF9C0  }
0x97: {  	[tilespmem:s23], [sflag:$0x2] =	stream.indirect.gather [hbm4b:s10+s20], $0x80, s3, s20, $0xb8;
	[tilespmem:$0x1D1F0] =	vst v63  }
0x98: {  	_ =	swait.ge [sflag:s24], $0x3200  }
0x99: {  	[sflag:s24] =	ssyncset.done $0x0  }
0x9a: {  	s1 =	simm.s32 $0x750;
	[sflag:s24] =	ssyncadd.s32 $0xFFFFCE00  }
0x9b: {  	[spmem:s9] =	stream.indirect.scatter.add.f32 [tilespmem:s21], [sflag:$0x3], $0x80, s1, s20, $0xb8;
	[tilespmem:$0x1D1F0] =	vst v63  }
0x9c: {  	_ = 	snop  }
0x9d: {  	[spmem:s8] =	stream.indirect.scatter.add.f32 [tilespmem:s12], [sflag:$0x3], $0x10, s1, s20, $0xb8;
	[tilespmem:$0x1D1F0] =	vst v63  }
0x9e: {  	_ =	swait.ge [sflag:s16], $0x208  }
0x9f: {  	[sflag:s16] =	ssyncset.done $0x0  }
0xa0: {  	[sflag:s16] =	ssyncadd.s32 $0xFFFFFDF8  }
0xa1: {  	_ =	swait.ge [sflag:s17], $0x208  }
0xa2: {  	[sflag:s17] =	ssyncset.done $0x0  }
0xa3: {  	[sflag:s17] =	ssyncadd.s32 $0xFFFFFDF8  }
0xa4: {  	_ =	swait.ge [sflag:s25], $0x3200  }
0xa5: {  	[sflag:s25] =	ssyncset.done $0x0  }
0xa6: {  	[sflag:s25] =	ssyncadd.s32 $0xFFFFCE00  }
0xa7: {  	_ =	swait.ge [sflag:s25], $0x640  }
0xa8: {  	[sflag:s25] =	ssyncset.done $0x0  }
0xa9: {  	[sflag:s25] =	ssyncadd.s32 $0xFFFFF9C0  }
0xaa: {  	[tilespmem:s21], [sflag:$0x1] =	stream.indirect.gather [hbm4b:s10+s20], $0x80, s11, s20, $0xb8;
	[tilespmem:$0x1D1F0] =	vst v63  }
0xab: {  	_ =	swait.ge [sflag:s28], $0x3200  }
0xac: {  	[sflag:s28] =	ssyncset.done $0x0  }
0xad: {  	s3 =	simm.s32 $0x7B8;
	[sflag:s28] =	ssyncadd.s32 $0xFFFFCE00  }
0xae: {  	[spmem:s9] =	stream.indirect.scatter.add.f32 [tilespmem:s23], [sflag:$0x4], $0x80, s3, s20, $0xb8;
	[tilespmem:$0x1D1F0] =	vst v63  }
0xaf: {  	_ = 	snop  }
0xb0: {  	[spmem:s8] =	stream.indirect.scatter.add.f32 [tilespmem:s12], [sflag:$0x4], $0x10, s3, s20, $0xb8;
	[tilespmem:$0x1D1F0] =	vst v63  }
0xb1: {  	_ =	swait.ge [sflag:s30], $0x3200  }
0xb2: {  	[sflag:s30] =	ssyncset.done $0x0  }
0xb3: {  	[sflag:s30] =	ssyncadd.s32 $0xFFFFCE00  }
0xb4: {  	_ =	swait.ge [sflag:s30], $0x640  }
0xb5: {  	[sflag:s30] =	ssyncset.done $0x0  }
0xb6: {  	s29 =	simm.s32 $0x68;
	[sflag:s30] =	ssyncadd.s32 $0xFFFFF9C0  }
0xb7: {  	[tilespmem:s23], [sflag:$0x2] =	stream.indirect.gather [hbm4b:s10+s20], $0x80, s29, s20, $0xb8;
	[tilespmem:$0x1D1F0] =	vst v63  }
0xb8: {  	_ =	swait.ge [sflag:s24], $0x3200  }
0xb9: {  	[sflag:s24] =	ssyncset.done $0x0  }
0xba: {  	[sflag:s24] =	ssyncadd.s32 $0xFFFFCE00  }
0xbb: {  	[spmem:s9] =	stream.indirect.scatter.add.f32 [tilespmem:s21], [sflag:$0x3], $0x80, s15, s20, $0xb8;
	[tilespmem:$0x1D1F0] =	vst v63  }
0xbc: {  	_ = 	snop  }
0xbd: {  	[spmem:s8] =	stream.indirect.scatter.add.f32 [tilespmem:s12], [sflag:$0x3], $0x10, s15, s20, $0xb8;
	[tilespmem:$0x1D1F0] =	vst v63  }
0xbe: {  	s2 =	sadd.s32 $0xC3, s2  }
0xbf: {  	[tilespmem:s26], [sflag:$0x6] =	stream.linear.gather [hbm4b:s2+s11], $0x208, $0x38;
	[tilespmem:$0x1D1F0] =	vst v63  }
0xc0: {  	s13 =	sadd.s32 $0xC3, s13  }
0xc1: {  	[tilespmem:s19], [sflag:$0x8] =	stream.linear.gather [hbm4b:s13+s11], $0x208, $0x38;
	[tilespmem:$0x1D1F0] =	vst v63  }
0xc2: {  	_ =	swait.ge [sflag:s25], $0x3200  }
0xc3: {  	[sflag:s25] =	ssyncset.done $0x0  }
0xc4: {  	[sflag:s25] =	ssyncadd.s32 $0xFFFFCE00  }
0xc5: {  	_ =	swait.ge [sflag:s25], $0x640  }
0xc6: {  	[sflag:s25] =	ssyncset.done $0x0  }
0xc7: {  	s29 =	simm.s32 $0xD0;
	[sflag:s25] =	ssyncadd.s32 $0xFFFFF9C0  }
0xc8: {  	[tilespmem:s21], [sflag:$0x1] =	stream.indirect.gather [hbm4b:s10+s20], $0x80, s29, s20, $0xb8;
	[tilespmem:$0x1D1F0] =	vst v63  }
0xc9: {  	_ =	swait.ge [sflag:s28], $0x3200  }
0xca: {  	[sflag:s28] =	ssyncset.done $0x0  }
0xcb: {  	[sflag:s28] =	ssyncadd.s32 $0xFFFFCE00  }
0xcc: {  	[spmem:s9] =	stream.indirect.scatter.add.f32 [tilespmem:s23], [sflag:$0x4], $0x80, s14, s20, $0xb8;
	[tilespmem:$0x1D1F0] =	vst v63  }
0xcd: {  	_ = 	snop  }
0xce: {  	[spmem:s8] =	stream.indirect.scatter.add.f32 [tilespmem:s12], [sflag:$0x4], $0x10, s14, s20, $0xb8;
	[tilespmem:$0x1D1F0] =	vst v63  }
0xcf: {  	_ =	swait.ge [sflag:s30], $0x3200  }
0xd0: {  	[sflag:s30] =	ssyncset.done $0x0  }
0xd1: {  	[sflag:s30] =	ssyncadd.s32 $0xFFFFCE00  }
0xd2: {  	_ =	swait.ge [sflag:s30], $0x640  }
0xd3: {  	[sflag:s30] =	ssyncset.done $0x0  }
0xd4: {  	s14 =	simm.s32 $0x138;
	[sflag:s30] =	ssyncadd.s32 $0xFFFFF9C0  }
0xd5: {  	[tilespmem:s23], [sflag:$0x2] =	stream.indirect.gather [hbm4b:s10+s20], $0x80, s14, s20, $0xb8;
	[tilespmem:$0x1D1F0] =	vst v63  }
0xd6: {  	_ =	swait.ge [sflag:s24], $0x3200  }
0xd7: {  	[sflag:s24] =	ssyncset.done $0x0  }
0xd8: {  	[sflag:s24] =	ssyncadd.s32 $0xFFFFCE00  }
0xd9: {  	[spmem:s9] =	stream.indirect.scatter.add.f32 [tilespmem:s21], [sflag:$0x3], $0x80, s4, s20, $0xb8;
	[tilespmem:$0x1D1F0] =	vst v63  }
0xda: {  	_ = 	snop  }
0xdb: {  	[spmem:s8] =	stream.indirect.scatter.add.f32 [tilespmem:s12], [sflag:$0x3], $0x10, s4, s20, $0xb8;
	[tilespmem:$0x1D1F0] =	vst v63  }
0xdc: {  	_ =	swait.ge [sflag:s25], $0x3200  }
0xdd: {  	[sflag:s25] =	ssyncset.done $0x0  }
0xde: {  	[sflag:s25] =	ssyncadd.s32 $0xFFFFCE00  }
0xdf: {  	_ =	swait.ge [sflag:s25], $0x640  }
0xe0: {  	[sflag:s25] =	ssyncset.done $0x0  }
0xe1: {  	s14 =	simm.s32 $0x1A0;
	[sflag:s25] =	ssyncadd.s32 $0xFFFFF9C0  }
0xe2: {  	[tilespmem:s21], [sflag:$0x1] =	stream.indirect.gather [hbm4b:s10+s20], $0x80, s14, s20, $0xb8;
	[tilespmem:$0x1D1F0] =	vst v63  }
0xe3: {  	_ =	swait.ge [sflag:s28], $0x3200  }
0xe4: {  	[sflag:s28] =	ssyncset.done $0x0  }
0xe5: {  	[sflag:s28] =	ssyncadd.s32 $0xFFFFCE00  }
0xe6: {  	[spmem:s9] =	stream.indirect.scatter.add.f32 [tilespmem:s23], [sflag:$0x4], $0x80, s0, s20, $0xb8;
	[tilespmem:$0x1D1F0] =	vst v63  }
0xe7: {  	_ = 	snop  }
0xe8: {  	[spmem:s8] =	stream.indirect.scatter.add.f32 [tilespmem:s12], [sflag:$0x4], $0x10, s0, s20, $0xb8;
	[tilespmem:$0x1D1F0] =	vst v63  }
0xe9: {  	_ =	swait.ge [sflag:s5], $0x208  }
0xea: {  	[sflag:s5] =	ssyncset.done $0x0  }
0xeb: {  	[sflag:s5] =	ssyncadd.s32 $0xFFFFFDF8  }
0xec: {  	_ =	swait.ge [sflag:s6], $0x208  }
0xed: {  	[sflag:s6] =	ssyncset.done $0x0  }
0xee: {  	[sflag:s6] =	ssyncadd.s32 $0xFFFFFDF8  }
0xef: {  	_ =	swait.ge [sflag:s30], $0x3200  }
0xf0: {  	[sflag:s30] =	ssyncset.done $0x0  }
0xf1: {  	[sflag:s30] =	ssyncadd.s32 $0xFFFFCE00  }
0xf2: {  	_ =	swait.ge [sflag:s30], $0x640  }
0xf3: {  	[sflag:s30] =	ssyncset.done $0x0  }
0xf4: {  	[sflag:s30] =	ssyncadd.s32 $0xFFFFF9C0  }
0xf5: {  	[tilespmem:s23], [sflag:$0x2] =	stream.indirect.gather [hbm4b:s10+s20], $0x80, s26, s20, $0xb8;
	[tilespmem:$0x1D1F0] =	vst v63  }
0xf6: {  	_ =	swait.ge [sflag:s24], $0x3200  }
0xf7: {  	[sflag:s24] =	ssyncset.done $0x0  }
0xf8: {  	[sflag:s24] =	ssyncadd.s32 $0xFFFFCE00  }
0xf9: {  	[spmem:s9] =	stream.indirect.scatter.add.f32 [tilespmem:s21], [sflag:$0x3], $0x80, s7, s20, $0xb8;
	[tilespmem:$0x1D1F0] =	vst v63  }
0xfa: {  	_ = 	snop  }
0xfb: {  	[spmem:s8] =	stream.indirect.scatter.add.f32 [tilespmem:s12], [sflag:$0x3], $0x10, s7, s20, $0xb8;
	[tilespmem:$0x1D1F0] =	vst v63  }
0xfc: {  	_ =	swait.ge [sflag:s25], $0x3200  }
0xfd: {  	[sflag:s25] =	ssyncset.done $0x0  }
0xfe: {  	[sflag:s25] =	ssyncadd.s32 $0xFFFFCE00  }
0xff: {  	_ =	swait.ge [sflag:s25], $0x640  }
0x100: {  	[sflag:s25] =	ssyncset.done $0x0  }
0x101: {  	s14 =	simm.s32 $0x270;
	[sflag:s25] =	ssyncadd.s32 $0xFFFFF9C0  }
0x102: {  	[tilespmem:s21], [sflag:$0x1] =	stream.indirect.gather [hbm4b:s10+s20], $0x80, s14, s20, $0xb8;
	[tilespmem:$0x1D1F0] =	vst v63  }
0x103: {  	_ =	swait.ge [sflag:s28], $0x3200  }
0x104: {  	s0 =	smin.u32 s28, $0x25;
	s26 =	rddreg [dreg:$0x6];
	[sflag:s28] =	ssyncset.done $0x0  }
0x105: {  	s14 =	sadd.s32 s0, s26;
	[sflag:s28] =	ssyncadd.s32 $0xFFFFCE00  }
0x106: {  	[spmem:s9] =	stream.indirect.scatter.add.f32 [tilespmem:s23], [sflag:$0x4], $0x80, s19, s20, $0xb8;
	[tilespmem:$0x1D1F0] =	vst v63  }
0x107: {  	s14 =	smul.u32 $0x41, s14  }
0x108: {  	[spmem:s8] =	stream.indirect.scatter.add.f32 [tilespmem:s12], [sflag:$0x4], $0x10, s19, s20, $0xb8;
	[tilespmem:$0x1D1F0] =	vst v63  }
0x109: {  	s29 =	smov.u32 s18;
	s4 =	sadd.s32 s18, s14;
	s18 =	rddreg [dreg:$0xd]  }
0x10a: {  	[tilespmem:s11], [sflag:$0x5] =	stream.linear.gather [hbm4b:s4+s11], $0x208, $0x38;
	[tilespmem:$0x1D1F0] =	vst v63  }
0x10b: {  	s14 =	sadd.s32 s18, s14  }
0x10c: {  	[tilespmem:s15], [sflag:$0x7] =	stream.linear.gather [hbm4b:s14+s11], $0x208, $0x38;
	[tilespmem:$0x1D1F0] =	vst v63  }
0x10d: {  	_ =	swait.ge [sflag:s30], $0x3200  }
0x10e: {  	[sflag:s30] =	ssyncset.done $0x0  }
0x10f: {  	[sflag:s30] =	ssyncadd.s32 $0xFFFFCE00  }
0x110: {  	_ =	swait.ge [sflag:s30], $0x640  }
0x111: {  	[sflag:s30] =	ssyncset.done $0x0  }
0x112: {  	s26 =	simm.s32 $0x2D8;
	[sflag:s30] =	ssyncadd.s32 $0xFFFFF9C0  }
0x113: {  	[tilespmem:s23], [sflag:$0x2] =	stream.indirect.gather [hbm4b:s10+s20], $0x80, s26, s20, $0xb8;
	[tilespmem:$0x1D1F0] =	vst v63  }
0x114: {  	_ =	swait.ge [sflag:s24], $0x3200  }
0x115: {  	[sflag:s24] =	ssyncset.done $0x0  }
0x116: {  	[sflag:s24] =	ssyncadd.s32 $0xFFFFCE00  }
0x117: {  	[spmem:s9] =	stream.indirect.scatter.add.f32 [tilespmem:s21], [sflag:$0x3], $0x80, s22, s20, $0xb8;
	[tilespmem:$0x1D1F0] =	vst v63  }
0x118: {  	_ = 	snop  }
0x119: {  	[spmem:s8] =	stream.indirect.scatter.add.f32 [tilespmem:s12], [sflag:$0x3], $0x10, s22, s20, $0xb8;
	[tilespmem:$0x1D1F0] =	vst v63  }
0x11a: {  	_ =	swait.ge [sflag:s25], $0x3200  }
0x11b: {  	[sflag:s25] =	ssyncset.done $0x0  }
0x11c: {  	[sflag:s25] =	ssyncadd.s32 $0xFFFFCE00  }
0x11d: {  	_ =	swait.ge [sflag:s25], $0x640  }
0x11e: {  	[sflag:s25] =	ssyncset.done $0x0  }
0x11f: {  	s14 =	simm.s32 $0x340;
	[sflag:s25] =	ssyncadd.s32 $0xFFFFF9C0  }
0x120: {  	[tilespmem:s21], [sflag:$0x1] =	stream.indirect.gather [hbm4b:s10+s20], $0x80, s14, s20, $0xb8;
	[tilespmem:$0x1D1F0] =	vst v63  }
0x121: {  	_ =	swait.ge [sflag:s28], $0x3200  }
0x122: {  	[sflag:s28] =	ssyncset.done $0x0  }
0x123: {  	[sflag:s28] =	ssyncadd.s32 $0xFFFFCE00  }
0x124: {  	[spmem:s9] =	stream.indirect.scatter.add.f32 [tilespmem:s23], [sflag:$0x4], $0x80, s31, s20, $0xb8;
	[tilespmem:$0x1D1F0] =	vst v63  }
0x125: {  	_ = 	snop  }
0x126: {  	[spmem:s8] =	stream.indirect.scatter.add.f32 [tilespmem:s12], [sflag:$0x4], $0x10, s31, s20, $0xb8;
	[tilespmem:$0x1D1F0] =	vst v63  }
0x127: {  	_ =	swait.ge [sflag:s30], $0x3200  }
0x128: {  	[sflag:s30] =	ssyncset.done $0x0  }
0x129: {  	[sflag:s30] =	ssyncadd.s32 $0xFFFFCE00  }
0x12a: {  	_ =	swait.ge [sflag:s30], $0x640  }
0x12b: {  	[sflag:s30] =	ssyncset.done $0x0  }
0x12c: {  	s0 =	smov.u32 s18;
	s18 =	simm.s32 $0x3A8;
	[sflag:s30] =	ssyncadd.s32 $0xFFFFF9C0  }
0x12d: {  	[tilespmem:s23], [sflag:$0x2] =	stream.indirect.gather [hbm4b:s10+s20], $0x80, s18, s20, $0xb8;
	[tilespmem:$0x1D1F0] =	vst v63  }
0x12e: {  	_ =	swait.ge [sflag:s24], $0x3200  }
0x12f: {  	[sflag:s24] =	ssyncset.done $0x0  }
0x130: {  	[sflag:s24] =	ssyncadd.s32 $0xFFFFCE00  }
0x131: {  	[spmem:s9] =	stream.indirect.scatter.add.f32 [tilespmem:s21], [sflag:$0x3], $0x80, s1, s20, $0xb8;
	[tilespmem:$0x1D1F0] =	vst v63  }
0x132: {  	s26 =	rddreg [dreg:$0x1]  }
0x133: {  	s4 =	sadd.s32 $0x18E00, s26;
	s26 =	sadd.s32 $0x82, s2  }
0x134: {  	s2 =	sadd.s32 $0x82, s13;
	s13 =	simm.s32 $0x4;
	[dreg:$0xc] =	wrdreg s4  }
.LBB2_1:
0x135: {  	[spmem:s8] =	stream.indirect.scatter.add.f32 [tilespmem:s12], [sflag:$0x3], $0x10, s1, s20, $0xb8;
	[tilespmem:$0x1D1F0] =	vst v63  }
0x136: {  	_ =	swait.ge [sflag:s16], $0x208  }
0x137: {  	[sflag:s16] =	ssyncset.done $0x0  }
0x138: {  	[sflag:s16] =	ssyncadd.s32 $0xFFFFFDF8  }
0x139: {  	_ =	swait.ge [sflag:s17], $0x208  }
0x13a: {  	[sflag:s17] =	ssyncset.done $0x0  }
0x13b: {  	[sflag:s17] =	ssyncadd.s32 $0xFFFFFDF8  }
0x13c: {  	_ =	swait.ge [sflag:s25], $0x3200  }
0x13d: {  	[sflag:s25] =	ssyncset.done $0x0  }
0x13e: {  	[sflag:s25] =	ssyncadd.s32 $0xFFFFCE00  }
0x13f: {  	_ =	swait.ge [sflag:s25], $0x640  }
0x140: {  	[sflag:s25] =	ssyncset.done $0x0  }
0x141: {  	[sflag:s25] =	ssyncadd.s32 $0xFFFFF9C0  }
0x142: {  	[tilespmem:s21], [sflag:$0x1] =	stream.indirect.gather [hbm4b:s10+s20], $0x80, s11, s20, $0xb8;
	[tilespmem:$0x1D1F0] =	vst v63  }
0x143: {  	_ =	swait.ge [sflag:s28], $0x3200  }
0x144: {  	[sflag:s28] =	ssyncset.done $0x0  }
0x145: {  	[sflag:s28] =	ssyncadd.s32 $0xFFFFCE00  }
0x146: {  	[spmem:s9] =	stream.indirect.scatter.add.f32 [tilespmem:s23], [sflag:$0x4], $0x80, s3, s20, $0xb8;
	[tilespmem:$0x1D1F0] =	vst v63  }
0x147: {  	_ = 	snop  }
0x148: {  	[spmem:s8] =	stream.indirect.scatter.add.f32 [tilespmem:s12], [sflag:$0x4], $0x10, s3, s20, $0xb8;
	[tilespmem:$0x1D1F0] =	vst v63  }
0x149: {  	_ =	swait.ge [sflag:s30], $0x3200  }
0x14a: {  	[sflag:s30] =	ssyncset.done $0x0  }
0x14b: {  	[sflag:s30] =	ssyncadd.s32 $0xFFFFCE00  }
0x14c: {  	_ =	swait.ge [sflag:s30], $0x640  }
0x14d: {  	[sflag:s30] =	ssyncset.done $0x0  }
0x14e: {  	s18 =	simm.s32 $0x68;
	[sflag:s30] =	ssyncadd.s32 $0xFFFFF9C0  }
0x14f: {  	[tilespmem:s23], [sflag:$0x2] =	stream.indirect.gather [hbm4b:s10+s20], $0x80, s18, s20, $0xb8;
	[tilespmem:$0x1D1F0] =	vst v63  }
0x150: {  	_ =	swait.ge [sflag:s24], $0x3200  }
0x151: {  	[sflag:s24] =	ssyncset.done $0x0  }
0x152: {  	[sflag:s24] =	ssyncadd.s32 $0xFFFFCE00  }
0x153: {  	[spmem:s9] =	stream.indirect.scatter.add.f32 [tilespmem:s21], [sflag:$0x3], $0x80, s15, s20, $0xb8;
	[tilespmem:$0x1D1F0] =	vst v63  }
0x154: {  	_ = 	snop  }
0x155: {  	[spmem:s8] =	stream.indirect.scatter.add.f32 [tilespmem:s12], [sflag:$0x3], $0x10, s15, s20, $0xb8;
	[tilespmem:$0x1D1F0] =	vst v63  }
0x156: {  	s18 =	simm.s32 $0x208  }
0x157: {  	[tilespmem:s18], [sflag:$0x6] =	stream.linear.gather [hbm4b:s26+s11], $0x208, $0x38;
	[tilespmem:$0x1D1F0] =	vst v63  }
0x158: {  	_ = 	snop  }
0x159: {  	[tilespmem:s19], [sflag:$0x8] =	stream.linear.gather [hbm4b:s2+s11], $0x208, $0x38;
	[tilespmem:$0x1D1F0] =	vst v63  }
0x15a: {  	_ =	swait.ge [sflag:s25], $0x3200  }
0x15b: {  	[sflag:s25] =	ssyncset.done $0x0  }
0x15c: {  	[sflag:s25] =	ssyncadd.s32 $0xFFFFCE00  }
0x15d: {  	_ =	swait.ge [sflag:s25], $0x640  }
0x15e: {  	[sflag:s25] =	ssyncset.done $0x0  }
0x15f: {  	s4 =	simm.s32 $0xD0;
	[sflag:s25] =	ssyncadd.s32 $0xFFFFF9C0  }
0x160: {  	[tilespmem:s21], [sflag:$0x1] =	stream.indirect.gather [hbm4b:s10+s20], $0x80, s4, s20, $0xb8;
	[tilespmem:$0x1D1F0] =	vst v63  }
0x161: {  	_ =	swait.ge [sflag:s28], $0x3200  }
0x162: {  	[sflag:s28] =	ssyncset.done $0x0  }
0x163: {  	s4 =	simm.s32 $0x478;
	[sflag:s28] =	ssyncadd.s32 $0xFFFFCE00  }
0x164: {  	[spmem:s9] =	stream.indirect.scatter.add.f32 [tilespmem:s23], [sflag:$0x4], $0x80, s4, s20, $0xb8;
	[tilespmem:$0x1D1F0] =	vst v63  }
0x165: {  	_ = 	snop  }
0x166: {  	[spmem:s8] =	stream.indirect.scatter.add.f32 [tilespmem:s12], [sflag:$0x4], $0x10, s4, s20, $0xb8;
	[tilespmem:$0x1D1F0] =	vst v63  }
0x167: {  	_ =	swait.ge [sflag:s30], $0x3200  }
0x168: {  	[sflag:s30] =	ssyncset.done $0x0  }
0x169: {  	[sflag:s30] =	ssyncadd.s32 $0xFFFFCE00  }
0x16a: {  	_ =	swait.ge [sflag:s30], $0x640  }
0x16b: {  	[sflag:s30] =	ssyncset.done $0x0  }
0x16c: {  	s4 =	simm.s32 $0x138;
	[sflag:s30] =	ssyncadd.s32 $0xFFFFF9C0  }
0x16d: {  	[tilespmem:s23], [sflag:$0x2] =	stream.indirect.gather [hbm4b:s10+s20], $0x80, s4, s20, $0xb8;
	[tilespmem:$0x1D1F0] =	vst v63  }
0x16e: {  	_ =	swait.ge [sflag:s24], $0x3200  }
0x16f: {  	[sflag:s24] =	ssyncset.done $0x0  }
0x170: {  	s4 =	simm.s32 $0x4E0;
	[sflag:s24] =	ssyncadd.s32 $0xFFFFCE00  }
0x171: {  	[spmem:s9] =	stream.indirect.scatter.add.f32 [tilespmem:s21], [sflag:$0x3], $0x80, s4, s20, $0xb8;
	[tilespmem:$0x1D1F0] =	vst v63  }
0x172: {  	_ = 	snop  }
0x173: {  	[spmem:s8] =	stream.indirect.scatter.add.f32 [tilespmem:s12], [sflag:$0x3], $0x10, s4, s20, $0xb8;
	[tilespmem:$0x1D1F0] =	vst v63  }
0x174: {  	_ =	swait.ge [sflag:s25], $0x3200  }
0x175: {  	[sflag:s25] =	ssyncset.done $0x0  }
0x176: {  	[sflag:s25] =	ssyncadd.s32 $0xFFFFCE00  }
0x177: {  	_ =	swait.ge [sflag:s25], $0x640  }
0x178: {  	[sflag:s25] =	ssyncset.done $0x0  }
0x179: {  	s4 =	simm.s32 $0x1A0;
	[sflag:s25] =	ssyncadd.s32 $0xFFFFF9C0  }
0x17a: {  	[tilespmem:s21], [sflag:$0x1] =	stream.indirect.gather [hbm4b:s10+s20], $0x80, s4, s20, $0xb8;
	[tilespmem:$0x1D1F0] =	vst v63  }
0x17b: {  	_ =	swait.ge [sflag:s28], $0x3200  }
0x17c: {  	[sflag:s28] =	ssyncset.done $0x0  }
0x17d: {  	s4 =	simm.s32 $0x548;
	[sflag:s28] =	ssyncadd.s32 $0xFFFFCE00  }
0x17e: {  	[spmem:s9] =	stream.indirect.scatter.add.f32 [tilespmem:s23], [sflag:$0x4], $0x80, s4, s20, $0xb8;
	[tilespmem:$0x1D1F0] =	vst v63  }
0x17f: {  	_ = 	snop  }
0x180: {  	[spmem:s8] =	stream.indirect.scatter.add.f32 [tilespmem:s12], [sflag:$0x4], $0x10, s4, s20, $0xb8;
	[tilespmem:$0x1D1F0] =	vst v63  }
0x181: {  	_ =	swait.ge [sflag:s5], $0x208  }
0x182: {  	[sflag:s5] =	ssyncset.done $0x0  }
0x183: {  	[sflag:s5] =	ssyncadd.s32 $0xFFFFFDF8  }
0x184: {  	_ =	swait.ge [sflag:s6], $0x208  }
0x185: {  	[sflag:s6] =	ssyncset.done $0x0  }
0x186: {  	[sflag:s6] =	ssyncadd.s32 $0xFFFFFDF8  }
0x187: {  	_ =	swait.ge [sflag:s30], $0x3200  }
0x188: {  	[sflag:s30] =	ssyncset.done $0x0  }
0x189: {  	[sflag:s30] =	ssyncadd.s32 $0xFFFFCE00  }
0x18a: {  	_ =	swait.ge [sflag:s30], $0x640  }
0x18b: {  	[sflag:s30] =	ssyncset.done $0x0  }
0x18c: {  	[sflag:s30] =	ssyncadd.s32 $0xFFFFF9C0  }
0x18d: {  	[tilespmem:s23], [sflag:$0x2] =	stream.indirect.gather [hbm4b:s10+s20], $0x80, s18, s20, $0xb8;
	[tilespmem:$0x1D1F0] =	vst v63  }
0x18e: {  	_ =	swait.ge [sflag:s24], $0x3200  }
0x18f: {  	[sflag:s24] =	ssyncset.done $0x0  }
0x190: {  	[sflag:s24] =	ssyncadd.s32 $0xFFFFCE00  }
0x191: {  	[spmem:s9] =	stream.indirect.scatter.add.f32 [tilespmem:s21], [sflag:$0x3], $0x80, s7, s20, $0xb8;
	[tilespmem:$0x1D1F0] =	vst v63  }
0x192: {  	_ = 	snop  }
0x193: {  	[spmem:s8] =	stream.indirect.scatter.add.f32 [tilespmem:s12], [sflag:$0x3], $0x10, s7, s20, $0xb8;
	[tilespmem:$0x1D1F0] =	vst v63  }
0x194: {  	_ =	swait.ge [sflag:s25], $0x3200  }
0x195: {  	[sflag:s25] =	ssyncset.done $0x0  }
0x196: {  	[sflag:s25] =	ssyncadd.s32 $0xFFFFCE00  }
0x197: {  	_ =	swait.ge [sflag:s25], $0x640  }
0x198: {  	[sflag:s25] =	ssyncset.done $0x0  }
0x199: {  	s18 =	simm.s32 $0x270;
	[sflag:s25] =	ssyncadd.s32 $0xFFFFF9C0  }
0x19a: {  	[tilespmem:s21], [sflag:$0x1] =	stream.indirect.gather [hbm4b:s10+s20], $0x80, s18, s20, $0xb8;
	[tilespmem:$0x1D1F0] =	vst v63  }
0x19b: {  	s14 =	smov.u32 s13;
	_ =	swait.ge [sflag:s28], $0x3200  }
0x19c: {  	s14 =	smin.u32 s14, $0x25;
	[sflag:s28] =	ssyncset.done $0x0;
	s4 =	rddreg [dreg:$0x6]  }
0x19d: {  	[sflag:s28] =	ssyncadd.s32 $0xFFFFCE00;
	s14 =	sadd.s32 s14, s4  }
0x19e: {  	[spmem:s9] =	stream.indirect.scatter.add.f32 [tilespmem:s23], [sflag:$0x4], $0x80, s19, s20, $0xb8;
	[tilespmem:$0x1D1F0] =	vst v63  }
0x19f: {  	s14 =	smul.u32 $0x41, s14  }
0x1a0: {  	[spmem:s8] =	stream.indirect.scatter.add.f32 [tilespmem:s12], [sflag:$0x4], $0x10, s19, s20, $0xb8;
	[tilespmem:$0x1D1F0] =	vst v63  }
0x1a1: {  	s4 =	sadd.s32 s29, s14  }
0x1a2: {  	[tilespmem:s11], [sflag:$0x5] =	stream.linear.gather [hbm4b:s4+s11], $0x208, $0x38;
	[tilespmem:$0x1D1F0] =	vst v63  }
0x1a3: {  	s14 =	sadd.s32 s0, s14  }
0x1a4: {  	[tilespmem:s15], [sflag:$0x7] =	stream.linear.gather [hbm4b:s14+s11], $0x208, $0x38;
	[tilespmem:$0x1D1F0] =	vst v63  }
0x1a5: {  	_ =	swait.ge [sflag:s30], $0x3200  }
0x1a6: {  	[sflag:s30] =	ssyncset.done $0x0  }
0x1a7: {  	[sflag:s30] =	ssyncadd.s32 $0xFFFFCE00  }
0x1a8: {  	_ =	swait.ge [sflag:s30], $0x640  }
0x1a9: {  	[sflag:s30] =	ssyncset.done $0x0  }
0x1aa: {  	s18 =	simm.s32 $0x2D8;
	[sflag:s30] =	ssyncadd.s32 $0xFFFFF9C0  }
0x1ab: {  	[tilespmem:s23], [sflag:$0x2] =	stream.indirect.gather [hbm4b:s10+s20], $0x80, s18, s20, $0xb8;
	[tilespmem:$0x1D1F0] =	vst v63  }
0x1ac: {  	_ =	swait.ge [sflag:s24], $0x3200  }
0x1ad: {  	[sflag:s24] =	ssyncset.done $0x0  }
0x1ae: {  	[sflag:s24] =	ssyncadd.s32 $0xFFFFCE00  }
0x1af: {  	[spmem:s9] =	stream.indirect.scatter.add.f32 [tilespmem:s21], [sflag:$0x3], $0x80, s22, s20, $0xb8;
	[tilespmem:$0x1D1F0] =	vst v63  }
0x1b0: {  	_ = 	snop  }
0x1b1: {  	[spmem:s8] =	stream.indirect.scatter.add.f32 [tilespmem:s12], [sflag:$0x3], $0x10, s22, s20, $0xb8;
	[tilespmem:$0x1D1F0] =	vst v63  }
0x1b2: {  	_ =	swait.ge [sflag:s25], $0x3200  }
0x1b3: {  	[sflag:s25] =	ssyncset.done $0x0  }
0x1b4: {  	[sflag:s25] =	ssyncadd.s32 $0xFFFFCE00  }
0x1b5: {  	_ =	swait.ge [sflag:s25], $0x640  }
0x1b6: {  	[sflag:s25] =	ssyncset.done $0x0  }
0x1b7: {  	s14 =	simm.s32 $0x340;
	[sflag:s25] =	ssyncadd.s32 $0xFFFFF9C0  }
0x1b8: {  	[tilespmem:s21], [sflag:$0x1] =	stream.indirect.gather [hbm4b:s10+s20], $0x80, s14, s20, $0xb8;
	[tilespmem:$0x1D1F0] =	vst v63  }
0x1b9: {  	_ =	swait.ge [sflag:s28], $0x3200  }
0x1ba: {  	[sflag:s28] =	ssyncset.done $0x0  }
0x1bb: {  	[sflag:s28] =	ssyncadd.s32 $0xFFFFCE00  }
0x1bc: {  	[spmem:s9] =	stream.indirect.scatter.add.f32 [tilespmem:s23], [sflag:$0x4], $0x80, s31, s20, $0xb8;
	[tilespmem:$0x1D1F0] =	vst v63  }
0x1bd: {  	_ = 	snop  }
0x1be: {  	[spmem:s8] =	stream.indirect.scatter.add.f32 [tilespmem:s12], [sflag:$0x4], $0x10, s31, s20, $0xb8;
	[tilespmem:$0x1D1F0] =	vst v63  }
0x1bf: {  	_ =	swait.ge [sflag:s30], $0x3200  }
0x1c0: {  	[sflag:s30] =	ssyncset.done $0x0  }
0x1c1: {  	[sflag:s30] =	ssyncadd.s32 $0xFFFFCE00  }
0x1c2: {  	_ =	swait.ge [sflag:s30], $0x640  }
0x1c3: {  	[sflag:s30] =	ssyncset.done $0x0  }
0x1c4: {  	p0 =	sne.s32 s13, $0x26;
	s18 =	simm.s32 $0x3A8;
	[sflag:s30] =	ssyncadd.s32 $0xFFFFF9C0  }
0x1c5: {  	[tilespmem:s23], [sflag:$0x2] =	stream.indirect.gather [hbm4b:s10+s20], $0x80, s18, s20, $0xb8;
	[tilespmem:$0x1D1F0] =	vst v63  }
.Ltmp0:
0x1c6: {  	_ = 	snop;
	(pc) =	sbr.rel @p0 .LBB2_1-.Ltmp0, $4  }
0x1c7: {  	_ =	swait.ge [sflag:s24], $0x3200  }
0x1c8: {  	s13 =	sadd.s32 $0x2, s13;
	[sflag:s24] =	ssyncset.done $0x0  }
0x1c9: {  	s26 =	sadd.s32 $0x82, s26;
	s2 =	sadd.s32 $0x82, s2;
	[sflag:s24] =	ssyncadd.s32 $0xFFFFCE00  }
0x1ca: {  	[spmem:s9] =	stream.indirect.scatter.add.f32 [tilespmem:s21], [sflag:$0x3], $0x80, s1, s20, $0xb8;
	[tilespmem:$0x1D1F0] =	vst v63  }
0x1cb: {  	[spmem:s8] =	stream.indirect.scatter.add.f32 [tilespmem:s12], [sflag:$0x3], $0x10, s1, s20, $0xb8;
	[tilespmem:$0x1D1F0] =	vst v63  }
0x1cc: {  	s0 =	simm.s32 $0x2  }
0x1cd: {  	_ =	swait.ge [sflag:s0], $0x3200  }
0x1ce: {  	s17 =	simm.s32 $0x64;
	[sflag:s0] =	ssyncset.done $0x0  }
0x1cf: {  	s18 =	simm.s32 $0x7B8;
	s2 =	simm.s32 $0x3A20;
	[sflag:s0] =	ssyncadd.s32 $0xFFFFCE00  }
0x1d0: {  	[spmem:s9] =	stream.indirect.scatter.add.f32 [tilespmem:s2], [sflag:$0x4], $0x80, s18, s17, $0xb8;
	[tilespmem:$0x1D1F0] =	vst v63  }
0x1d1: {  	s19 =	simm.s32 $0x6C20;
	s20 =	simm.s32 $0x3  }
0x1d2: {  	[spmem:s8] =	stream.indirect.scatter.add.f32 [tilespmem:s19], [sflag:$0x4], $0x10, s18, s17, $0xb8;
	[tilespmem:$0x1D1F0] =	vst v63  }
0x1d3: {  	_ =	swait.ge [sflag:s20], $0x3200  }
0x1d4: {  	[sflag:s20] =	ssyncset.done $0x0  }
0x1d5: {  	[sflag:s20] =	ssyncadd.s32 $0xFFFFCE00  }
0x1d6: {  	_ =	swait.ge [sflag:s20], $0x640  }
0x1d7: {  	[sflag:s20] =	ssyncset.done $0x0  }
0x1d8: {  	s21 =	simm.s32 $0x4;
	[sflag:s20] =	ssyncadd.s32 $0xFFFFF9C0  }
0x1d9: {  	_ =	swait.ge [sflag:s21], $0x3200  }
0x1da: {  	[sflag:s21] =	ssyncset.done $0x0  }
0x1db: {  	[sflag:s21] =	ssyncadd.s32 $0xFFFFCE00  }
0x1dc: {  	_ =	swait.ge [sflag:s21], $0x640  }
0x1dd: {  	[sflag:s21] =	ssyncset.done $0x0  }
0x1de: {  	s22 =	simm.s32 $0x5;
	[sflag:s21] =	ssyncadd.s32 $0xFFFFF9C0  }
0x1df: {  	_ =	swait.ge [sflag:s22], $0x208  }
0x1e0: {  	[sflag:s22] =	ssyncset.done $0x0  }
0x1e1: {  	s23 =	simm.s32 $0x7;
	[sflag:s22] =	ssyncadd.s32 $0xFFFFFDF8  }
0x1e2: {  	_ =	swait.ge [sflag:s23], $0x208  }
0x1e3: {  	[sflag:s23] =	ssyncset.done $0x0  }
0x1e4: {  	s24 =	rddreg [dreg:$0x8];
	[sflag:s23] =	ssyncadd.s32 $0xFFFFFDF8  }
0x1e5: {  	s0 =	rddreg [dreg:$0x2];
	[bflag:$0x0] =	sbarrier.arrive $0xFFFF  }
0x1e6: {  	s1 =	sshrl.u32 s24, $0x3;
	s25 =	rddreg [dreg:$0x7]  }
0x1e7: {  	s28 =	simm.s32 $0x9;
	s0 =	sadd.s32 s0, s1;
	s26 =	rddreg [dreg:$0xa]  }
0x1e8: {  	[hbm:s0], [sflag:s25] =	dma.local [spmem:s26], $0x2710  }
0x1e9: {  	_ =	swait.ge [sflag:s28], $0x2710  }
0x1ea: {  	s29 =	rddreg [dreg:$0x9]  }
0x1eb: {  	[sflag:s28] =	ssyncset.done $0x0;
	s3 =	rddreg [dreg:$0xc];
	s1 =	sshrl.u32 s29, $0x3  }
0x1ec: {  	s30 =	rddreg [dreg:$0xb];
	[sflag:s28] =	ssyncadd.s32 $0xFFFFD8F0;
	s1 =	sadd.s32 s3, s1  }
0x1ed: {  	[hbm:s1], [sflag:s25] =	dma.local [spmem:s30], $0x4E2  }
0x1ee: {  	_ =	swait.ge [sflag:s28], $0x4E2  }
0x1ef: {  	[sflag:s28] =	ssyncset.done $0x0  }
0x1f0: {  	[sflag:s28] =	ssyncadd.s32 $0xFFFFFB1E  }
0x1f1: {  	_ =	sfence.sel $0x180000  }
0x1f2: {  	[bflag:$0x0] =	sbarrier.arrive $0xFFFF  }
0x1f3: {  	_ =	strace $0x90000047  }
0x1f4: {  	s31 =	stileid.u32;
	[bflag:$0x2] =	sbarrier.arrive $0xFFFF  }
0x1f5: {  	p0 =	sne.s32 s31, $0x0;
	s0 =	rddreg [dreg:$0x5]  }
0x1f6: {  	s0 =	sadd.s32 @!p0 $0x100000, s0  }
0x1f7: {  	[sflag:s0] =	ssyncadd.tile.s32 @!p0 $0x1;
	_ =	shalt  }
.Lfunc_end2:
_tile_overlayer_lowered:
.L_overlay_start_2:
0x1f8: {  	(tag) =	ssettag $0x2  }
0x1f9: {  	s0 =	rddreg [dreg:$0x0];
	s2 =	stileid.u32  }
0x1fa: {  	s1 =	rddreg [dreg:$0x1];
	p0 =	sne.s32 s2, $0x0  }
0x1fb: {  	s3 =	rddreg [dreg:$0x2];
	[bflag:$0x3] =	sbarrier.arrive $0xFFFF;
	s2 =	simm.s32 @!p0 $0x1C09  }
0x1fc: {  	[timem:s3], [sflag:s2] =	dma.local @!p0 [hbm:s0], s1  }
0x1fd: {  	s0 =	simm.s32 @!p0 $0x9  }
0x1fe: {  	_ =	swait.ge @!p0 [sflag:s0], s1  }
0x1ff: {  	s1 =	ssub.s32 @!p0 $0x0, s1;
	[sflag:s0] =	ssyncset.done @!p0 $0x0  }
0x200: {  	[sflag:s0] =	ssyncadd.s32 @!p0 s1  }
0x201: {  	[bflag:$0x3] =	sbarrier.arrive $0xFFFF  }
0x202: {  	_ =	shalt  }

</sc_bundles>
